<compile_context>
chip_gen: v7x
topology: tpu7x:2x2x1
jax: 0.10.2.dev20260603
libtpu: 0.0.44.dev20260713+nightly
codegen_flags: <defaults>
</compile_context>

<pallas_src>
import jax
import jax.numpy as jnp
from jax import lax
from jax.experimental import pallas as pl
from jax.experimental.pallas import tpu as pltpu
from jax.experimental.pallas import tpu_sc as plsc


_K = 25
_TNBUF = 6
_TDELAY = 2


def _tc_copy_body(ei_ref, ei_out, ei_buf, s_in, s_out):
    re_ = ei_ref.shape[0] // _K

    def in_copy(k):
        s = k % _TNBUF
        return pltpu.make_async_copy(
            ei_ref.at[pl.ds(k * re_, re_), :], ei_buf.at[s], s_in.at[s])

    def out_copy(k):
        s = k % _TNBUF
        return pltpu.make_async_copy(
            ei_buf.at[s], ei_out.at[pl.ds(k * re_, re_), :], s_out.at[s])

    for k in range(min(_TNBUF, _K)):
        in_copy(k).start()
    for k in range(_K):
        in_copy(k).wait()
        out_copy(k).start()
        j = k - _TDELAY
        if j >= 0 and j + _TNBUF < _K:
            out_copy(j).wait()
            in_copy(j + _TNBUF).start()
    for j in range(max(0, _K - _TNBUF), _K):
        out_copy(j).wait()


def _tc_copy(ei2):
    re_ = ei2.shape[0] // _K
    return pl.pallas_call(
        _tc_copy_body,
        in_specs=(pl.BlockSpec(memory_space=pl.ANY),),
        out_specs=pl.BlockSpec(memory_space=pl.ANY),
        out_shape=jax.ShapeDtypeStruct(ei2.shape, ei2.dtype),
        scratch_shapes=(
            pltpu.VMEM((_TNBUF, re_, 128), ei2.dtype),
            pltpu.SemaphoreType.DMA((_TNBUF,)),
            pltpu.SemaphoreType.DMA((_TNBUF,)),
        ),
        compiler_params=pltpu.CompilerParams(
            vmem_limit_bytes=60 * 1024 * 1024,
        ),
    )(ei2)



_NC = 2
_EW_R = 6400000 // 128
_EW_PC = _EW_R // _NC
_STEPS = 25
_SNBUF = 4
_SDELAY = 2
_EW_CH = _EW_PC // _STEPS


def _sc_copy_body(ew_in, ew_out, b0, b1, b2, b3, s_in, s_out):
    cid = lax.axis_index("c")
    base = cid * _EW_PC
    bufs = (b0, b1, b2, b3)

    def copies(t):
        b = t % _SNBUF
        sl = pl.ds(base + t * _EW_CH, _EW_CH)
        return (
            pltpu.make_async_copy(ew_in.at[sl], bufs[b], s_in.at[b]),
            pltpu.make_async_copy(bufs[b], ew_out.at[sl], s_out.at[b]),
        )

    for c in range(min(_SNBUF, _STEPS)):
        cin, _ = copies(c)
        cin.start()
    for t in range(_STEPS):
        j = t - _SDELAY
        if j >= 0 and j + _SNBUF < _STEPS:
            _, pout = copies(j)
            pout.wait()
            nin, _ = copies(j + _SNBUF)
            nin.start()
        cin, cout = copies(t)
        cin.wait()
        cout.start()
    for t in range(max(0, _STEPS - _SNBUF), _STEPS):
        _, cout = copies(t)
        cout.wait()


_sc_copy = pl.kernel(
    _sc_copy_body,
    out_type=jax.ShapeDtypeStruct((_EW_R, 128), jnp.float32),
    mesh=plsc.ScalarSubcoreMesh(axis_name="c", num_cores=_NC),
    scratch_types=(
        pltpu.VMEM_SHARED((_EW_CH, 128), jnp.float32),
        pltpu.VMEM_SHARED((_EW_CH, 128), jnp.float32),
        pltpu.VMEM_SHARED((_EW_CH, 128), jnp.float32),
        pltpu.VMEM_SHARED((_EW_CH, 128), jnp.float32),
        pltpu.SemaphoreType.DMA((_SNBUF,)),
        pltpu.SemaphoreType.DMA((_SNBUF,)),
    ),
)


def kernel(ei, ew):
    ei2 = ei.reshape(ei.size // 128, 128)
    ew2 = ew.reshape(_EW_R, 128)
    ei_c = _tc_copy(ei2)
    ew_c = _sc_copy(ew2)
    return ei_c.reshape(ei.shape), ew_c.reshape(ew.shape)

# --- scband reference (transcript-rebuilt; emitter-appended) ---
"""Pipeline reference for scband-drop-edge-6365141532816 (READ-ONLY COPY).

The authoritative reference and input builder live on the scoring server;
editing this copy changes nothing except your own understanding.
"""

import jax, jax.numpy as jnp
import numpy as np

N_NODES = 100000
N_EDGES = 6400000


def setup_inputs(seed: int = 0) -> dict:
    key = jax.random.key(seed)
    k1, k2 = jax.random.split(key)
    ei = jax.random.randint(k1, (2, N_EDGES), 0, N_NODES, dtype=jnp.int64) if jax.config.jax_enable_x64 else jax.random.randint(k1, (2, N_EDGES), 0, N_NODES, dtype=jnp.int32)
    ew = jax.random.normal(k2, (N_EDGES,), dtype=jnp.float32)
    return {"ei": ei, "ew": ew}


def reference(ei, ew):
    # DropEdge in eval mode (module.training == False): identity pass-through.
    # (In training mode with p>0 the torch module stochastically drops edges,
    # producing a data-dependent shape; eval-mode behavior is deterministic.)
    return (ei, ew)

if __name__ == "__main__":
    import jax
    _d = setup_inputs()
    print(jax.jit(kernel)(*tuple(_d.values())))

</pallas_src>

<mosaic_0001>
#map = affine_map<(d0) -> (0, 0)>
module attributes {stable_mosaic.version = 14 : i64} {
  func.func @_sc_copy_body(%arg0: i32, %arg1: memref<50000x128xf32, #tpu.memory_space<hbm>>, %arg2: memref<50000x128xf32, #tpu.memory_space<hbm>>, %arg3: memref<1000x128xf32, #tpu.memory_space<vmem_shared>>, %arg4: memref<1000x128xf32, #tpu.memory_space<vmem_shared>>, %arg5: memref<1000x128xf32, #tpu.memory_space<vmem_shared>>, %arg6: memref<1000x128xf32, #tpu.memory_space<vmem_shared>>, %arg7: memref<4x!tpu.dma_semaphore, #tpu.memory_space<semaphore_mem>>, %arg8: memref<4x!tpu.dma_semaphore, #tpu.memory_space<semaphore_mem>>) attributes {dimension_semantics = [#tpu.dimension_semantics<core_parallel>], iteration_bounds = array<i64: 2>, scalar_prefetch = 0 : i64, scratch_operands = 6 : i64, tpu.core_type = #tpu.core_type<sc_scalar_subcore>, window_params = [{transform_indices = #map}, {transform_indices = #map}]} {
    %mul3A = arith.constant 25000 : i32
    %mul3A_0 = arith.muli %arg0, %mul3A : i32
    %add3A = arith.constant 0 : i32
    %add3A_1 = arith.addi %mul3A_0, %add3A : i32
    %dma_start3A = arith.constant 0 : i32
    %dma_start3A_2 = tpu.memref_slice %arg7[%dma_start3A] : memref<4x!tpu.dma_semaphore, #tpu.memory_space<semaphore_mem>> -> memref<1x!tpu.dma_semaphore, #tpu.memory_space<semaphore_mem>>
    %dma_start3A_3 = tpu.memref_squeeze %dma_start3A_2 : memref<1x!tpu.dma_semaphore, #tpu.memory_space<semaphore_mem>> -> memref<!tpu.dma_semaphore, #tpu.memory_space<semaphore_mem>>
    %dma_start3A_4 = arith.constant 0 : i32
    %dma_start3A_5 = tpu.memref_slice %arg1[%add3A_1, %dma_start3A_4] : memref<50000x128xf32, #tpu.memory_space<hbm>> -> memref<1000x128xf32, #tpu.memory_space<hbm>>
    tpu.enqueue_dma source(%dma_start3A_5 : memref<1000x128xf32, #tpu.memory_space<hbm>>) target(%arg3 : memref<1000x128xf32, #tpu.memory_space<vmem_shared>>) target_semaphore(%dma_start3A_3 : memref<!tpu.dma_semaphore, #tpu.memory_space<semaphore_mem>>)
    %add3A_6 = arith.constant 1000 : i32
    %add3A_7 = arith.addi %mul3A_0, %add3A_6 : i32
    %dma_start3A_8 = arith.constant 1 : i32
    %dma_start3A_9 = tpu.memref_slice %arg7[%dma_start3A_8] : memref<4x!tpu.dma_semaphore, #tpu.memory_space<semaphore_mem>> -> memref<1x!tpu.dma_semaphore, #tpu.memory_space<semaphore_mem>>
    %dma_start3A_10 = tpu.memref_squeeze %dma_start3A_9 : memref<1x!tpu.dma_semaphore, #tpu.memory_space<semaphore_mem>> -> memref<!tpu.dma_semaphore, #tpu.memory_space<semaphore_mem>>
    %dma_start3A_11 = arith.constant 0 : i32
    %dma_start3A_12 = tpu.memref_slice %arg1[%add3A_7, %dma_start3A_11] : memref<50000x128xf32, #tpu.memory_space<hbm>> -> memref<1000x128xf32, #tpu.memory_space<hbm>>
    tpu.enqueue_dma source(%dma_start3A_12 : memref<1000x128xf32, #tpu.memory_space<hbm>>) target(%arg4 : memref<1000x128xf32, #tpu.memory_space<vmem_shared>>) target_semaphore(%dma_start3A_10 : memref<!tpu.dma_semaphore, #tpu.memory_space<semaphore_mem>>)
    %add3A_13 = arith.constant 2000 : i32
    %add3A_14 = arith.addi %mul3A_0, %add3A_13 : i32
    %dma_start3A_15 = arith.constant 2 : i32
    %dma_start3A_16 = tpu.memref_slice %arg7[%dma_start3A_15] : memref<4x!tpu.dma_semaphore, #tpu.memory_space<semaphore_mem>> -> memref<1x!tpu.dma_semaphore, #tpu.memory_space<semaphore_mem>>
    %dma_start3A_17 = tpu.memref_squeeze %dma_start3A_16 : memref<1x!tpu.dma_semaphore, #tpu.memory_space<semaphore_mem>> -> memref<!tpu.dma_semaphore, #tpu.memory_space<semaphore_mem>>
    %dma_start3A_18 = arith.constant 0 : i32
    %dma_start3A_19 = tpu.memref_slice %arg1[%add3A_14, %dma_start3A_18] : memref<50000x128xf32, #tpu.memory_space<hbm>> -> memref<1000x128xf32, #tpu.memory_space<hbm>>
    tpu.enqueue_dma source(%dma_start3A_19 : memref<1000x128xf32, #tpu.memory_space<hbm>>) target(%arg5 : memref<1000x128xf32, #tpu.memory_space<vmem_shared>>) target_semaphore(%dma_start3A_17 : memref<!tpu.dma_semaphore, #tpu.memory_space<semaphore_mem>>)
    %add3A_20 = arith.constant 3000 : i32
    %add3A_21 = arith.addi %mul3A_0, %add3A_20 : i32
    %dma_start3A_22 = arith.constant 3 : i32
    %dma_start3A_23 = tpu.memref_slice %arg7[%dma_start3A_22] : memref<4x!tpu.dma_semaphore, #tpu.memory_space<semaphore_mem>> -> memref<1x!tpu.dma_semaphore, #tpu.memory_space<semaphore_mem>>
    %dma_start3A_24 = tpu.memref_squeeze %dma_start3A_23 : memref<1x!tpu.dma_semaphore, #tpu.memory_space<semaphore_mem>> -> memref<!tpu.dma_semaphore, #tpu.memory_space<semaphore_mem>>
    %dma_start3A_25 = arith.constant 0 : i32
    %dma_start3A_26 = tpu.memref_slice %arg1[%add3A_21, %dma_start3A_25] : memref<50000x128xf32, #tpu.memory_space<hbm>> -> memref<1000x128xf32, #tpu.memory_space<hbm>>
    tpu.enqueue_dma source(%dma_start3A_26 : memref<1000x128xf32, #tpu.memory_space<hbm>>) target(%arg6 : memref<1000x128xf32, #tpu.memory_space<vmem_shared>>) target_semaphore(%dma_start3A_24 : memref<!tpu.dma_semaphore, #tpu.memory_space<semaphore_mem>>)
    %add3A_27 = arith.constant 0 : i32
    %add3A_28 = arith.addi %mul3A_0, %add3A_27 : i32
    %dma_wait3A = arith.constant 0 : i32
    %dma_wait3A_29 = tpu.memref_slice %arg7[%dma_wait3A] : memref<4x!tpu.dma_semaphore, #tpu.memory_space<semaphore_mem>> -> memref<1x!tpu.dma_semaphore, #tpu.memory_space<semaphore_mem>>
    %dma_wait3A_30 = tpu.memref_squeeze %dma_wait3A_29 : memref<1x!tpu.dma_semaphore, #tpu.memory_space<semaphore_mem>> -> memref<!tpu.dma_semaphore, #tpu.memory_space<semaphore_mem>>
    %dma_wait3A_31 = arith.constant 0 : i32
    %dma_wait3A_32 = tpu.memref_slice %arg1[%add3A_28, %dma_wait3A_31] : memref<50000x128xf32, #tpu.memory_space<hbm>> -> memref<1000x128xf32, #tpu.memory_space<hbm>>
    tpu.wait_dma2 semaphore(%dma_wait3A_30 : memref<!tpu.dma_semaphore, #tpu.memory_space<semaphore_mem>>) src(%dma_wait3A_32 : memref<1000x128xf32, #tpu.memory_space<hbm>>) dst(%arg3 : memref<1000x128xf32, #tpu.memory_space<vmem_shared>>)
    %dma_start3A_33 = arith.constant 0 : i32
    %dma_start3A_34 = tpu.memref_slice %arg8[%dma_start3A_33] : memref<4x!tpu.dma_semaphore, #tpu.memory_space<semaphore_mem>> -> memref<1x!tpu.dma_semaphore, #tpu.memory_space<semaphore_mem>>
    %dma_start3A_35 = tpu.memref_squeeze %dma_start3A_34 : memref<1x!tpu.dma_semaphore, #tpu.memory_space<semaphore_mem>> -> memref<!tpu.dma_semaphore, #tpu.memory_space<semaphore_mem>>
    %dma_start3A_36 = arith.constant 0 : i32
    %dma_start3A_37 = tpu.memref_slice %arg2[%add3A_28, %dma_start3A_36] : memref<50000x128xf32, #tpu.memory_space<hbm>> -> memref<1000x128xf32, #tpu.memory_space<hbm>>
    tpu.enqueue_dma source(%arg3 : memref<1000x128xf32, #tpu.memory_space<vmem_shared>>) target(%dma_start3A_37 : memref<1000x128xf32, #tpu.memory_space<hbm>>) target_semaphore(%dma_start3A_35 : memref<!tpu.dma_semaphore, #tpu.memory_space<semaphore_mem>>)
    %add3A_38 = arith.constant 1000 : i32
    %add3A_39 = arith.addi %mul3A_0, %add3A_38 : i32
    %dma_wait3A_40 = arith.constant 1 : i32
    %dma_wait3A_41 = tpu.memref_slice %arg7[%dma_wait3A_40] : memref<4x!tpu.dma_semaphore, #tpu.memory_space<semaphore_mem>> -> memref<1x!tpu.dma_semaphore, #tpu.memory_space<semaphore_mem>>
    %dma_wait3A_42 = tpu.memref_squeeze %dma_wait3A_41 : memref<1x!tpu.dma_semaphore, #tpu.memory_space<semaphore_mem>> -> memref<!tpu.dma_semaphore, #tpu.memory_space<semaphore_mem>>
    %dma_wait3A_43 = arith.constant 0 : i32
    %dma_wait3A_44 = tpu.memref_slice %arg1[%add3A_39, %dma_wait3A_43] : memref<50000x128xf32, #tpu.memory_space<hbm>> -> memref<1000x128xf32, #tpu.memory_space<hbm>>
    tpu.wait_dma2 semaphore(%dma_wait3A_42 : memref<!tpu.dma_semaphore, #tpu.memory_space<semaphore_mem>>) src(%dma_wait3A_44 : memref<1000x128xf32, #tpu.memory_space<hbm>>) dst(%arg4 : memref<1000x128xf32, #tpu.memory_space<vmem_shared>>)
    %dma_start3A_45 = arith.constant 1 : i32
    %dma_start3A_46 = tpu.memref_slice %arg8[%dma_start3A_45] : memref<4x!tpu.dma_semaphore, #tpu.memory_space<semaphore_mem>> -> memref<1x!tpu.dma_semaphore, #tpu.memory_space<semaphore_mem>>
    %dma_start3A_47 = tpu.memref_squeeze %dma_start3A_46 : memref<1x!tpu.dma_semaphore, #tpu.memory_space<semaphore_mem>> -> memref<!tpu.dma_semaphore, #tpu.memory_space<semaphore_mem>>
    %dma_start3A_48 = arith.constant 0 : i32
    %dma_start3A_49 = tpu.memref_slice %arg2[%add3A_39, %dma_start3A_48] : memref<50000x128xf32, #tpu.memory_space<hbm>> -> memref<1000x128xf32, #tpu.memory_space<hbm>>
    tpu.enqueue_dma source(%arg4 : memref<1000x128xf32, #tpu.memory_space<vmem_shared>>) target(%dma_start3A_49 : memref<1000x128xf32, #tpu.memory_space<hbm>>) target_semaphore(%dma_start3A_47 : memref<!tpu.dma_semaphore, #tpu.memory_space<semaphore_mem>>)
    %add3A_50 = arith.constant 0 : i32
    %add3A_51 = arith.addi %mul3A_0, %add3A_50 : i32
    %dma_wait3A_52 = arith.constant 0 : i32
    %dma_wait3A_53 = tpu.memref_slice %arg8[%dma_wait3A_52] : memref<4x!tpu.dma_semaphore, #tpu.memory_space<semaphore_mem>> -> memref<1x!tpu.dma_semaphore, #tpu.memory_space<semaphore_mem>>
    %dma_wait3A_54 = tpu.memref_squeeze %dma_wait3A_53 : memref<1x!tpu.dma_semaphore, #tpu.memory_space<semaphore_mem>> -> memref<!tpu.dma_semaphore, #tpu.memory_space<semaphore_mem>>
    %dma_wait3A_55 = arith.constant 0 : i32
    %dma_wait3A_56 = tpu.memref_slice %arg2[%add3A_51, %dma_wait3A_55] : memref<50000x128xf32, #tpu.memory_space<hbm>> -> memref<1000x128xf32, #tpu.memory_space<hbm>>
    tpu.wait_dma2 semaphore(%dma_wait3A_54 : memref<!tpu.dma_semaphore, #tpu.memory_space<semaphore_mem>>) src(%arg3 : memref<1000x128xf32, #tpu.memory_space<vmem_shared>>) dst(%dma_wait3A_56 : memref<1000x128xf32, #tpu.memory_space<hbm>>)
    %add3A_57 = arith.constant 4000 : i32
    %add3A_58 = arith.addi %mul3A_0, %add3A_57 : i32
    %dma_start3A_59 = arith.constant 0 : i32
    %dma_start3A_60 = tpu.memref_slice %arg7[%dma_start3A_59] : memref<4x!tpu.dma_semaphore, #tpu.memory_space<semaphore_mem>> -> memref<1x!tpu.dma_semaphore, #tpu.memory_space<semaphore_mem>>
    %dma_start3A_61 = tpu.memref_squeeze %dma_start3A_60 : memref<1x!tpu.dma_semaphore, #tpu.memory_space<semaphore_mem>> -> memref<!tpu.dma_semaphore, #tpu.memory_space<semaphore_mem>>
    %dma_start3A_62 = arith.constant 0 : i32
    %dma_start3A_63 = tpu.memref_slice %arg1[%add3A_58, %dma_start3A_62] : memref<50000x128xf32, #tpu.memory_space<hbm>> -> memref<1000x128xf32, #tpu.memory_space<hbm>>
    tpu.enqueue_dma source(%dma_start3A_63 : memref<1000x128xf32, #tpu.memory_space<hbm>>) target(%arg3 : memref<1000x128xf32, #tpu.memory_space<vmem_shared>>) target_semaphore(%dma_start3A_61 : memref<!tpu.dma_semaphore, #tpu.memory_space<semaphore_mem>>)
    %add3A_64 = arith.constant 2000 : i32
    %add3A_65 = arith.addi %mul3A_0, %add3A_64 : i32
    %dma_wait3A_66 = arith.constant 2 : i32
    %dma_wait3A_67 = tpu.memref_slice %arg7[%dma_wait3A_66] : memref<4x!tpu.dma_semaphore, #tpu.memory_space<semaphore_mem>> -> memref<1x!tpu.dma_semaphore, #tpu.memory_space<semaphore_mem>>
    %dma_wait3A_68 = tpu.memref_squeeze %dma_wait3A_67 : memref<1x!tpu.dma_semaphore, #tpu.memory_space<semaphore_mem>> -> memref<!tpu.dma_semaphore, #tpu.memory_space<semaphore_mem>>
    %dma_wait3A_69 = arith.constant 0 : i32
    %dma_wait3A_70 = tpu.memref_slice %arg1[%add3A_65, %dma_wait3A_69] : memref<50000x128xf32, #tpu.memory_space<hbm>> -> memref<1000x128xf32, #tpu.memory_space<hbm>>
    tpu.wait_dma2 semaphore(%dma_wait3A_68 : memref<!tpu.dma_semaphore, #tpu.memory_space<semaphore_mem>>) src(%dma_wait3A_70 : memref<1000x128xf32, #tpu.memory_space<hbm>>) dst(%arg5 : memref<1000x128xf32, #tpu.memory_space<vmem_shared>>)
    %dma_start3A_71 = arith.constant 2 : i32
    %dma_start3A_72 = tpu.memref_slice %arg8[%dma_start3A_71] : memref<4x!tpu.dma_semaphore, #tpu.memory_space<semaphore_mem>> -> memref<1x!tpu.dma_semaphore, #tpu.memory_space<semaphore_mem>>
    %dma_start3A_73 = tpu.memref_squeeze %dma_start3A_72 : memref<1x!tpu.dma_semaphore, #tpu.memory_space<semaphore_mem>> -> memref<!tpu.dma_semaphore, #tpu.memory_space<semaphore_mem>>
    %dma_start3A_74 = arith.constant 0 : i32
    %dma_start3A_75 = tpu.memref_slice %arg2[%add3A_65, %dma_start3A_74] : memref<50000x128xf32, #tpu.memory_space<hbm>> -> memref<1000x128xf32, #tpu.memory_space<hbm>>
    tpu.enqueue_dma source(%arg5 : memref<1000x128xf32, #tpu.memory_space<vmem_shared>>) target(%dma_start3A_75 : memref<1000x128xf32, #tpu.memory_space<hbm>>) target_semaphore(%dma_start3A_73 : memref<!tpu.dma_semaphore, #tpu.memory_space<semaphore_mem>>)
    %add3A_76 = arith.constant 1000 : i32
    %add3A_77 = arith.addi %mul3A_0, %add3A_76 : i32
    %dma_wait3A_78 = arith.constant 1 : i32
    %dma_wait3A_79 = tpu.memref_slice %arg8[%dma_wait3A_78] : memref<4x!tpu.dma_semaphore, #tpu.memory_space<semaphore_mem>> -> memref<1x!tpu.dma_semaphore, #tpu.memory_space<semaphore_mem>>
    %dma_wait3A_80 = tpu.memref_squeeze %dma_wait3A_79 : memref<1x!tpu.dma_semaphore, #tpu.memory_space<semaphore_mem>> -> memref<!tpu.dma_semaphore, #tpu.memory_space<semaphore_mem>>
    %dma_wait3A_81 = arith.constant 0 : i32
    %dma_wait3A_82 = tpu.memref_slice %arg2[%add3A_77, %dma_wait3A_81] : memref<50000x128xf32, #tpu.memory_space<hbm>> -> memref<1000x128xf32, #tpu.memory_space<hbm>>
    tpu.wait_dma2 semaphore(%dma_wait3A_80 : memref<!tpu.dma_semaphore, #tpu.memory_space<semaphore_mem>>) src(%arg4 : memref<1000x128xf32, #tpu.memory_space<vmem_shared>>) dst(%dma_wait3A_82 : memref<1000x128xf32, #tpu.memory_space<hbm>>)
    %add3A_83 = arith.constant 5000 : i32
    %add3A_84 = arith.addi %mul3A_0, %add3A_83 : i32
    %dma_start3A_85 = arith.constant 1 : i32
    %dma_start3A_86 = tpu.memref_slice %arg7[%dma_start3A_85] : memref<4x!tpu.dma_semaphore, #tpu.memory_space<semaphore_mem>> -> memref<1x!tpu.dma_semaphore, #tpu.memory_space<semaphore_mem>>
    %dma_start3A_87 = tpu.memref_squeeze %dma_start3A_86 : memref<1x!tpu.dma_semaphore, #tpu.memory_space<semaphore_mem>> -> memref<!tpu.dma_semaphore, #tpu.memory_space<semaphore_mem>>
    %dma_start3A_88 = arith.constant 0 : i32
    %dma_start3A_89 = tpu.memref_slice %arg1[%add3A_84, %dma_start3A_88] : memref<50000x128xf32, #tpu.memory_space<hbm>> -> memref<1000x128xf32, #tpu.memory_space<hbm>>
    tpu.enqueue_dma source(%dma_start3A_89 : memref<1000x128xf32, #tpu.memory_space<hbm>>) target(%arg4 : memref<1000x128xf32, #tpu.memory_space<vmem_shared>>) target_semaphore(%dma_start3A_87 : memref<!tpu.dma_semaphore, #tpu.memory_space<semaphore_mem>>)
    %add3A_90 = arith.constant 3000 : i32
    %add3A_91 = arith.addi %mul3A_0, %add3A_90 : i32
    %dma_wait3A_92 = arith.constant 3 : i32
    %dma_wait3A_93 = tpu.memref_slice %arg7[%dma_wait3A_92] : memref<4x!tpu.dma_semaphore, #tpu.memory_space<semaphore_mem>> -> memref<1x!tpu.dma_semaphore, #tpu.memory_space<semaphore_mem>>
    %dma_wait3A_94 = tpu.memref_squeeze %dma_wait3A_93 : memref<1x!tpu.dma_semaphore, #tpu.memory_space<semaphore_mem>> -> memref<!tpu.dma_semaphore, #tpu.memory_space<semaphore_mem>>
    %dma_wait3A_95 = arith.constant 0 : i32
    %dma_wait3A_96 = tpu.memref_slice %arg1[%add3A_91, %dma_wait3A_95] : memref<50000x128xf32, #tpu.memory_space<hbm>> -> memref<1000x128xf32, #tpu.memory_space<hbm>>
    tpu.wait_dma2 semaphore(%dma_wait3A_94 : memref<!tpu.dma_semaphore, #tpu.memory_space<semaphore_mem>>) src(%dma_wait3A_96 : memref<1000x128xf32, #tpu.memory_space<hbm>>) dst(%arg6 : memref<1000x128xf32, #tpu.memory_space<vmem_shared>>)
    %dma_start3A_97 = arith.constant 3 : i32
    %dma_start3A_98 = tpu.memref_slice %arg8[%dma_start3A_97] : memref<4x!tpu.dma_semaphore, #tpu.memory_space<semaphore_mem>> -> memref<1x!tpu.dma_semaphore, #tpu.memory_space<semaphore_mem>>
    %dma_start3A_99 = tpu.memref_squeeze %dma_start3A_98 : memref<1x!tpu.dma_semaphore, #tpu.memory_space<semaphore_mem>> -> memref<!tpu.dma_semaphore, #tpu.memory_space<semaphore_mem>>
    %dma_start3A_100 = arith.constant 0 : i32
    %dma_start3A_101 = tpu.memref_slice %arg2[%add3A_91, %dma_start3A_100] : memref<50000x128xf32, #tpu.memory_space<hbm>> -> memref<1000x128xf32, #tpu.memory_space<hbm>>
    tpu.enqueue_dma source(%arg6 : memref<1000x128xf32, #tpu.memory_space<vmem_shared>>) target(%dma_start3A_101 : memref<1000x128xf32, #tpu.memory_space<hbm>>) target_semaphore(%dma_start3A_99 : memref<!tpu.dma_semaphore, #tpu.memory_space<semaphore_mem>>)
    %add3A_102 = arith.constant 2000 : i32
    %add3A_103 = arith.addi %mul3A_0, %add3A_102 : i32
    %dma_wait3A_104 = arith.constant 2 : i32
    %dma_wait3A_105 = tpu.memref_slice %arg8[%dma_wait3A_104] : memref<4x!tpu.dma_semaphore, #tpu.memory_space<semaphore_mem>> -> memref<1x!tpu.dma_semaphore, #tpu.memory_space<semaphore_mem>>
    %dma_wait3A_106 = tpu.memref_squeeze %dma_wait3A_105 : memref<1x!tpu.dma_semaphore, #tpu.memory_space<semaphore_mem>> -> memref<!tpu.dma_semaphore, #tpu.memory_space<semaphore_mem>>
    %dma_wait3A_107 = arith.constant 0 : i32
    %dma_wait3A_108 = tpu.memref_slice %arg2[%add3A_103, %dma_wait3A_107] : memref<50000x128xf32, #tpu.memory_space<hbm>> -> memref<1000x128xf32, #tpu.memory_space<hbm>>
    tpu.wait_dma2 semaphore(%dma_wait3A_106 : memref<!tpu.dma_semaphore, #tpu.memory_space<semaphore_mem>>) src(%arg5 : memref<1000x128xf32, #tpu.memory_space<vmem_shared>>) dst(%dma_wait3A_108 : memref<1000x128xf32, #tpu.memory_space<hbm>>)
    %add3A_109 = arith.constant 6000 : i32
    %add3A_110 = arith.addi %mul3A_0, %add3A_109 : i32
    %dma_start3A_111 = arith.constant 2 : i32
    %dma_start3A_112 = tpu.memref_slice %arg7[%dma_start3A_111] : memref<4x!tpu.dma_semaphore, #tpu.memory_space<semaphore_mem>> -> memref<1x!tpu.dma_semaphore, #tpu.memory_space<semaphore_mem>>
    %dma_start3A_113 = tpu.memref_squeeze %dma_start3A_112 : memref<1x!tpu.dma_semaphore, #tpu.memory_space<semaphore_mem>> -> memref<!tpu.dma_semaphore, #tpu.memory_space<semaphore_mem>>
    %dma_start3A_114 = arith.constant 0 : i32
    %dma_start3A_115 = tpu.memref_slice %arg1[%add3A_110, %dma_start3A_114] : memref<50000x128xf32, #tpu.memory_space<hbm>> -> memref<1000x128xf32, #tpu.memory_space<hbm>>
    tpu.enqueue_dma source(%dma_start3A_115 : memref<1000x128xf32, #tpu.memory_space<hbm>>) target(%arg5 : memref<1000x128xf32, #tpu.memory_space<vmem_shared>>) target_semaphore(%dma_start3A_113 : memref<!tpu.dma_semaphore, #tpu.memory_space<semaphore_mem>>)
    %add3A_116 = arith.constant 4000 : i32
    %add3A_117 = arith.addi %mul3A_0, %add3A_116 : i32
    %dma_wait3A_118 = arith.constant 0 : i32
    %dma_wait3A_119 = tpu.memref_slice %arg7[%dma_wait3A_118] : memref<4x!tpu.dma_semaphore, #tpu.memory_space<semaphore_mem>> -> memref<1x!tpu.dma_semaphore, #tpu.memory_space<semaphore_mem>>
    %dma_wait3A_120 = tpu.memref_squeeze %dma_wait3A_119 : memref<1x!tpu.dma_semaphore, #tpu.memory_space<semaphore_mem>> -> memref<!tpu.dma_semaphore, #tpu.memory_space<semaphore_mem>>
    %dma_wait3A_121 = arith.constant 0 : i32
    %dma_wait3A_122 = tpu.memref_slice %arg1[%add3A_117, %dma_wait3A_121] : memref<50000x128xf32, #tpu.memory_space<hbm>> -> memref<1000x128xf32, #tpu.memory_space<hbm>>
    tpu.wait_dma2 semaphore(%dma_wait3A_120 : memref<!tpu.dma_semaphore, #tpu.memory_space<semaphore_mem>>) src(%dma_wait3A_122 : memref<1000x128xf32, #tpu.memory_space<hbm>>) dst(%arg3 : memref<1000x128xf32, #tpu.memory_space<vmem_shared>>)
    %dma_start3A_123 = arith.constant 0 : i32
    %dma_start3A_124 = tpu.memref_slice %arg8[%dma_start3A_123] : memref<4x!tpu.dma_semaphore, #tpu.memory_space<semaphore_mem>> -> memref<1x!tpu.dma_semaphore, #tpu.memory_space<semaphore_mem>>
    %dma_start3A_125 = tpu.memref_squeeze %dma_start3A_124 : memref<1x!tpu.dma_semaphore, #tpu.memory_space<semaphore_mem>> -> memref<!tpu.dma_semaphore, #tpu.memory_space<semaphore_mem>>
    %dma_start3A_126 = arith.constant 0 : i32
    %dma_start3A_127 = tpu.memref_slice %arg2[%add3A_117, %dma_start3A_126] : memref<50000x128xf32, #tpu.memory_space<hbm>> -> memref<1000x128xf32, #tpu.memory_space<hbm>>
    tpu.enqueue_dma source(%arg3 : memref<1000x128xf32, #tpu.memory_space<vmem_shared>>) target(%dma_start3A_127 : memref<1000x128xf32, #tpu.memory_space<hbm>>) target_semaphore(%dma_start3A_125 : memref<!tpu.dma_semaphore, #tpu.memory_space<semaphore_mem>>)
    %add3A_128 = arith.constant 3000 : i32
    %add3A_129 = arith.addi %mul3A_0, %add3A_128 : i32
    %dma_wait3A_130 = arith.constant 3 : i32
    %dma_wait3A_131 = tpu.memref_slice %arg8[%dma_wait3A_130] : memref<4x!tpu.dma_semaphore, #tpu.memory_space<semaphore_mem>> -> memref<1x!tpu.dma_semaphore, #tpu.memory_space<semaphore_mem>>
    %dma_wait3A_132 = tpu.memref_squeeze %dma_wait3A_131 : memref<1x!tpu.dma_semaphore, #tpu.memory_space<semaphore_mem>> -> memref<!tpu.dma_semaphore, #tpu.memory_space<semaphore_mem>>
    %dma_wait3A_133 = arith.constant 0 : i32
    %dma_wait3A_134 = tpu.memref_slice %arg2[%add3A_129, %dma_wait3A_133] : memref<50000x128xf32, #tpu.memory_space<hbm>> -> memref<1000x128xf32, #tpu.memory_space<hbm>>
    tpu.wait_dma2 semaphore(%dma_wait3A_132 : memref<!tpu.dma_semaphore, #tpu.memory_space<semaphore_mem>>) src(%arg6 : memref<1000x128xf32, #tpu.memory_space<vmem_shared>>) dst(%dma_wait3A_134 : memref<1000x128xf32, #tpu.memory_space<hbm>>)
    %add3A_135 = arith.constant 7000 : i32
    %add3A_136 = arith.addi %mul3A_0, %add3A_135 : i32
    %dma_start3A_137 = arith.constant 3 : i32
    %dma_start3A_138 = tpu.memref_slice %arg7[%dma_start3A_137] : memref<4x!tpu.dma_semaphore, #tpu.memory_space<semaphore_mem>> -> memref<1x!tpu.dma_semaphore, #tpu.memory_space<semaphore_mem>>
    %dma_start3A_139 = tpu.memref_squeeze %dma_start3A_138 : memref<1x!tpu.dma_semaphore, #tpu.memory_space<semaphore_mem>> -> memref<!tpu.dma_semaphore, #tpu.memory_space<semaphore_mem>>
    %dma_start3A_140 = arith.constant 0 : i32
    %dma_start3A_141 = tpu.memref_slice %arg1[%add3A_136, %dma_start3A_140] : memref<50000x128xf32, #tpu.memory_space<hbm>> -> memref<1000x128xf32, #tpu.memory_space<hbm>>
    tpu.enqueue_dma source(%dma_start3A_141 : memref<1000x128xf32, #tpu.memory_space<hbm>>) target(%arg6 : memref<1000x128xf32, #tpu.memory_space<vmem_shared>>) target_semaphore(%dma_start3A_139 : memref<!tpu.dma_semaphore, #tpu.memory_space<semaphore_mem>>)
    %add3A_142 = arith.constant 5000 : i32
    %add3A_143 = arith.addi %mul3A_0, %add3A_142 : i32
    %dma_wait3A_144 = arith.constant 1 : i32
    %dma_wait3A_145 = tpu.memref_slice %arg7[%dma_wait3A_144] : memref<4x!tpu.dma_semaphore, #tpu.memory_space<semaphore_mem>> -> memref<1x!tpu.dma_semaphore, #tpu.memory_space<semaphore_mem>>
    %dma_wait3A_146 = tpu.memref_squeeze %dma_wait3A_145 : memref<1x!tpu.dma_semaphore, #tpu.memory_space<semaphore_mem>> -> memref<!tpu.dma_semaphore, #tpu.memory_space<semaphore_mem>>
    %dma_wait3A_147 = arith.constant 0 : i32
    %dma_wait3A_148 = tpu.memref_slice %arg1[%add3A_143, %dma_wait3A_147] : memref<50000x128xf32, #tpu.memory_space<hbm>> -> memref<1000x128xf32, #tpu.memory_space<hbm>>
    tpu.wait_dma2 semaphore(%dma_wait3A_146 : memref<!tpu.dma_semaphore, #tpu.memory_space<semaphore_mem>>) src(%dma_wait3A_148 : memref<1000x128xf32, #tpu.memory_space<hbm>>) dst(%arg4 : memref<1000x128xf32, #tpu.memory_space<vmem_shared>>)
    %dma_start3A_149 = arith.constant 1 : i32
    %dma_start3A_150 = tpu.memref_slice %arg8[%dma_start3A_149] : memref<4x!tpu.dma_semaphore, #tpu.memory_space<semaphore_mem>> -> memref<1x!tpu.dma_semaphore, #tpu.memory_space<semaphore_mem>>
    %dma_start3A_151 = tpu.memref_squeeze %dma_start3A_150 : memref<1x!tpu.dma_semaphore, #tpu.memory_space<semaphore_mem>> -> memref<!tpu.dma_semaphore, #tpu.memory_space<semaphore_mem>>
    %dma_start3A_152 = arith.constant 0 : i32
    %dma_start3A_153 = tpu.memref_slice %arg2[%add3A_143, %dma_start3A_152] : memref<50000x128xf32, #tpu.memory_space<hbm>> -> memref<1000x128xf32, #tpu.memory_space<hbm>>
    tpu.enqueue_dma source(%arg4 : memref<1000x128xf32, #tpu.memory_space<vmem_shared>>) target(%dma_start3A_153 : memref<1000x128xf32, #tpu.memory_space<hbm>>) target_semaphore(%dma_start3A_151 : memref<!tpu.dma_semaphore, #tpu.memory_space<semaphore_mem>>)
    %add3A_154 = arith.constant 4000 : i32
    %add3A_155 = arith.addi %mul3A_0, %add3A_154 : i32
    %dma_wait3A_156 = arith.constant 0 : i32
    %dma_wait3A_157 = tpu.memref_slice %arg8[%dma_wait3A_156] : memref<4x!tpu.dma_semaphore, #tpu.memory_space<semaphore_mem>> -> memref<1x!tpu.dma_semaphore, #tpu.memory_space<semaphore_mem>>
    %dma_wait3A_158 = tpu.memref_squeeze %dma_wait3A_157 : memref<1x!tpu.dma_semaphore, #tpu.memory_space<semaphore_mem>> -> memref<!tpu.dma_semaphore, #tpu.memory_space<semaphore_mem>>
    %dma_wait3A_159 = arith.constant 0 : i32
    %dma_wait3A_160 = tpu.memref_slice %arg2[%add3A_155, %dma_wait3A_159] : memref<50000x128xf32, #tpu.memory_space<hbm>> -> memref<1000x128xf32, #tpu.memory_space<hbm>>
    tpu.wait_dma2 semaphore(%dma_wait3A_158 : memref<!tpu.dma_semaphore, #tpu.memory_space<semaphore_mem>>) src(%arg3 : memref<1000x128xf32, #tpu.memory_space<vmem_shared>>) dst(%dma_wait3A_160 : memref<1000x128xf32, #tpu.memory_space<hbm>>)
    %add3A_161 = arith.constant 8000 : i32
    %add3A_162 = arith.addi %mul3A_0, %add3A_161 : i32
    %dma_start3A_163 = arith.constant 0 : i32
    %dma_start3A_164 = tpu.memref_slice %arg7[%dma_start3A_163] : memref<4x!tpu.dma_semaphore, #tpu.memory_space<semaphore_mem>> -> memref<1x!tpu.dma_semaphore, #tpu.memory_space<semaphore_mem>>
    %dma_start3A_165 = tpu.memref_squeeze %dma_start3A_164 : memref<1x!tpu.dma_semaphore, #tpu.memory_space<semaphore_mem>> -> memref<!tpu.dma_semaphore, #tpu.memory_space<semaphore_mem>>
    %dma_start3A_166 = arith.constant 0 : i32
    %dma_start3A_167 = tpu.memref_slice %arg1[%add3A_162, %dma_start3A_166] : memref<50000x128xf32, #tpu.memory_space<hbm>> -> memref<1000x128xf32, #tpu.memory_space<hbm>>
    tpu.enqueue_dma source(%dma_start3A_167 : memref<1000x128xf32, #tpu.memory_space<hbm>>) target(%arg3 : memref<1000x128xf32, #tpu.memory_space<vmem_shared>>) target_semaphore(%dma_start3A_165 : memref<!tpu.dma_semaphore, #tpu.memory_space<semaphore_mem>>)
    %add3A_168 = arith.constant 6000 : i32
    %add3A_169 = arith.addi %mul3A_0, %add3A_168 : i32
    %dma_wait3A_170 = arith.constant 2 : i32
    %dma_wait3A_171 = tpu.memref_slice %arg7[%dma_wait3A_170] : memref<4x!tpu.dma_semaphore, #tpu.memory_space<semaphore_mem>> -> memref<1x!tpu.dma_semaphore, #tpu.memory_space<semaphore_mem>>
    %dma_wait3A_172 = tpu.memref_squeeze %dma_wait3A_171 : memref<1x!tpu.dma_semaphore, #tpu.memory_space<semaphore_mem>> -> memref<!tpu.dma_semaphore, #tpu.memory_space<semaphore_mem>>
    %dma_wait3A_173 = arith.constant 0 : i32
    %dma_wait3A_174 = tpu.memref_slice %arg1[%add3A_169, %dma_wait3A_173] : memref<50000x128xf32, #tpu.memory_space<hbm>> -> memref<1000x128xf32, #tpu.memory_space<hbm>>
    tpu.wait_dma2 semaphore(%dma_wait3A_172 : memref<!tpu.dma_semaphore, #tpu.memory_space<semaphore_mem>>) src(%dma_wait3A_174 : memref<1000x128xf32, #tpu.memory_space<hbm>>) dst(%arg5 : memref<1000x128xf32, #tpu.memory_space<vmem_shared>>)
    %dma_start3A_175 = arith.constant 2 : i32
    %dma_start3A_176 = tpu.memref_slice %arg8[%dma_start3A_175] : memref<4x!tpu.dma_semaphore, #tpu.memory_space<semaphore_mem>> -> memref<1x!tpu.dma_semaphore, #tpu.memory_space<semaphore_mem>>
    %dma_start3A_177 = tpu.memref_squeeze %dma_start3A_176 : memref<1x!tpu.dma_semaphore, #tpu.memory_space<semaphore_mem>> -> memref<!tpu.dma_semaphore, #tpu.memory_space<semaphore_mem>>
    %dma_start3A_178 = arith.constant 0 : i32
    %dma_start3A_179 = tpu.memref_slice %arg2[%add3A_169, %dma_start3A_178] : memref<50000x128xf32, #tpu.memory_space<hbm>> -> memref<1000x128xf32, #tpu.memory_space<hbm>>
    tpu.enqueue_dma source(%arg5 : memref<1000x128xf32, #tpu.memory_space<vmem_shared>>) target(%dma_start3A_179 : memref<1000x128xf32, #tpu.memory_space<hbm>>) target_semaphore(%dma_start3A_177 : memref<!tpu.dma_semaphore, #tpu.memory_space<semaphore_mem>>)
    %add3A_180 = arith.constant 5000 : i32
    %add3A_181 = arith.addi %mul3A_0, %add3A_180 : i32
    %dma_wait3A_182 = arith.constant 1 : i32
    %dma_wait3A_183 = tpu.memref_slice %arg8[%dma_wait3A_182] : memref<4x!tpu.dma_semaphore, #tpu.memory_space<semaphore_mem>> -> memref<1x!tpu.dma_semaphore, #tpu.memory_space<semaphore_mem>>
    %dma_wait3A_184 = tpu.memref_squeeze %dma_wait3A_183 : memref<1x!tpu.dma_semaphore, #tpu.memory_space<semaphore_mem>> -> memref<!tpu.dma_semaphore, #tpu.memory_space<semaphore_mem>>
    %dma_wait3A_185 = arith.constant 0 : i32
    %dma_wait3A_186 = tpu.memref_slice %arg2[%add3A_181, %dma_wait3A_185] : memref<50000x128xf32, #tpu.memory_space<hbm>> -> memref<1000x128xf32, #tpu.memory_space<hbm>>
    tpu.wait_dma2 semaphore(%dma_wait3A_184 : memref<!tpu.dma_semaphore, #tpu.memory_space<semaphore_mem>>) src(%arg4 : memref<1000x128xf32, #tpu.memory_space<vmem_shared>>) dst(%dma_wait3A_186 : memref<1000x128xf32, #tpu.memory_space<hbm>>)
    %add3A_187 = arith.constant 9000 : i32
    %add3A_188 = arith.addi %mul3A_0, %add3A_187 : i32
    %dma_start3A_189 = arith.constant 1 : i32
    %dma_start3A_190 = tpu.memref_slice %arg7[%dma_start3A_189] : memref<4x!tpu.dma_semaphore, #tpu.memory_space<semaphore_mem>> -> memref<1x!tpu.dma_semaphore, #tpu.memory_space<semaphore_mem>>
    %dma_start3A_191 = tpu.memref_squeeze %dma_start3A_190 : memref<1x!tpu.dma_semaphore, #tpu.memory_space<semaphore_mem>> -> memref<!tpu.dma_semaphore, #tpu.memory_space<semaphore_mem>>
    %dma_start3A_192 = arith.constant 0 : i32
    %dma_start3A_193 = tpu.memref_slice %arg1[%add3A_188, %dma_start3A_192] : memref<50000x128xf32, #tpu.memory_space<hbm>> -> memref<1000x128xf32, #tpu.memory_space<hbm>>
    tpu.enqueue_dma source(%dma_start3A_193 : memref<1000x128xf32, #tpu.memory_space<hbm>>) target(%arg4 : memref<1000x128xf32, #tpu.memory_space<vmem_shared>>) target_semaphore(%dma_start3A_191 : memref<!tpu.dma_semaphore, #tpu.memory_space<semaphore_mem>>)
    %add3A_194 = arith.constant 7000 : i32
    %add3A_195 = arith.addi %mul3A_0, %add3A_194 : i32
    %dma_wait3A_196 = arith.constant 3 : i32
    %dma_wait3A_197 = tpu.memref_slice %arg7[%dma_wait3A_196] : memref<4x!tpu.dma_semaphore, #tpu.memory_space<semaphore_mem>> -> memref<1x!tpu.dma_semaphore, #tpu.memory_space<semaphore_mem>>
    %dma_wait3A_198 = tpu.memref_squeeze %dma_wait3A_197 : memref<1x!tpu.dma_semaphore, #tpu.memory_space<semaphore_mem>> -> memref<!tpu.dma_semaphore, #tpu.memory_space<semaphore_mem>>
    %dma_wait3A_199 = arith.constant 0 : i32
    %dma_wait3A_200 = tpu.memref_slice %arg1[%add3A_195, %dma_wait3A_199] : memref<50000x128xf32, #tpu.memory_space<hbm>> -> memref<1000x128xf32, #tpu.memory_space<hbm>>
    tpu.wait_dma2 semaphore(%dma_wait3A_198 : memref<!tpu.dma_semaphore, #tpu.memory_space<semaphore_mem>>) src(%dma_wait3A_200 : memref<1000x128xf32, #tpu.memory_space<hbm>>) dst(%arg6 : memref<1000x128xf32, #tpu.memory_space<vmem_shared>>)
    %dma_start3A_201 = arith.constant 3 : i32
    %dma_start3A_202 = tpu.memref_slice %arg8[%dma_start3A_201] : memref<4x!tpu.dma_semaphore, #tpu.memory_space<semaphore_mem>> -> memref<1x!tpu.dma_semaphore, #tpu.memory_space<semaphore_mem>>
    %dma_start3A_203 = tpu.memref_squeeze %dma_start3A_202 : memref<1x!tpu.dma_semaphore, #tpu.memory_space<semaphore_mem>> -> memref<!tpu.dma_semaphore, #tpu.memory_space<semaphore_mem>>
    %dma_start3A_204 = arith.constant 0 : i32
    %dma_start3A_205 = tpu.memref_slice %arg2[%add3A_195, %dma_start3A_204] : memref<50000x128xf32, #tpu.memory_space<hbm>> -> memref<1000x128xf32, #tpu.memory_space<hbm>>
    tpu.enqueue_dma source(%arg6 : memref<1000x128xf32, #tpu.memory_space<vmem_shared>>) target(%dma_start3A_205 : memref<1000x128xf32, #tpu.memory_space<hbm>>) target_semaphore(%dma_start3A_203 : memref<!tpu.dma_semaphore, #tpu.memory_space<semaphore_mem>>)
    %add3A_206 = arith.constant 6000 : i32
    %add3A_207 = arith.addi %mul3A_0, %add3A_206 : i32
    %dma_wait3A_208 = arith.constant 2 : i32
    %dma_wait3A_209 = tpu.memref_slice %arg8[%dma_wait3A_208] : memref<4x!tpu.dma_semaphore, #tpu.memory_space<semaphore_mem>> -> memref<1x!tpu.dma_semaphore, #tpu.memory_space<semaphore_mem>>
    %dma_wait3A_210 = tpu.memref_squeeze %dma_wait3A_209 : memref<1x!tpu.dma_semaphore, #tpu.memory_space<semaphore_mem>> -> memref<!tpu.dma_semaphore, #tpu.memory_space<semaphore_mem>>
    %dma_wait3A_211 = arith.constant 0 : i32
    %dma_wait3A_212 = tpu.memref_slice %arg2[%add3A_207, %dma_wait3A_211] : memref<50000x128xf32, #tpu.memory_space<hbm>> -> memref<1000x128xf32, #tpu.memory_space<hbm>>
    tpu.wait_dma2 semaphore(%dma_wait3A_210 : memref<!tpu.dma_semaphore, #tpu.memory_space<semaphore_mem>>) src(%arg5 : memref<1000x128xf32, #tpu.memory_space<vmem_shared>>) dst(%dma_wait3A_212 : memref<1000x128xf32, #tpu.memory_space<hbm>>)
    %add3A_213 = arith.constant 10000 : i32
    %add3A_214 = arith.addi %mul3A_0, %add3A_213 : i32
    %dma_start3A_215 = arith.constant 2 : i32
    %dma_start3A_216 = tpu.memref_slice %arg7[%dma_start3A_215] : memref<4x!tpu.dma_semaphore, #tpu.memory_space<semaphore_mem>> -> memref<1x!tpu.dma_semaphore, #tpu.memory_space<semaphore_mem>>
    %dma_start3A_217 = tpu.memref_squeeze %dma_start3A_216 : memref<1x!tpu.dma_semaphore, #tpu.memory_space<semaphore_mem>> -> memref<!tpu.dma_semaphore, #tpu.memory_space<semaphore_mem>>
    %dma_start3A_218 = arith.constant 0 : i32
    %dma_start3A_219 = tpu.memref_slice %arg1[%add3A_214, %dma_start3A_218] : memref<50000x128xf32, #tpu.memory_space<hbm>> -> memref<1000x128xf32, #tpu.memory_space<hbm>>
    tpu.enqueue_dma source(%dma_start3A_219 : memref<1000x128xf32, #tpu.memory_space<hbm>>) target(%arg5 : memref<1000x128xf32, #tpu.memory_space<vmem_shared>>) target_semaphore(%dma_start3A_217 : memref<!tpu.dma_semaphore, #tpu.memory_space<semaphore_mem>>)
    %add3A_220 = arith.constant 8000 : i32
    %add3A_221 = arith.addi %mul3A_0, %add3A_220 : i32
    %dma_wait3A_222 = arith.constant 0 : i32
    %dma_wait3A_223 = tpu.memref_slice %arg7[%dma_wait3A_222] : memref<4x!tpu.dma_semaphore, #tpu.memory_space<semaphore_mem>> -> memref<1x!tpu.dma_semaphore, #tpu.memory_space<semaphore_mem>>
    %dma_wait3A_224 = tpu.memref_squeeze %dma_wait3A_223 : memref<1x!tpu.dma_semaphore, #tpu.memory_space<semaphore_mem>> -> memref<!tpu.dma_semaphore, #tpu.memory_space<semaphore_mem>>
    %dma_wait3A_225 = arith.constant 0 : i32
    %dma_wait3A_226 = tpu.memref_slice %arg1[%add3A_221, %dma_wait3A_225] : memref<50000x128xf32, #tpu.memory_space<hbm>> -> memref<1000x128xf32, #tpu.memory_space<hbm>>
    tpu.wait_dma2 semaphore(%dma_wait3A_224 : memref<!tpu.dma_semaphore, #tpu.memory_space<semaphore_mem>>) src(%dma_wait3A_226 : memref<1000x128xf32, #tpu.memory_space<hbm>>) dst(%arg3 : memref<1000x128xf32, #tpu.memory_space<vmem_shared>>)
    %dma_start3A_227 = arith.constant 0 : i32
    %dma_start3A_228 = tpu.memref_slice %arg8[%dma_start3A_227] : memref<4x!tpu.dma_semaphore, #tpu.memory_space<semaphore_mem>> -> memref<1x!tpu.dma_semaphore, #tpu.memory_space<semaphore_mem>>
    %dma_start3A_229 = tpu.memref_squeeze %dma_start3A_228 : memref<1x!tpu.dma_semaphore, #tpu.memory_space<semaphore_mem>> -> memref<!tpu.dma_semaphore, #tpu.memory_space<semaphore_mem>>
    %dma_start3A_230 = arith.constant 0 : i32
    %dma_start3A_231 = tpu.memref_slice %arg2[%add3A_221, %dma_start3A_230] : memref<50000x128xf32, #tpu.memory_space<hbm>> -> memref<1000x128xf32, #tpu.memory_space<hbm>>
    tpu.enqueue_dma source(%arg3 : memref<1000x128xf32, #tpu.memory_space<vmem_shared>>) target(%dma_start3A_231 : memref<1000x128xf32, #tpu.memory_space<hbm>>) target_semaphore(%dma_start3A_229 : memref<!tpu.dma_semaphore, #tpu.memory_space<semaphore_mem>>)
    %add3A_232 = arith.constant 7000 : i32
    %add3A_233 = arith.addi %mul3A_0, %add3A_232 : i32
    %dma_wait3A_234 = arith.constant 3 : i32
    %dma_wait3A_235 = tpu.memref_slice %arg8[%dma_wait3A_234] : memref<4x!tpu.dma_semaphore, #tpu.memory_space<semaphore_mem>> -> memref<1x!tpu.dma_semaphore, #tpu.memory_space<semaphore_mem>>
    %dma_wait3A_236 = tpu.memref_squeeze %dma_wait3A_235 : memref<1x!tpu.dma_semaphore, #tpu.memory_space<semaphore_mem>> -> memref<!tpu.dma_semaphore, #tpu.memory_space<semaphore_mem>>
    %dma_wait3A_237 = arith.constant 0 : i32
    %dma_wait3A_238 = tpu.memref_slice %arg2[%add3A_233, %dma_wait3A_237] : memref<50000x128xf32, #tpu.memory_space<hbm>> -> memref<1000x128xf32, #tpu.memory_space<hbm>>
    tpu.wait_dma2 semaphore(%dma_wait3A_236 : memref<!tpu.dma_semaphore, #tpu.memory_space<semaphore_mem>>) src(%arg6 : memref<1000x128xf32, #tpu.memory_space<vmem_shared>>) dst(%dma_wait3A_238 : memref<1000x128xf32, #tpu.memory_space<hbm>>)
    %add3A_239 = arith.constant 11000 : i32
    %add3A_240 = arith.addi %mul3A_0, %add3A_239 : i32
    %dma_start3A_241 = arith.constant 3 : i32
    %dma_start3A_242 = tpu.memref_slice %arg7[%dma_start3A_241] : memref<4x!tpu.dma_semaphore, #tpu.memory_space<semaphore_mem>> -> memref<1x!tpu.dma_semaphore, #tpu.memory_space<semaphore_mem>>
    %dma_start3A_243 = tpu.memref_squeeze %dma_start3A_242 : memref<1x!tpu.dma_semaphore, #tpu.memory_space<semaphore_mem>> -> memref<!tpu.dma_semaphore, #tpu.memory_space<semaphore_mem>>
    %dma_start3A_244 = arith.constant 0 : i32
    %dma_start3A_245 = tpu.memref_slice %arg1[%add3A_240, %dma_start3A_244] : memref<50000x128xf32, #tpu.memory_space<hbm>> -> memref<1000x128xf32, #tpu.memory_space<hbm>>
    tpu.enqueue_dma source(%dma_start3A_245 : memref<1000x128xf32, #tpu.memory_space<hbm>>) target(%arg6 : memref<1000x128xf32, #tpu.memory_space<vmem_shared>>) target_semaphore(%dma_start3A_243 : memref<!tpu.dma_semaphore, #tpu.memory_space<semaphore_mem>>)
    %add3A_246 = arith.constant 9000 : i32
    %add3A_247 = arith.addi %mul3A_0, %add3A_246 : i32
    %dma_wait3A_248 = arith.constant 1 : i32
    %dma_wait3A_249 = tpu.memref_slice %arg7[%dma_wait3A_248] : memref<4x!tpu.dma_semaphore, #tpu.memory_space<semaphore_mem>> -> memref<1x!tpu.dma_semaphore, #tpu.memory_space<semaphore_mem>>
    %dma_wait3A_250 = tpu.memref_squeeze %dma_wait3A_249 : memref<1x!tpu.dma_semaphore, #tpu.memory_space<semaphore_mem>> -> memref<!tpu.dma_semaphore, #tpu.memory_space<semaphore_mem>>
    %dma_wait3A_251 = arith.constant 0 : i32
    %dma_wait3A_252 = tpu.memref_slice %arg1[%add3A_247, %dma_wait3A_251] : memref<50000x128xf32, #tpu.memory_space<hbm>> -> memref<1000x128xf32, #tpu.memory_space<hbm>>
    tpu.wait_dma2 semaphore(%dma_wait3A_250 : memref<!tpu.dma_semaphore, #tpu.memory_space<semaphore_mem>>) src(%dma_wait3A_252 : memref<1000x128xf32, #tpu.memory_space<hbm>>) dst(%arg4 : memref<1000x128xf32, #tpu.memory_space<vmem_shared>>)
    %dma_start3A_253 = arith.constant 1 : i32
    %dma_start3A_254 = tpu.memref_slice %arg8[%dma_start3A_253] : memref<4x!tpu.dma_semaphore, #tpu.memory_space<semaphore_mem>> -> memref<1x!tpu.dma_semaphore, #tpu.memory_space<semaphore_mem>>
    %dma_start3A_255 = tpu.memref_squeeze %dma_start3A_254 : memref<1x!tpu.dma_semaphore, #tpu.memory_space<semaphore_mem>> -> memref<!tpu.dma_semaphore, #tpu.memory_space<semaphore_mem>>
    %dma_start3A_256 = arith.constant 0 : i32
    %dma_start3A_257 = tpu.memref_slice %arg2[%add3A_247, %dma_start3A_256] : memref<50000x128xf32, #tpu.memory_space<hbm>> -> memref<1000x128xf32, #tpu.memory_space<hbm>>
    tpu.enqueue_dma source(%arg4 : memref<1000x128xf32, #tpu.memory_space<vmem_shared>>) target(%dma_start3A_257 : memref<1000x128xf32, #tpu.memory_space<hbm>>) target_semaphore(%dma_start3A_255 : memref<!tpu.dma_semaphore, #tpu.memory_space<semaphore_mem>>)
    %add3A_258 = arith.constant 8000 : i32
    %add3A_259 = arith.addi %mul3A_0, %add3A_258 : i32
    %dma_wait3A_260 = arith.constant 0 : i32
    %dma_wait3A_261 = tpu.memref_slice %arg8[%dma_wait3A_260] : memref<4x!tpu.dma_semaphore, #tpu.memory_space<semaphore_mem>> -> memref<1x!tpu.dma_semaphore, #tpu.memory_space<semaphore_mem>>
    %dma_wait3A_262 = tpu.memref_squeeze %dma_wait3A_261 : memref<1x!tpu.dma_semaphore, #tpu.memory_space<semaphore_mem>> -> memref<!tpu.dma_semaphore, #tpu.memory_space<semaphore_mem>>
    %dma_wait3A_263 = arith.constant 0 : i32
    %dma_wait3A_264 = tpu.memref_slice %arg2[%add3A_259, %dma_wait3A_263] : memref<50000x128xf32, #tpu.memory_space<hbm>> -> memref<1000x128xf32, #tpu.memory_space<hbm>>
    tpu.wait_dma2 semaphore(%dma_wait3A_262 : memref<!tpu.dma_semaphore, #tpu.memory_space<semaphore_mem>>) src(%arg3 : memref<1000x128xf32, #tpu.memory_space<vmem_shared>>) dst(%dma_wait3A_264 : memref<1000x128xf32, #tpu.memory_space<hbm>>)
    %add3A_265 = arith.constant 12000 : i32
    %add3A_266 = arith.addi %mul3A_0, %add3A_265 : i32
    %dma_start3A_267 = arith.constant 0 : i32
    %dma_start3A_268 = tpu.memref_slice %arg7[%dma_start3A_267] : memref<4x!tpu.dma_semaphore, #tpu.memory_space<semaphore_mem>> -> memref<1x!tpu.dma_semaphore, #tpu.memory_space<semaphore_mem>>
    %dma_start3A_269 = tpu.memref_squeeze %dma_start3A_268 : memref<1x!tpu.dma_semaphore, #tpu.memory_space<semaphore_mem>> -> memref<!tpu.dma_semaphore, #tpu.memory_space<semaphore_mem>>
    %dma_start3A_270 = arith.constant 0 : i32
    %dma_start3A_271 = tpu.memref_slice %arg1[%add3A_266, %dma_start3A_270] : memref<50000x128xf32, #tpu.memory_space<hbm>> -> memref<1000x128xf32, #tpu.memory_space<hbm>>
    tpu.enqueue_dma source(%dma_start3A_271 : memref<1000x128xf32, #tpu.memory_space<hbm>>) target(%arg3 : memref<1000x128xf32, #tpu.memory_space<vmem_shared>>) target_semaphore(%dma_start3A_269 : memref<!tpu.dma_semaphore, #tpu.memory_space<semaphore_mem>>)
    %add3A_272 = arith.constant 10000 : i32
    %add3A_273 = arith.addi %mul3A_0, %add3A_272 : i32
    %dma_wait3A_274 = arith.constant 2 : i32
    %dma_wait3A_275 = tpu.memref_slice %arg7[%dma_wait3A_274] : memref<4x!tpu.dma_semaphore, #tpu.memory_space<semaphore_mem>> -> memref<1x!tpu.dma_semaphore, #tpu.memory_space<semaphore_mem>>
    %dma_wait3A_276 = tpu.memref_squeeze %dma_wait3A_275 : memref<1x!tpu.dma_semaphore, #tpu.memory_space<semaphore_mem>> -> memref<!tpu.dma_semaphore, #tpu.memory_space<semaphore_mem>>
    %dma_wait3A_277 = arith.constant 0 : i32
    %dma_wait3A_278 = tpu.memref_slice %arg1[%add3A_273, %dma_wait3A_277] : memref<50000x128xf32, #tpu.memory_space<hbm>> -> memref<1000x128xf32, #tpu.memory_space<hbm>>
    tpu.wait_dma2 semaphore(%dma_wait3A_276 : memref<!tpu.dma_semaphore, #tpu.memory_space<semaphore_mem>>) src(%dma_wait3A_278 : memref<1000x128xf32, #tpu.memory_space<hbm>>) dst(%arg5 : memref<1000x128xf32, #tpu.memory_space<vmem_shared>>)
    %dma_start3A_279 = arith.constant 2 : i32
    %dma_start3A_280 = tpu.memref_slice %arg8[%dma_start3A_279] : memref<4x!tpu.dma_semaphore, #tpu.memory_space<semaphore_mem>> -> memref<1x!tpu.dma_semaphore, #tpu.memory_space<semaphore_mem>>
    %dma_start3A_281 = tpu.memref_squeeze %dma_start3A_280 : memref<1x!tpu.dma_semaphore, #tpu.memory_space<semaphore_mem>> -> memref<!tpu.dma_semaphore, #tpu.memory_space<semaphore_mem>>
    %dma_start3A_282 = arith.constant 0 : i32
    %dma_start3A_283 = tpu.memref_slice %arg2[%add3A_273, %dma_start3A_282] : memref<50000x128xf32, #tpu.memory_space<hbm>> -> memref<1000x128xf32, #tpu.memory_space<hbm>>
    tpu.enqueue_dma source(%arg5 : memref<1000x128xf32, #tpu.memory_space<vmem_shared>>) target(%dma_start3A_283 : memref<1000x128xf32, #tpu.memory_space<hbm>>) target_semaphore(%dma_start3A_281 : memref<!tpu.dma_semaphore, #tpu.memory_space<semaphore_mem>>)
    %add3A_284 = arith.constant 9000 : i32
    %add3A_285 = arith.addi %mul3A_0, %add3A_284 : i32
    %dma_wait3A_286 = arith.constant 1 : i32
    %dma_wait3A_287 = tpu.memref_slice %arg8[%dma_wait3A_286] : memref<4x!tpu.dma_semaphore, #tpu.memory_space<semaphore_mem>> -> memref<1x!tpu.dma_semaphore, #tpu.memory_space<semaphore_mem>>
    %dma_wait3A_288 = tpu.memref_squeeze %dma_wait3A_287 : memref<1x!tpu.dma_semaphore, #tpu.memory_space<semaphore_mem>> -> memref<!tpu.dma_semaphore, #tpu.memory_space<semaphore_mem>>
    %dma_wait3A_289 = arith.constant 0 : i32
    %dma_wait3A_290 = tpu.memref_slice %arg2[%add3A_285, %dma_wait3A_289] : memref<50000x128xf32, #tpu.memory_space<hbm>> -> memref<1000x128xf32, #tpu.memory_space<hbm>>
    tpu.wait_dma2 semaphore(%dma_wait3A_288 : memref<!tpu.dma_semaphore, #tpu.memory_space<semaphore_mem>>) src(%arg4 : memref<1000x128xf32, #tpu.memory_space<vmem_shared>>) dst(%dma_wait3A_290 : memref<1000x128xf32, #tpu.memory_space<hbm>>)
    %add3A_291 = arith.constant 13000 : i32
    %add3A_292 = arith.addi %mul3A_0, %add3A_291 : i32
    %dma_start3A_293 = arith.constant 1 : i32
    %dma_start3A_294 = tpu.memref_slice %arg7[%dma_start3A_293] : memref<4x!tpu.dma_semaphore, #tpu.memory_space<semaphore_mem>> -> memref<1x!tpu.dma_semaphore, #tpu.memory_space<semaphore_mem>>
    %dma_start3A_295 = tpu.memref_squeeze %dma_start3A_294 : memref<1x!tpu.dma_semaphore, #tpu.memory_space<semaphore_mem>> -> memref<!tpu.dma_semaphore, #tpu.memory_space<semaphore_mem>>
    %dma_start3A_296 = arith.constant 0 : i32
    %dma_start3A_297 = tpu.memref_slice %arg1[%add3A_292, %dma_start3A_296] : memref<50000x128xf32, #tpu.memory_space<hbm>> -> memref<1000x128xf32, #tpu.memory_space<hbm>>
    tpu.enqueue_dma source(%dma_start3A_297 : memref<1000x128xf32, #tpu.memory_space<hbm>>) target(%arg4 : memref<1000x128xf32, #tpu.memory_space<vmem_shared>>) target_semaphore(%dma_start3A_295 : memref<!tpu.dma_semaphore, #tpu.memory_space<semaphore_mem>>)
    %add3A_298 = arith.constant 11000 : i32
    %add3A_299 = arith.addi %mul3A_0, %add3A_298 : i32
    %dma_wait3A_300 = arith.constant 3 : i32
    %dma_wait3A_301 = tpu.memref_slice %arg7[%dma_wait3A_300] : memref<4x!tpu.dma_semaphore, #tpu.memory_space<semaphore_mem>> -> memref<1x!tpu.dma_semaphore, #tpu.memory_space<semaphore_mem>>
    %dma_wait3A_302 = tpu.memref_squeeze %dma_wait3A_301 : memref<1x!tpu.dma_semaphore, #tpu.memory_space<semaphore_mem>> -> memref<!tpu.dma_semaphore, #tpu.memory_space<semaphore_mem>>
    %dma_wait3A_303 = arith.constant 0 : i32
    %dma_wait3A_304 = tpu.memref_slice %arg1[%add3A_299, %dma_wait3A_303] : memref<50000x128xf32, #tpu.memory_space<hbm>> -> memref<1000x128xf32, #tpu.memory_space<hbm>>
    tpu.wait_dma2 semaphore(%dma_wait3A_302 : memref<!tpu.dma_semaphore, #tpu.memory_space<semaphore_mem>>) src(%dma_wait3A_304 : memref<1000x128xf32, #tpu.memory_space<hbm>>) dst(%arg6 : memref<1000x128xf32, #tpu.memory_space<vmem_shared>>)
    %dma_start3A_305 = arith.constant 3 : i32
    %dma_start3A_306 = tpu.memref_slice %arg8[%dma_start3A_305] : memref<4x!tpu.dma_semaphore, #tpu.memory_space<semaphore_mem>> -> memref<1x!tpu.dma_semaphore, #tpu.memory_space<semaphore_mem>>
    %dma_start3A_307 = tpu.memref_squeeze %dma_start3A_306 : memref<1x!tpu.dma_semaphore, #tpu.memory_space<semaphore_mem>> -> memref<!tpu.dma_semaphore, #tpu.memory_space<semaphore_mem>>
    %dma_start3A_308 = arith.constant 0 : i32
    %dma_start3A_309 = tpu.memref_slice %arg2[%add3A_299, %dma_start3A_308] : memref<50000x128xf32, #tpu.memory_space<hbm>> -> memref<1000x128xf32, #tpu.memory_space<hbm>>
    tpu.enqueue_dma source(%arg6 : memref<1000x128xf32, #tpu.memory_space<vmem_shared>>) target(%dma_start3A_309 : memref<1000x128xf32, #tpu.memory_space<hbm>>) target_semaphore(%dma_start3A_307 : memref<!tpu.dma_semaphore, #tpu.memory_space<semaphore_mem>>)
    %add3A_310 = arith.constant 10000 : i32
    %add3A_311 = arith.addi %mul3A_0, %add3A_310 : i32
    %dma_wait3A_312 = arith.constant 2 : i32
    %dma_wait3A_313 = tpu.memref_slice %arg8[%dma_wait3A_312] : memref<4x!tpu.dma_semaphore, #tpu.memory_space<semaphore_mem>> -> memref<1x!tpu.dma_semaphore, #tpu.memory_space<semaphore_mem>>
    %dma_wait3A_314 = tpu.memref_squeeze %dma_wait3A_313 : memref<1x!tpu.dma_semaphore, #tpu.memory_space<semaphore_mem>> -> memref<!tpu.dma_semaphore, #tpu.memory_space<semaphore_mem>>
    %dma_wait3A_315 = arith.constant 0 : i32
    %dma_wait3A_316 = tpu.memref_slice %arg2[%add3A_311, %dma_wait3A_315] : memref<50000x128xf32, #tpu.memory_space<hbm>> -> memref<1000x128xf32, #tpu.memory_space<hbm>>
    tpu.wait_dma2 semaphore(%dma_wait3A_314 : memref<!tpu.dma_semaphore, #tpu.memory_space<semaphore_mem>>) src(%arg5 : memref<1000x128xf32, #tpu.memory_space<vmem_shared>>) dst(%dma_wait3A_316 : memref<1000x128xf32, #tpu.memory_space<hbm>>)
    %add3A_317 = arith.constant 14000 : i32
    %add3A_318 = arith.addi %mul3A_0, %add3A_317 : i32
    %dma_start3A_319 = arith.constant 2 : i32
    %dma_start3A_320 = tpu.memref_slice %arg7[%dma_start3A_319] : memref<4x!tpu.dma_semaphore, #tpu.memory_space<semaphore_mem>> -> memref<1x!tpu.dma_semaphore, #tpu.memory_space<semaphore_mem>>
    %dma_start3A_321 = tpu.memref_squeeze %dma_start3A_320 : memref<1x!tpu.dma_semaphore, #tpu.memory_space<semaphore_mem>> -> memref<!tpu.dma_semaphore, #tpu.memory_space<semaphore_mem>>
    %dma_start3A_322 = arith.constant 0 : i32
    %dma_start3A_323 = tpu.memref_slice %arg1[%add3A_318, %dma_start3A_322] : memref<50000x128xf32, #tpu.memory_space<hbm>> -> memref<1000x128xf32, #tpu.memory_space<hbm>>
    tpu.enqueue_dma source(%dma_start3A_323 : memref<1000x128xf32, #tpu.memory_space<hbm>>) target(%arg5 : memref<1000x128xf32, #tpu.memory_space<vmem_shared>>) target_semaphore(%dma_start3A_321 : memref<!tpu.dma_semaphore, #tpu.memory_space<semaphore_mem>>)
    %add3A_324 = arith.constant 12000 : i32
    %add3A_325 = arith.addi %mul3A_0, %add3A_324 : i32
    %dma_wait3A_326 = arith.constant 0 : i32
    %dma_wait3A_327 = tpu.memref_slice %arg7[%dma_wait3A_326] : memref<4x!tpu.dma_semaphore, #tpu.memory_space<semaphore_mem>> -> memref<1x!tpu.dma_semaphore, #tpu.memory_space<semaphore_mem>>
    %dma_wait3A_328 = tpu.memref_squeeze %dma_wait3A_327 : memref<1x!tpu.dma_semaphore, #tpu.memory_space<semaphore_mem>> -> memref<!tpu.dma_semaphore, #tpu.memory_space<semaphore_mem>>
    %dma_wait3A_329 = arith.constant 0 : i32
    %dma_wait3A_330 = tpu.memref_slice %arg1[%add3A_325, %dma_wait3A_329] : memref<50000x128xf32, #tpu.memory_space<hbm>> -> memref<1000x128xf32, #tpu.memory_space<hbm>>
    tpu.wait_dma2 semaphore(%dma_wait3A_328 : memref<!tpu.dma_semaphore, #tpu.memory_space<semaphore_mem>>) src(%dma_wait3A_330 : memref<1000x128xf32, #tpu.memory_space<hbm>>) dst(%arg3 : memref<1000x128xf32, #tpu.memory_space<vmem_shared>>)
    %dma_start3A_331 = arith.constant 0 : i32
    %dma_start3A_332 = tpu.memref_slice %arg8[%dma_start3A_331] : memref<4x!tpu.dma_semaphore, #tpu.memory_space<semaphore_mem>> -> memref<1x!tpu.dma_semaphore, #tpu.memory_space<semaphore_mem>>
    %dma_start3A_333 = tpu.memref_squeeze %dma_start3A_332 : memref<1x!tpu.dma_semaphore, #tpu.memory_space<semaphore_mem>> -> memref<!tpu.dma_semaphore, #tpu.memory_space<semaphore_mem>>
    %dma_start3A_334 = arith.constant 0 : i32
    %dma_start3A_335 = tpu.memref_slice %arg2[%add3A_325, %dma_start3A_334] : memref<50000x128xf32, #tpu.memory_space<hbm>> -> memref<1000x128xf32, #tpu.memory_space<hbm>>
    tpu.enqueue_dma source(%arg3 : memref<1000x128xf32, #tpu.memory_space<vmem_shared>>) target(%dma_start3A_335 : memref<1000x128xf32, #tpu.memory_space<hbm>>) target_semaphore(%dma_start3A_333 : memref<!tpu.dma_semaphore, #tpu.memory_space<semaphore_mem>>)
    %add3A_336 = arith.constant 11000 : i32
    %add3A_337 = arith.addi %mul3A_0, %add3A_336 : i32
    %dma_wait3A_338 = arith.constant 3 : i32
    %dma_wait3A_339 = tpu.memref_slice %arg8[%dma_wait3A_338] : memref<4x!tpu.dma_semaphore, #tpu.memory_space<semaphore_mem>> -> memref<1x!tpu.dma_semaphore, #tpu.memory_space<semaphore_mem>>
    %dma_wait3A_340 = tpu.memref_squeeze %dma_wait3A_339 : memref<1x!tpu.dma_semaphore, #tpu.memory_space<semaphore_mem>> -> memref<!tpu.dma_semaphore, #tpu.memory_space<semaphore_mem>>
    %dma_wait3A_341 = arith.constant 0 : i32
    %dma_wait3A_342 = tpu.memref_slice %arg2[%add3A_337, %dma_wait3A_341] : memref<50000x128xf32, #tpu.memory_space<hbm>> -> memref<1000x128xf32, #tpu.memory_space<hbm>>
    tpu.wait_dma2 semaphore(%dma_wait3A_340 : memref<!tpu.dma_semaphore, #tpu.memory_space<semaphore_mem>>) src(%arg6 : memref<1000x128xf32, #tpu.memory_space<vmem_shared>>) dst(%dma_wait3A_342 : memref<1000x128xf32, #tpu.memory_space<hbm>>)
    %add3A_343 = arith.constant 15000 : i32
    %add3A_344 = arith.addi %mul3A_0, %add3A_343 : i32
    %dma_start3A_345 = arith.constant 3 : i32
    %dma_start3A_346 = tpu.memref_slice %arg7[%dma_start3A_345] : memref<4x!tpu.dma_semaphore, #tpu.memory_space<semaphore_mem>> -> memref<1x!tpu.dma_semaphore, #tpu.memory_space<semaphore_mem>>
    %dma_start3A_347 = tpu.memref_squeeze %dma_start3A_346 : memref<1x!tpu.dma_semaphore, #tpu.memory_space<semaphore_mem>> -> memref<!tpu.dma_semaphore, #tpu.memory_space<semaphore_mem>>
    %dma_start3A_348 = arith.constant 0 : i32
    %dma_start3A_349 = tpu.memref_slice %arg1[%add3A_344, %dma_start3A_348] : memref<50000x128xf32, #tpu.memory_space<hbm>> -> memref<1000x128xf32, #tpu.memory_space<hbm>>
    tpu.enqueue_dma source(%dma_start3A_349 : memref<1000x128xf32, #tpu.memory_space<hbm>>) target(%arg6 : memref<1000x128xf32, #tpu.memory_space<vmem_shared>>) target_semaphore(%dma_start3A_347 : memref<!tpu.dma_semaphore, #tpu.memory_space<semaphore_mem>>)
    %add3A_350 = arith.constant 13000 : i32
    %add3A_351 = arith.addi %mul3A_0, %add3A_350 : i32
    %dma_wait3A_352 = arith.constant 1 : i32
    %dma_wait3A_353 = tpu.memref_slice %arg7[%dma_wait3A_352] : memref<4x!tpu.dma_semaphore, #tpu.memory_space<semaphore_mem>> -> memref<1x!tpu.dma_semaphore, #tpu.memory_space<semaphore_mem>>
    %dma_wait3A_354 = tpu.memref_squeeze %dma_wait3A_353 : memref<1x!tpu.dma_semaphore, #tpu.memory_space<semaphore_mem>> -> memref<!tpu.dma_semaphore, #tpu.memory_space<semaphore_mem>>
    %dma_wait3A_355 = arith.constant 0 : i32
    %dma_wait3A_356 = tpu.memref_slice %arg1[%add3A_351, %dma_wait3A_355] : memref<50000x128xf32, #tpu.memory_space<hbm>> -> memref<1000x128xf32, #tpu.memory_space<hbm>>
    tpu.wait_dma2 semaphore(%dma_wait3A_354 : memref<!tpu.dma_semaphore, #tpu.memory_space<semaphore_mem>>) src(%dma_wait3A_356 : memref<1000x128xf32, #tpu.memory_space<hbm>>) dst(%arg4 : memref<1000x128xf32, #tpu.memory_space<vmem_shared>>)
    %dma_start3A_357 = arith.constant 1 : i32
    %dma_start3A_358 = tpu.memref_slice %arg8[%dma_start3A_357] : memref<4x!tpu.dma_semaphore, #tpu.memory_space<semaphore_mem>> -> memref<1x!tpu.dma_semaphore, #tpu.memory_space<semaphore_mem>>
    %dma_start3A_359 = tpu.memref_squeeze %dma_start3A_358 : memref<1x!tpu.dma_semaphore, #tpu.memory_space<semaphore_mem>> -> memref<!tpu.dma_semaphore, #tpu.memory_space<semaphore_mem>>
    %dma_start3A_360 = arith.constant 0 : i32
    %dma_start3A_361 = tpu.memref_slice %arg2[%add3A_351, %dma_start3A_360] : memref<50000x128xf32, #tpu.memory_space<hbm>> -> memref<1000x128xf32, #tpu.memory_space<hbm>>
    tpu.enqueue_dma source(%arg4 : memref<1000x128xf32, #tpu.memory_space<vmem_shared>>) target(%dma_start3A_361 : memref<1000x128xf32, #tpu.memory_space<hbm>>) target_semaphore(%dma_start3A_359 : memref<!tpu.dma_semaphore, #tpu.memory_space<semaphore_mem>>)
    %add3A_362 = arith.constant 12000 : i32
    %add3A_363 = arith.addi %mul3A_0, %add3A_362 : i32
    %dma_wait3A_364 = arith.constant 0 : i32
    %dma_wait3A_365 = tpu.memref_slice %arg8[%dma_wait3A_364] : memref<4x!tpu.dma_semaphore, #tpu.memory_space<semaphore_mem>> -> memref<1x!tpu.dma_semaphore, #tpu.memory_space<semaphore_mem>>
    %dma_wait3A_366 = tpu.memref_squeeze %dma_wait3A_365 : memref<1x!tpu.dma_semaphore, #tpu.memory_space<semaphore_mem>> -> memref<!tpu.dma_semaphore, #tpu.memory_space<semaphore_mem>>
    %dma_wait3A_367 = arith.constant 0 : i32
    %dma_wait3A_368 = tpu.memref_slice %arg2[%add3A_363, %dma_wait3A_367] : memref<50000x128xf32, #tpu.memory_space<hbm>> -> memref<1000x128xf32, #tpu.memory_space<hbm>>
    tpu.wait_dma2 semaphore(%dma_wait3A_366 : memref<!tpu.dma_semaphore, #tpu.memory_space<semaphore_mem>>) src(%arg3 : memref<1000x128xf32, #tpu.memory_space<vmem_shared>>) dst(%dma_wait3A_368 : memref<1000x128xf32, #tpu.memory_space<hbm>>)
    %add3A_369 = arith.constant 16000 : i32
    %add3A_370 = arith.addi %mul3A_0, %add3A_369 : i32
    %dma_start3A_371 = arith.constant 0 : i32
    %dma_start3A_372 = tpu.memref_slice %arg7[%dma_start3A_371] : memref<4x!tpu.dma_semaphore, #tpu.memory_space<semaphore_mem>> -> memref<1x!tpu.dma_semaphore, #tpu.memory_space<semaphore_mem>>
    %dma_start3A_373 = tpu.memref_squeeze %dma_start3A_372 : memref<1x!tpu.dma_semaphore, #tpu.memory_space<semaphore_mem>> -> memref<!tpu.dma_semaphore, #tpu.memory_space<semaphore_mem>>
    %dma_start3A_374 = arith.constant 0 : i32
    %dma_start3A_375 = tpu.memref_slice %arg1[%add3A_370, %dma_start3A_374] : memref<50000x128xf32, #tpu.memory_space<hbm>> -> memref<1000x128xf32, #tpu.memory_space<hbm>>
    tpu.enqueue_dma source(%dma_start3A_375 : memref<1000x128xf32, #tpu.memory_space<hbm>>) target(%arg3 : memref<1000x128xf32, #tpu.memory_space<vmem_shared>>) target_semaphore(%dma_start3A_373 : memref<!tpu.dma_semaphore, #tpu.memory_space<semaphore_mem>>)
    %add3A_376 = arith.constant 14000 : i32
    %add3A_377 = arith.addi %mul3A_0, %add3A_376 : i32
    %dma_wait3A_378 = arith.constant 2 : i32
    %dma_wait3A_379 = tpu.memref_slice %arg7[%dma_wait3A_378] : memref<4x!tpu.dma_semaphore, #tpu.memory_space<semaphore_mem>> -> memref<1x!tpu.dma_semaphore, #tpu.memory_space<semaphore_mem>>
    %dma_wait3A_380 = tpu.memref_squeeze %dma_wait3A_379 : memref<1x!tpu.dma_semaphore, #tpu.memory_space<semaphore_mem>> -> memref<!tpu.dma_semaphore, #tpu.memory_space<semaphore_mem>>
    %dma_wait3A_381 = arith.constant 0 : i32
    %dma_wait3A_382 = tpu.memref_slice %arg1[%add3A_377, %dma_wait3A_381] : memref<50000x128xf32, #tpu.memory_space<hbm>> -> memref<1000x128xf32, #tpu.memory_space<hbm>>
    tpu.wait_dma2 semaphore(%dma_wait3A_380 : memref<!tpu.dma_semaphore, #tpu.memory_space<semaphore_mem>>) src(%dma_wait3A_382 : memref<1000x128xf32, #tpu.memory_space<hbm>>) dst(%arg5 : memref<1000x128xf32, #tpu.memory_space<vmem_shared>>)
    %dma_start3A_383 = arith.constant 2 : i32
    %dma_start3A_384 = tpu.memref_slice %arg8[%dma_start3A_383] : memref<4x!tpu.dma_semaphore, #tpu.memory_space<semaphore_mem>> -> memref<1x!tpu.dma_semaphore, #tpu.memory_space<semaphore_mem>>
    %dma_start3A_385 = tpu.memref_squeeze %dma_start3A_384 : memref<1x!tpu.dma_semaphore, #tpu.memory_space<semaphore_mem>> -> memref<!tpu.dma_semaphore, #tpu.memory_space<semaphore_mem>>
    %dma_start3A_386 = arith.constant 0 : i32
    %dma_start3A_387 = tpu.memref_slice %arg2[%add3A_377, %dma_start3A_386] : memref<50000x128xf32, #tpu.memory_space<hbm>> -> memref<1000x128xf32, #tpu.memory_space<hbm>>
    tpu.enqueue_dma source(%arg5 : memref<1000x128xf32, #tpu.memory_space<vmem_shared>>) target(%dma_start3A_387 : memref<1000x128xf32, #tpu.memory_space<hbm>>) target_semaphore(%dma_start3A_385 : memref<!tpu.dma_semaphore, #tpu.memory_space<semaphore_mem>>)
    %add3A_388 = arith.constant 13000 : i32
    %add3A_389 = arith.addi %mul3A_0, %add3A_388 : i32
    %dma_wait3A_390 = arith.constant 1 : i32
    %dma_wait3A_391 = tpu.memref_slice %arg8[%dma_wait3A_390] : memref<4x!tpu.dma_semaphore, #tpu.memory_space<semaphore_mem>> -> memref<1x!tpu.dma_semaphore, #tpu.memory_space<semaphore_mem>>
    %dma_wait3A_392 = tpu.memref_squeeze %dma_wait3A_391 : memref<1x!tpu.dma_semaphore, #tpu.memory_space<semaphore_mem>> -> memref<!tpu.dma_semaphore, #tpu.memory_space<semaphore_mem>>
    %dma_wait3A_393 = arith.constant 0 : i32
    %dma_wait3A_394 = tpu.memref_slice %arg2[%add3A_389, %dma_wait3A_393] : memref<50000x128xf32, #tpu.memory_space<hbm>> -> memref<1000x128xf32, #tpu.memory_space<hbm>>
    tpu.wait_dma2 semaphore(%dma_wait3A_392 : memref<!tpu.dma_semaphore, #tpu.memory_space<semaphore_mem>>) src(%arg4 : memref<1000x128xf32, #tpu.memory_space<vmem_shared>>) dst(%dma_wait3A_394 : memref<1000x128xf32, #tpu.memory_space<hbm>>)
    %add3A_395 = arith.constant 17000 : i32
    %add3A_396 = arith.addi %mul3A_0, %add3A_395 : i32
    %dma_start3A_397 = arith.constant 1 : i32
    %dma_start3A_398 = tpu.memref_slice %arg7[%dma_start3A_397] : memref<4x!tpu.dma_semaphore, #tpu.memory_space<semaphore_mem>> -> memref<1x!tpu.dma_semaphore, #tpu.memory_space<semaphore_mem>>
    %dma_start3A_399 = tpu.memref_squeeze %dma_start3A_398 : memref<1x!tpu.dma_semaphore, #tpu.memory_space<semaphore_mem>> -> memref<!tpu.dma_semaphore, #tpu.memory_space<semaphore_mem>>
    %dma_start3A_400 = arith.constant 0 : i32
    %dma_start3A_401 = tpu.memref_slice %arg1[%add3A_396, %dma_start3A_400] : memref<50000x128xf32, #tpu.memory_space<hbm>> -> memref<1000x128xf32, #tpu.memory_space<hbm>>
    tpu.enqueue_dma source(%dma_start3A_401 : memref<1000x128xf32, #tpu.memory_space<hbm>>) target(%arg4 : memref<1000x128xf32, #tpu.memory_space<vmem_shared>>) target_semaphore(%dma_start3A_399 : memref<!tpu.dma_semaphore, #tpu.memory_space<semaphore_mem>>)
    %add3A_402 = arith.constant 15000 : i32
    %add3A_403 = arith.addi %mul3A_0, %add3A_402 : i32
    %dma_wait3A_404 = arith.constant 3 : i32
    %dma_wait3A_405 = tpu.memref_slice %arg7[%dma_wait3A_404] : memref<4x!tpu.dma_semaphore, #tpu.memory_space<semaphore_mem>> -> memref<1x!tpu.dma_semaphore, #tpu.memory_space<semaphore_mem>>
    %dma_wait3A_406 = tpu.memref_squeeze %dma_wait3A_405 : memref<1x!tpu.dma_semaphore, #tpu.memory_space<semaphore_mem>> -> memref<!tpu.dma_semaphore, #tpu.memory_space<semaphore_mem>>
    %dma_wait3A_407 = arith.constant 0 : i32
    %dma_wait3A_408 = tpu.memref_slice %arg1[%add3A_403, %dma_wait3A_407] : memref<50000x128xf32, #tpu.memory_space<hbm>> -> memref<1000x128xf32, #tpu.memory_space<hbm>>
    tpu.wait_dma2 semaphore(%dma_wait3A_406 : memref<!tpu.dma_semaphore, #tpu.memory_space<semaphore_mem>>) src(%dma_wait3A_408 : memref<1000x128xf32, #tpu.memory_space<hbm>>) dst(%arg6 : memref<1000x128xf32, #tpu.memory_space<vmem_shared>>)
    %dma_start3A_409 = arith.constant 3 : i32
    %dma_start3A_410 = tpu.memref_slice %arg8[%dma_start3A_409] : memref<4x!tpu.dma_semaphore, #tpu.memory_space<semaphore_mem>> -> memref<1x!tpu.dma_semaphore, #tpu.memory_space<semaphore_mem>>
    %dma_start3A_411 = tpu.memref_squeeze %dma_start3A_410 : memref<1x!tpu.dma_semaphore, #tpu.memory_space<semaphore_mem>> -> memref<!tpu.dma_semaphore, #tpu.memory_space<semaphore_mem>>
    %dma_start3A_412 = arith.constant 0 : i32
    %dma_start3A_413 = tpu.memref_slice %arg2[%add3A_403, %dma_start3A_412] : memref<50000x128xf32, #tpu.memory_space<hbm>> -> memref<1000x128xf32, #tpu.memory_space<hbm>>
    tpu.enqueue_dma source(%arg6 : memref<1000x128xf32, #tpu.memory_space<vmem_shared>>) target(%dma_start3A_413 : memref<1000x128xf32, #tpu.memory_space<hbm>>) target_semaphore(%dma_start3A_411 : memref<!tpu.dma_semaphore, #tpu.memory_space<semaphore_mem>>)
    %add3A_414 = arith.constant 14000 : i32
    %add3A_415 = arith.addi %mul3A_0, %add3A_414 : i32
    %dma_wait3A_416 = arith.constant 2 : i32
    %dma_wait3A_417 = tpu.memref_slice %arg8[%dma_wait3A_416] : memref<4x!tpu.dma_semaphore, #tpu.memory_space<semaphore_mem>> -> memref<1x!tpu.dma_semaphore, #tpu.memory_space<semaphore_mem>>
    %dma_wait3A_418 = tpu.memref_squeeze %dma_wait3A_417 : memref<1x!tpu.dma_semaphore, #tpu.memory_space<semaphore_mem>> -> memref<!tpu.dma_semaphore, #tpu.memory_space<semaphore_mem>>
    %dma_wait3A_419 = arith.constant 0 : i32
    %dma_wait3A_420 = tpu.memref_slice %arg2[%add3A_415, %dma_wait3A_419] : memref<50000x128xf32, #tpu.memory_space<hbm>> -> memref<1000x128xf32, #tpu.memory_space<hbm>>
    tpu.wait_dma2 semaphore(%dma_wait3A_418 : memref<!tpu.dma_semaphore, #tpu.memory_space<semaphore_mem>>) src(%arg5 : memref<1000x128xf32, #tpu.memory_space<vmem_shared>>) dst(%dma_wait3A_420 : memref<1000x128xf32, #tpu.memory_space<hbm>>)
    %add3A_421 = arith.constant 18000 : i32
    %add3A_422 = arith.addi %mul3A_0, %add3A_421 : i32
    %dma_start3A_423 = arith.constant 2 : i32
    %dma_start3A_424 = tpu.memref_slice %arg7[%dma_start3A_423] : memref<4x!tpu.dma_semaphore, #tpu.memory_space<semaphore_mem>> -> memref<1x!tpu.dma_semaphore, #tpu.memory_space<semaphore_mem>>
    %dma_start3A_425 = tpu.memref_squeeze %dma_start3A_424 : memref<1x!tpu.dma_semaphore, #tpu.memory_space<semaphore_mem>> -> memref<!tpu.dma_semaphore, #tpu.memory_space<semaphore_mem>>
    %dma_start3A_426 = arith.constant 0 : i32
    %dma_start3A_427 = tpu.memref_slice %arg1[%add3A_422, %dma_start3A_426] : memref<50000x128xf32, #tpu.memory_space<hbm>> -> memref<1000x128xf32, #tpu.memory_space<hbm>>
    tpu.enqueue_dma source(%dma_start3A_427 : memref<1000x128xf32, #tpu.memory_space<hbm>>) target(%arg5 : memref<1000x128xf32, #tpu.memory_space<vmem_shared>>) target_semaphore(%dma_start3A_425 : memref<!tpu.dma_semaphore, #tpu.memory_space<semaphore_mem>>)
    %add3A_428 = arith.constant 16000 : i32
    %add3A_429 = arith.addi %mul3A_0, %add3A_428 : i32
    %dma_wait3A_430 = arith.constant 0 : i32
    %dma_wait3A_431 = tpu.memref_slice %arg7[%dma_wait3A_430] : memref<4x!tpu.dma_semaphore, #tpu.memory_space<semaphore_mem>> -> memref<1x!tpu.dma_semaphore, #tpu.memory_space<semaphore_mem>>
    %dma_wait3A_432 = tpu.memref_squeeze %dma_wait3A_431 : memref<1x!tpu.dma_semaphore, #tpu.memory_space<semaphore_mem>> -> memref<!tpu.dma_semaphore, #tpu.memory_space<semaphore_mem>>
    %dma_wait3A_433 = arith.constant 0 : i32
    %dma_wait3A_434 = tpu.memref_slice %arg1[%add3A_429, %dma_wait3A_433] : memref<50000x128xf32, #tpu.memory_space<hbm>> -> memref<1000x128xf32, #tpu.memory_space<hbm>>
    tpu.wait_dma2 semaphore(%dma_wait3A_432 : memref<!tpu.dma_semaphore, #tpu.memory_space<semaphore_mem>>) src(%dma_wait3A_434 : memref<1000x128xf32, #tpu.memory_space<hbm>>) dst(%arg3 : memref<1000x128xf32, #tpu.memory_space<vmem_shared>>)
    %dma_start3A_435 = arith.constant 0 : i32
    %dma_start3A_436 = tpu.memref_slice %arg8[%dma_start3A_435] : memref<4x!tpu.dma_semaphore, #tpu.memory_space<semaphore_mem>> -> memref<1x!tpu.dma_semaphore, #tpu.memory_space<semaphore_mem>>
    %dma_start3A_437 = tpu.memref_squeeze %dma_start3A_436 : memref<1x!tpu.dma_semaphore, #tpu.memory_space<semaphore_mem>> -> memref<!tpu.dma_semaphore, #tpu.memory_space<semaphore_mem>>
    %dma_start3A_438 = arith.constant 0 : i32
    %dma_start3A_439 = tpu.memref_slice %arg2[%add3A_429, %dma_start3A_438] : memref<50000x128xf32, #tpu.memory_space<hbm>> -> memref<1000x128xf32, #tpu.memory_space<hbm>>
    tpu.enqueue_dma source(%arg3 : memref<1000x128xf32, #tpu.memory_space<vmem_shared>>) target(%dma_start3A_439 : memref<1000x128xf32, #tpu.memory_space<hbm>>) target_semaphore(%dma_start3A_437 : memref<!tpu.dma_semaphore, #tpu.memory_space<semaphore_mem>>)
    %add3A_440 = arith.constant 15000 : i32
    %add3A_441 = arith.addi %mul3A_0, %add3A_440 : i32
    %dma_wait3A_442 = arith.constant 3 : i32
    %dma_wait3A_443 = tpu.memref_slice %arg8[%dma_wait3A_442] : memref<4x!tpu.dma_semaphore, #tpu.memory_space<semaphore_mem>> -> memref<1x!tpu.dma_semaphore, #tpu.memory_space<semaphore_mem>>
    %dma_wait3A_444 = tpu.memref_squeeze %dma_wait3A_443 : memref<1x!tpu.dma_semaphore, #tpu.memory_space<semaphore_mem>> -> memref<!tpu.dma_semaphore, #tpu.memory_space<semaphore_mem>>
    %dma_wait3A_445 = arith.constant 0 : i32
    %dma_wait3A_446 = tpu.memref_slice %arg2[%add3A_441, %dma_wait3A_445] : memref<50000x128xf32, #tpu.memory_space<hbm>> -> memref<1000x128xf32, #tpu.memory_space<hbm>>
    tpu.wait_dma2 semaphore(%dma_wait3A_444 : memref<!tpu.dma_semaphore, #tpu.memory_space<semaphore_mem>>) src(%arg6 : memref<1000x128xf32, #tpu.memory_space<vmem_shared>>) dst(%dma_wait3A_446 : memref<1000x128xf32, #tpu.memory_space<hbm>>)
    %add3A_447 = arith.constant 19000 : i32
    %add3A_448 = arith.addi %mul3A_0, %add3A_447 : i32
    %dma_start3A_449 = arith.constant 3 : i32
    %dma_start3A_450 = tpu.memref_slice %arg7[%dma_start3A_449] : memref<4x!tpu.dma_semaphore, #tpu.memory_space<semaphore_mem>> -> memref<1x!tpu.dma_semaphore, #tpu.memory_space<semaphore_mem>>
    %dma_start3A_451 = tpu.memref_squeeze %dma_start3A_450 : memref<1x!tpu.dma_semaphore, #tpu.memory_space<semaphore_mem>> -> memref<!tpu.dma_semaphore, #tpu.memory_space<semaphore_mem>>
    %dma_start3A_452 = arith.constant 0 : i32
    %dma_start3A_453 = tpu.memref_slice %arg1[%add3A_448, %dma_start3A_452] : memref<50000x128xf32, #tpu.memory_space<hbm>> -> memref<1000x128xf32, #tpu.memory_space<hbm>>
    tpu.enqueue_dma source(%dma_start3A_453 : memref<1000x128xf32, #tpu.memory_space<hbm>>) target(%arg6 : memref<1000x128xf32, #tpu.memory_space<vmem_shared>>) target_semaphore(%dma_start3A_451 : memref<!tpu.dma_semaphore, #tpu.memory_space<semaphore_mem>>)
    %add3A_454 = arith.constant 17000 : i32
    %add3A_455 = arith.addi %mul3A_0, %add3A_454 : i32
    %dma_wait3A_456 = arith.constant 1 : i32
    %dma_wait3A_457 = tpu.memref_slice %arg7[%dma_wait3A_456] : memref<4x!tpu.dma_semaphore, #tpu.memory_space<semaphore_mem>> -> memref<1x!tpu.dma_semaphore, #tpu.memory_space<semaphore_mem>>
    %dma_wait3A_458 = tpu.memref_squeeze %dma_wait3A_457 : memref<1x!tpu.dma_semaphore, #tpu.memory_space<semaphore_mem>> -> memref<!tpu.dma_semaphore, #tpu.memory_space<semaphore_mem>>
    %dma_wait3A_459 = arith.constant 0 : i32
    %dma_wait3A_460 = tpu.memref_slice %arg1[%add3A_455, %dma_wait3A_459] : memref<50000x128xf32, #tpu.memory_space<hbm>> -> memref<1000x128xf32, #tpu.memory_space<hbm>>
    tpu.wait_dma2 semaphore(%dma_wait3A_458 : memref<!tpu.dma_semaphore, #tpu.memory_space<semaphore_mem>>) src(%dma_wait3A_460 : memref<1000x128xf32, #tpu.memory_space<hbm>>) dst(%arg4 : memref<1000x128xf32, #tpu.memory_space<vmem_shared>>)
    %dma_start3A_461 = arith.constant 1 : i32
    %dma_start3A_462 = tpu.memref_slice %arg8[%dma_start3A_461] : memref<4x!tpu.dma_semaphore, #tpu.memory_space<semaphore_mem>> -> memref<1x!tpu.dma_semaphore, #tpu.memory_space<semaphore_mem>>
    %dma_start3A_463 = tpu.memref_squeeze %dma_start3A_462 : memref<1x!tpu.dma_semaphore, #tpu.memory_space<semaphore_mem>> -> memref<!tpu.dma_semaphore, #tpu.memory_space<semaphore_mem>>
    %dma_start3A_464 = arith.constant 0 : i32
    %dma_start3A_465 = tpu.memref_slice %arg2[%add3A_455, %dma_start3A_464] : memref<50000x128xf32, #tpu.memory_space<hbm>> -> memref<1000x128xf32, #tpu.memory_space<hbm>>
    tpu.enqueue_dma source(%arg4 : memref<1000x128xf32, #tpu.memory_space<vmem_shared>>) target(%dma_start3A_465 : memref<1000x128xf32, #tpu.memory_space<hbm>>) target_semaphore(%dma_start3A_463 : memref<!tpu.dma_semaphore, #tpu.memory_space<semaphore_mem>>)
    %add3A_466 = arith.constant 16000 : i32
    %add3A_467 = arith.addi %mul3A_0, %add3A_466 : i32
    %dma_wait3A_468 = arith.constant 0 : i32
    %dma_wait3A_469 = tpu.memref_slice %arg8[%dma_wait3A_468] : memref<4x!tpu.dma_semaphore, #tpu.memory_space<semaphore_mem>> -> memref<1x!tpu.dma_semaphore, #tpu.memory_space<semaphore_mem>>
    %dma_wait3A_470 = tpu.memref_squeeze %dma_wait3A_469 : memref<1x!tpu.dma_semaphore, #tpu.memory_space<semaphore_mem>> -> memref<!tpu.dma_semaphore, #tpu.memory_space<semaphore_mem>>
    %dma_wait3A_471 = arith.constant 0 : i32
    %dma_wait3A_472 = tpu.memref_slice %arg2[%add3A_467, %dma_wait3A_471] : memref<50000x128xf32, #tpu.memory_space<hbm>> -> memref<1000x128xf32, #tpu.memory_space<hbm>>
    tpu.wait_dma2 semaphore(%dma_wait3A_470 : memref<!tpu.dma_semaphore, #tpu.memory_space<semaphore_mem>>) src(%arg3 : memref<1000x128xf32, #tpu.memory_space<vmem_shared>>) dst(%dma_wait3A_472 : memref<1000x128xf32, #tpu.memory_space<hbm>>)
    %add3A_473 = arith.constant 20000 : i32
    %add3A_474 = arith.addi %mul3A_0, %add3A_473 : i32
    %dma_start3A_475 = arith.constant 0 : i32
    %dma_start3A_476 = tpu.memref_slice %arg7[%dma_start3A_475] : memref<4x!tpu.dma_semaphore, #tpu.memory_space<semaphore_mem>> -> memref<1x!tpu.dma_semaphore, #tpu.memory_space<semaphore_mem>>
    %dma_start3A_477 = tpu.memref_squeeze %dma_start3A_476 : memref<1x!tpu.dma_semaphore, #tpu.memory_space<semaphore_mem>> -> memref<!tpu.dma_semaphore, #tpu.memory_space<semaphore_mem>>
    %dma_start3A_478 = arith.constant 0 : i32
    %dma_start3A_479 = tpu.memref_slice %arg1[%add3A_474, %dma_start3A_478] : memref<50000x128xf32, #tpu.memory_space<hbm>> -> memref<1000x128xf32, #tpu.memory_space<hbm>>
    tpu.enqueue_dma source(%dma_start3A_479 : memref<1000x128xf32, #tpu.memory_space<hbm>>) target(%arg3 : memref<1000x128xf32, #tpu.memory_space<vmem_shared>>) target_semaphore(%dma_start3A_477 : memref<!tpu.dma_semaphore, #tpu.memory_space<semaphore_mem>>)
    %add3A_480 = arith.constant 18000 : i32
    %add3A_481 = arith.addi %mul3A_0, %add3A_480 : i32
    %dma_wait3A_482 = arith.constant 2 : i32
    %dma_wait3A_483 = tpu.memref_slice %arg7[%dma_wait3A_482] : memref<4x!tpu.dma_semaphore, #tpu.memory_space<semaphore_mem>> -> memref<1x!tpu.dma_semaphore, #tpu.memory_space<semaphore_mem>>
    %dma_wait3A_484 = tpu.memref_squeeze %dma_wait3A_483 : memref<1x!tpu.dma_semaphore, #tpu.memory_space<semaphore_mem>> -> memref<!tpu.dma_semaphore, #tpu.memory_space<semaphore_mem>>
    %dma_wait3A_485 = arith.constant 0 : i32
    %dma_wait3A_486 = tpu.memref_slice %arg1[%add3A_481, %dma_wait3A_485] : memref<50000x128xf32, #tpu.memory_space<hbm>> -> memref<1000x128xf32, #tpu.memory_space<hbm>>
    tpu.wait_dma2 semaphore(%dma_wait3A_484 : memref<!tpu.dma_semaphore, #tpu.memory_space<semaphore_mem>>) src(%dma_wait3A_486 : memref<1000x128xf32, #tpu.memory_space<hbm>>) dst(%arg5 : memref<1000x128xf32, #tpu.memory_space<vmem_shared>>)
    %dma_start3A_487 = arith.constant 2 : i32
    %dma_start3A_488 = tpu.memref_slice %arg8[%dma_start3A_487] : memref<4x!tpu.dma_semaphore, #tpu.memory_space<semaphore_mem>> -> memref<1x!tpu.dma_semaphore, #tpu.memory_space<semaphore_mem>>
    %dma_start3A_489 = tpu.memref_squeeze %dma_start3A_488 : memref<1x!tpu.dma_semaphore, #tpu.memory_space<semaphore_mem>> -> memref<!tpu.dma_semaphore, #tpu.memory_space<semaphore_mem>>
    %dma_start3A_490 = arith.constant 0 : i32
    %dma_start3A_491 = tpu.memref_slice %arg2[%add3A_481, %dma_start3A_490] : memref<50000x128xf32, #tpu.memory_space<hbm>> -> memref<1000x128xf32, #tpu.memory_space<hbm>>
    tpu.enqueue_dma source(%arg5 : memref<1000x128xf32, #tpu.memory_space<vmem_shared>>) target(%dma_start3A_491 : memref<1000x128xf32, #tpu.memory_space<hbm>>) target_semaphore(%dma_start3A_489 : memref<!tpu.dma_semaphore, #tpu.memory_space<semaphore_mem>>)
    %add3A_492 = arith.constant 17000 : i32
    %add3A_493 = arith.addi %mul3A_0, %add3A_492 : i32
    %dma_wait3A_494 = arith.constant 1 : i32
    %dma_wait3A_495 = tpu.memref_slice %arg8[%dma_wait3A_494] : memref<4x!tpu.dma_semaphore, #tpu.memory_space<semaphore_mem>> -> memref<1x!tpu.dma_semaphore, #tpu.memory_space<semaphore_mem>>
    %dma_wait3A_496 = tpu.memref_squeeze %dma_wait3A_495 : memref<1x!tpu.dma_semaphore, #tpu.memory_space<semaphore_mem>> -> memref<!tpu.dma_semaphore, #tpu.memory_space<semaphore_mem>>
    %dma_wait3A_497 = arith.constant 0 : i32
    %dma_wait3A_498 = tpu.memref_slice %arg2[%add3A_493, %dma_wait3A_497] : memref<50000x128xf32, #tpu.memory_space<hbm>> -> memref<1000x128xf32, #tpu.memory_space<hbm>>
    tpu.wait_dma2 semaphore(%dma_wait3A_496 : memref<!tpu.dma_semaphore, #tpu.memory_space<semaphore_mem>>) src(%arg4 : memref<1000x128xf32, #tpu.memory_space<vmem_shared>>) dst(%dma_wait3A_498 : memref<1000x128xf32, #tpu.memory_space<hbm>>)
    %add3A_499 = arith.constant 21000 : i32
    %add3A_500 = arith.addi %mul3A_0, %add3A_499 : i32
    %dma_start3A_501 = arith.constant 1 : i32
    %dma_start3A_502 = tpu.memref_slice %arg7[%dma_start3A_501] : memref<4x!tpu.dma_semaphore, #tpu.memory_space<semaphore_mem>> -> memref<1x!tpu.dma_semaphore, #tpu.memory_space<semaphore_mem>>
    %dma_start3A_503 = tpu.memref_squeeze %dma_start3A_502 : memref<1x!tpu.dma_semaphore, #tpu.memory_space<semaphore_mem>> -> memref<!tpu.dma_semaphore, #tpu.memory_space<semaphore_mem>>
    %dma_start3A_504 = arith.constant 0 : i32
    %dma_start3A_505 = tpu.memref_slice %arg1[%add3A_500, %dma_start3A_504] : memref<50000x128xf32, #tpu.memory_space<hbm>> -> memref<1000x128xf32, #tpu.memory_space<hbm>>
    tpu.enqueue_dma source(%dma_start3A_505 : memref<1000x128xf32, #tpu.memory_space<hbm>>) target(%arg4 : memref<1000x128xf32, #tpu.memory_space<vmem_shared>>) target_semaphore(%dma_start3A_503 : memref<!tpu.dma_semaphore, #tpu.memory_space<semaphore_mem>>)
    %add3A_506 = arith.constant 19000 : i32
    %add3A_507 = arith.addi %mul3A_0, %add3A_506 : i32
    %dma_wait3A_508 = arith.constant 3 : i32
    %dma_wait3A_509 = tpu.memref_slice %arg7[%dma_wait3A_508] : memref<4x!tpu.dma_semaphore, #tpu.memory_space<semaphore_mem>> -> memref<1x!tpu.dma_semaphore, #tpu.memory_space<semaphore_mem>>
    %dma_wait3A_510 = tpu.memref_squeeze %dma_wait3A_509 : memref<1x!tpu.dma_semaphore, #tpu.memory_space<semaphore_mem>> -> memref<!tpu.dma_semaphore, #tpu.memory_space<semaphore_mem>>
    %dma_wait3A_511 = arith.constant 0 : i32
    %dma_wait3A_512 = tpu.memref_slice %arg1[%add3A_507, %dma_wait3A_511] : memref<50000x128xf32, #tpu.memory_space<hbm>> -> memref<1000x128xf32, #tpu.memory_space<hbm>>
    tpu.wait_dma2 semaphore(%dma_wait3A_510 : memref<!tpu.dma_semaphore, #tpu.memory_space<semaphore_mem>>) src(%dma_wait3A_512 : memref<1000x128xf32, #tpu.memory_space<hbm>>) dst(%arg6 : memref<1000x128xf32, #tpu.memory_space<vmem_shared>>)
    %dma_start3A_513 = arith.constant 3 : i32
    %dma_start3A_514 = tpu.memref_slice %arg8[%dma_start3A_513] : memref<4x!tpu.dma_semaphore, #tpu.memory_space<semaphore_mem>> -> memref<1x!tpu.dma_semaphore, #tpu.memory_space<semaphore_mem>>
    %dma_start3A_515 = tpu.memref_squeeze %dma_start3A_514 : memref<1x!tpu.dma_semaphore, #tpu.memory_space<semaphore_mem>> -> memref<!tpu.dma_semaphore, #tpu.memory_space<semaphore_mem>>
    %dma_start3A_516 = arith.constant 0 : i32
    %dma_start3A_517 = tpu.memref_slice %arg2[%add3A_507, %dma_start3A_516] : memref<50000x128xf32, #tpu.memory_space<hbm>> -> memref<1000x128xf32, #tpu.memory_space<hbm>>
    tpu.enqueue_dma source(%arg6 : memref<1000x128xf32, #tpu.memory_space<vmem_shared>>) target(%dma_start3A_517 : memref<1000x128xf32, #tpu.memory_space<hbm>>) target_semaphore(%dma_start3A_515 : memref<!tpu.dma_semaphore, #tpu.memory_space<semaphore_mem>>)
    %add3A_518 = arith.constant 18000 : i32
    %add3A_519 = arith.addi %mul3A_0, %add3A_518 : i32
    %dma_wait3A_520 = arith.constant 2 : i32
    %dma_wait3A_521 = tpu.memref_slice %arg8[%dma_wait3A_520] : memref<4x!tpu.dma_semaphore, #tpu.memory_space<semaphore_mem>> -> memref<1x!tpu.dma_semaphore, #tpu.memory_space<semaphore_mem>>
    %dma_wait3A_522 = tpu.memref_squeeze %dma_wait3A_521 : memref<1x!tpu.dma_semaphore, #tpu.memory_space<semaphore_mem>> -> memref<!tpu.dma_semaphore, #tpu.memory_space<semaphore_mem>>
    %dma_wait3A_523 = arith.constant 0 : i32
    %dma_wait3A_524 = tpu.memref_slice %arg2[%add3A_519, %dma_wait3A_523] : memref<50000x128xf32, #tpu.memory_space<hbm>> -> memref<1000x128xf32, #tpu.memory_space<hbm>>
    tpu.wait_dma2 semaphore(%dma_wait3A_522 : memref<!tpu.dma_semaphore, #tpu.memory_space<semaphore_mem>>) src(%arg5 : memref<1000x128xf32, #tpu.memory_space<vmem_shared>>) dst(%dma_wait3A_524 : memref<1000x128xf32, #tpu.memory_space<hbm>>)
    %add3A_525 = arith.constant 22000 : i32
    %add3A_526 = arith.addi %mul3A_0, %add3A_525 : i32
    %dma_start3A_527 = arith.constant 2 : i32
    %dma_start3A_528 = tpu.memref_slice %arg7[%dma_start3A_527] : memref<4x!tpu.dma_semaphore, #tpu.memory_space<semaphore_mem>> -> memref<1x!tpu.dma_semaphore, #tpu.memory_space<semaphore_mem>>
    %dma_start3A_529 = tpu.memref_squeeze %dma_start3A_528 : memref<1x!tpu.dma_semaphore, #tpu.memory_space<semaphore_mem>> -> memref<!tpu.dma_semaphore, #tpu.memory_space<semaphore_mem>>
    %dma_start3A_530 = arith.constant 0 : i32
    %dma_start3A_531 = tpu.memref_slice %arg1[%add3A_526, %dma_start3A_530] : memref<50000x128xf32, #tpu.memory_space<hbm>> -> memref<1000x128xf32, #tpu.memory_space<hbm>>
    tpu.enqueue_dma source(%dma_start3A_531 : memref<1000x128xf32, #tpu.memory_space<hbm>>) target(%arg5 : memref<1000x128xf32, #tpu.memory_space<vmem_shared>>) target_semaphore(%dma_start3A_529 : memref<!tpu.dma_semaphore, #tpu.memory_space<semaphore_mem>>)
    %add3A_532 = arith.constant 20000 : i32
    %add3A_533 = arith.addi %mul3A_0, %add3A_532 : i32
    %dma_wait3A_534 = arith.constant 0 : i32
    %dma_wait3A_535 = tpu.memref_slice %arg7[%dma_wait3A_534] : memref<4x!tpu.dma_semaphore, #tpu.memory_space<semaphore_mem>> -> memref<1x!tpu.dma_semaphore, #tpu.memory_space<semaphore_mem>>
    %dma_wait3A_536 = tpu.memref_squeeze %dma_wait3A_535 : memref<1x!tpu.dma_semaphore, #tpu.memory_space<semaphore_mem>> -> memref<!tpu.dma_semaphore, #tpu.memory_space<semaphore_mem>>
    %dma_wait3A_537 = arith.constant 0 : i32
    %dma_wait3A_538 = tpu.memref_slice %arg1[%add3A_533, %dma_wait3A_537] : memref<50000x128xf32, #tpu.memory_space<hbm>> -> memref<1000x128xf32, #tpu.memory_space<hbm>>
    tpu.wait_dma2 semaphore(%dma_wait3A_536 : memref<!tpu.dma_semaphore, #tpu.memory_space<semaphore_mem>>) src(%dma_wait3A_538 : memref<1000x128xf32, #tpu.memory_space<hbm>>) dst(%arg3 : memref<1000x128xf32, #tpu.memory_space<vmem_shared>>)
    %dma_start3A_539 = arith.constant 0 : i32
    %dma_start3A_540 = tpu.memref_slice %arg8[%dma_start3A_539] : memref<4x!tpu.dma_semaphore, #tpu.memory_space<semaphore_mem>> -> memref<1x!tpu.dma_semaphore, #tpu.memory_space<semaphore_mem>>
    %dma_start3A_541 = tpu.memref_squeeze %dma_start3A_540 : memref<1x!tpu.dma_semaphore, #tpu.memory_space<semaphore_mem>> -> memref<!tpu.dma_semaphore, #tpu.memory_space<semaphore_mem>>
    %dma_start3A_542 = arith.constant 0 : i32
    %dma_start3A_543 = tpu.memref_slice %arg2[%add3A_533, %dma_start3A_542] : memref<50000x128xf32, #tpu.memory_space<hbm>> -> memref<1000x128xf32, #tpu.memory_space<hbm>>
    tpu.enqueue_dma source(%arg3 : memref<1000x128xf32, #tpu.memory_space<vmem_shared>>) target(%dma_start3A_543 : memref<1000x128xf32, #tpu.memory_space<hbm>>) target_semaphore(%dma_start3A_541 : memref<!tpu.dma_semaphore, #tpu.memory_space<semaphore_mem>>)
    %add3A_544 = arith.constant 19000 : i32
    %add3A_545 = arith.addi %mul3A_0, %add3A_544 : i32
    %dma_wait3A_546 = arith.constant 3 : i32
    %dma_wait3A_547 = tpu.memref_slice %arg8[%dma_wait3A_546] : memref<4x!tpu.dma_semaphore, #tpu.memory_space<semaphore_mem>> -> memref<1x!tpu.dma_semaphore, #tpu.memory_space<semaphore_mem>>
    %dma_wait3A_548 = tpu.memref_squeeze %dma_wait3A_547 : memref<1x!tpu.dma_semaphore, #tpu.memory_space<semaphore_mem>> -> memref<!tpu.dma_semaphore, #tpu.memory_space<semaphore_mem>>
    %dma_wait3A_549 = arith.constant 0 : i32
    %dma_wait3A_550 = tpu.memref_slice %arg2[%add3A_545, %dma_wait3A_549] : memref<50000x128xf32, #tpu.memory_space<hbm>> -> memref<1000x128xf32, #tpu.memory_space<hbm>>
    tpu.wait_dma2 semaphore(%dma_wait3A_548 : memref<!tpu.dma_semaphore, #tpu.memory_space<semaphore_mem>>) src(%arg6 : memref<1000x128xf32, #tpu.memory_space<vmem_shared>>) dst(%dma_wait3A_550 : memref<1000x128xf32, #tpu.memory_space<hbm>>)
    %add3A_551 = arith.constant 23000 : i32
    %add3A_552 = arith.addi %mul3A_0, %add3A_551 : i32
    %dma_start3A_553 = arith.constant 3 : i32
    %dma_start3A_554 = tpu.memref_slice %arg7[%dma_start3A_553] : memref<4x!tpu.dma_semaphore, #tpu.memory_space<semaphore_mem>> -> memref<1x!tpu.dma_semaphore, #tpu.memory_space<semaphore_mem>>
    %dma_start3A_555 = tpu.memref_squeeze %dma_start3A_554 : memref<1x!tpu.dma_semaphore, #tpu.memory_space<semaphore_mem>> -> memref<!tpu.dma_semaphore, #tpu.memory_space<semaphore_mem>>
    %dma_start3A_556 = arith.constant 0 : i32
    %dma_start3A_557 = tpu.memref_slice %arg1[%add3A_552, %dma_start3A_556] : memref<50000x128xf32, #tpu.memory_space<hbm>> -> memref<1000x128xf32, #tpu.memory_space<hbm>>
    tpu.enqueue_dma source(%dma_start3A_557 : memref<1000x128xf32, #tpu.memory_space<hbm>>) target(%arg6 : memref<1000x128xf32, #tpu.memory_space<vmem_shared>>) target_semaphore(%dma_start3A_555 : memref<!tpu.dma_semaphore, #tpu.memory_space<semaphore_mem>>)
    %add3A_558 = arith.constant 21000 : i32
    %add3A_559 = arith.addi %mul3A_0, %add3A_558 : i32
    %dma_wait3A_560 = arith.constant 1 : i32
    %dma_wait3A_561 = tpu.memref_slice %arg7[%dma_wait3A_560] : memref<4x!tpu.dma_semaphore, #tpu.memory_space<semaphore_mem>> -> memref<1x!tpu.dma_semaphore, #tpu.memory_space<semaphore_mem>>
    %dma_wait3A_562 = tpu.memref_squeeze %dma_wait3A_561 : memref<1x!tpu.dma_semaphore, #tpu.memory_space<semaphore_mem>> -> memref<!tpu.dma_semaphore, #tpu.memory_space<semaphore_mem>>
    %dma_wait3A_563 = arith.constant 0 : i32
    %dma_wait3A_564 = tpu.memref_slice %arg1[%add3A_559, %dma_wait3A_563] : memref<50000x128xf32, #tpu.memory_space<hbm>> -> memref<1000x128xf32, #tpu.memory_space<hbm>>
    tpu.wait_dma2 semaphore(%dma_wait3A_562 : memref<!tpu.dma_semaphore, #tpu.memory_space<semaphore_mem>>) src(%dma_wait3A_564 : memref<1000x128xf32, #tpu.memory_space<hbm>>) dst(%arg4 : memref<1000x128xf32, #tpu.memory_space<vmem_shared>>)
    %dma_start3A_565 = arith.constant 1 : i32
    %dma_start3A_566 = tpu.memref_slice %arg8[%dma_start3A_565] : memref<4x!tpu.dma_semaphore, #tpu.memory_space<semaphore_mem>> -> memref<1x!tpu.dma_semaphore, #tpu.memory_space<semaphore_mem>>
    %dma_start3A_567 = tpu.memref_squeeze %dma_start3A_566 : memref<1x!tpu.dma_semaphore, #tpu.memory_space<semaphore_mem>> -> memref<!tpu.dma_semaphore, #tpu.memory_space<semaphore_mem>>
    %dma_start3A_568 = arith.constant 0 : i32
    %dma_start3A_569 = tpu.memref_slice %arg2[%add3A_559, %dma_start3A_568] : memref<50000x128xf32, #tpu.memory_space<hbm>> -> memref<1000x128xf32, #tpu.memory_space<hbm>>
    tpu.enqueue_dma source(%arg4 : memref<1000x128xf32, #tpu.memory_space<vmem_shared>>) target(%dma_start3A_569 : memref<1000x128xf32, #tpu.memory_space<hbm>>) target_semaphore(%dma_start3A_567 : memref<!tpu.dma_semaphore, #tpu.memory_space<semaphore_mem>>)
    %add3A_570 = arith.constant 20000 : i32
    %add3A_571 = arith.addi %mul3A_0, %add3A_570 : i32
    %dma_wait3A_572 = arith.constant 0 : i32
    %dma_wait3A_573 = tpu.memref_slice %arg8[%dma_wait3A_572] : memref<4x!tpu.dma_semaphore, #tpu.memory_space<semaphore_mem>> -> memref<1x!tpu.dma_semaphore, #tpu.memory_space<semaphore_mem>>
    %dma_wait3A_574 = tpu.memref_squeeze %dma_wait3A_573 : memref<1x!tpu.dma_semaphore, #tpu.memory_space<semaphore_mem>> -> memref<!tpu.dma_semaphore, #tpu.memory_space<semaphore_mem>>
    %dma_wait3A_575 = arith.constant 0 : i32
    %dma_wait3A_576 = tpu.memref_slice %arg2[%add3A_571, %dma_wait3A_575] : memref<50000x128xf32, #tpu.memory_space<hbm>> -> memref<1000x128xf32, #tpu.memory_space<hbm>>
    tpu.wait_dma2 semaphore(%dma_wait3A_574 : memref<!tpu.dma_semaphore, #tpu.memory_space<semaphore_mem>>) src(%arg3 : memref<1000x128xf32, #tpu.memory_space<vmem_shared>>) dst(%dma_wait3A_576 : memref<1000x128xf32, #tpu.memory_space<hbm>>)
    %add3A_577 = arith.constant 24000 : i32
    %add3A_578 = arith.addi %mul3A_0, %add3A_577 : i32
    %dma_start3A_579 = arith.constant 0 : i32
    %dma_start3A_580 = tpu.memref_slice %arg7[%dma_start3A_579] : memref<4x!tpu.dma_semaphore, #tpu.memory_space<semaphore_mem>> -> memref<1x!tpu.dma_semaphore, #tpu.memory_space<semaphore_mem>>
    %dma_start3A_581 = tpu.memref_squeeze %dma_start3A_580 : memref<1x!tpu.dma_semaphore, #tpu.memory_space<semaphore_mem>> -> memref<!tpu.dma_semaphore, #tpu.memory_space<semaphore_mem>>
    %dma_start3A_582 = arith.constant 0 : i32
    %dma_start3A_583 = tpu.memref_slice %arg1[%add3A_578, %dma_start3A_582] : memref<50000x128xf32, #tpu.memory_space<hbm>> -> memref<1000x128xf32, #tpu.memory_space<hbm>>
    tpu.enqueue_dma source(%dma_start3A_583 : memref<1000x128xf32, #tpu.memory_space<hbm>>) target(%arg3 : memref<1000x128xf32, #tpu.memory_space<vmem_shared>>) target_semaphore(%dma_start3A_581 : memref<!tpu.dma_semaphore, #tpu.memory_space<semaphore_mem>>)
    %add3A_584 = arith.constant 22000 : i32
    %add3A_585 = arith.addi %mul3A_0, %add3A_584 : i32
    %dma_wait3A_586 = arith.constant 2 : i32
    %dma_wait3A_587 = tpu.memref_slice %arg7[%dma_wait3A_586] : memref<4x!tpu.dma_semaphore, #tpu.memory_space<semaphore_mem>> -> memref<1x!tpu.dma_semaphore, #tpu.memory_space<semaphore_mem>>
    %dma_wait3A_588 = tpu.memref_squeeze %dma_wait3A_587 : memref<1x!tpu.dma_semaphore, #tpu.memory_space<semaphore_mem>> -> memref<!tpu.dma_semaphore, #tpu.memory_space<semaphore_mem>>
    %dma_wait3A_589 = arith.constant 0 : i32
    %dma_wait3A_590 = tpu.memref_slice %arg1[%add3A_585, %dma_wait3A_589] : memref<50000x128xf32, #tpu.memory_space<hbm>> -> memref<1000x128xf32, #tpu.memory_space<hbm>>
    tpu.wait_dma2 semaphore(%dma_wait3A_588 : memref<!tpu.dma_semaphore, #tpu.memory_space<semaphore_mem>>) src(%dma_wait3A_590 : memref<1000x128xf32, #tpu.memory_space<hbm>>) dst(%arg5 : memref<1000x128xf32, #tpu.memory_space<vmem_shared>>)
    %dma_start3A_591 = arith.constant 2 : i32
    %dma_start3A_592 = tpu.memref_slice %arg8[%dma_start3A_591] : memref<4x!tpu.dma_semaphore, #tpu.memory_space<semaphore_mem>> -> memref<1x!tpu.dma_semaphore, #tpu.memory_space<semaphore_mem>>
    %dma_start3A_593 = tpu.memref_squeeze %dma_start3A_592 : memref<1x!tpu.dma_semaphore, #tpu.memory_space<semaphore_mem>> -> memref<!tpu.dma_semaphore, #tpu.memory_space<semaphore_mem>>
    %dma_start3A_594 = arith.constant 0 : i32
    %dma_start3A_595 = tpu.memref_slice %arg2[%add3A_585, %dma_start3A_594] : memref<50000x128xf32, #tpu.memory_space<hbm>> -> memref<1000x128xf32, #tpu.memory_space<hbm>>
    tpu.enqueue_dma source(%arg5 : memref<1000x128xf32, #tpu.memory_space<vmem_shared>>) target(%dma_start3A_595 : memref<1000x128xf32, #tpu.memory_space<hbm>>) target_semaphore(%dma_start3A_593 : memref<!tpu.dma_semaphore, #tpu.memory_space<semaphore_mem>>)
    %add3A_596 = arith.constant 23000 : i32
    %add3A_597 = arith.addi %mul3A_0, %add3A_596 : i32
    %dma_wait3A_598 = arith.constant 3 : i32
    %dma_wait3A_599 = tpu.memref_slice %arg7[%dma_wait3A_598] : memref<4x!tpu.dma_semaphore, #tpu.memory_space<semaphore_mem>> -> memref<1x!tpu.dma_semaphore, #tpu.memory_space<semaphore_mem>>
    %dma_wait3A_600 = tpu.memref_squeeze %dma_wait3A_599 : memref<1x!tpu.dma_semaphore, #tpu.memory_space<semaphore_mem>> -> memref<!tpu.dma_semaphore, #tpu.memory_space<semaphore_mem>>
    %dma_wait3A_601 = arith.constant 0 : i32
    %dma_wait3A_602 = tpu.memref_slice %arg1[%add3A_597, %dma_wait3A_601] : memref<50000x128xf32, #tpu.memory_space<hbm>> -> memref<1000x128xf32, #tpu.memory_space<hbm>>
    tpu.wait_dma2 semaphore(%dma_wait3A_600 : memref<!tpu.dma_semaphore, #tpu.memory_space<semaphore_mem>>) src(%dma_wait3A_602 : memref<1000x128xf32, #tpu.memory_space<hbm>>) dst(%arg6 : memref<1000x128xf32, #tpu.memory_space<vmem_shared>>)
    %dma_start3A_603 = arith.constant 3 : i32
    %dma_start3A_604 = tpu.memref_slice %arg8[%dma_start3A_603] : memref<4x!tpu.dma_semaphore, #tpu.memory_space<semaphore_mem>> -> memref<1x!tpu.dma_semaphore, #tpu.memory_space<semaphore_mem>>
    %dma_start3A_605 = tpu.memref_squeeze %dma_start3A_604 : memref<1x!tpu.dma_semaphore, #tpu.memory_space<semaphore_mem>> -> memref<!tpu.dma_semaphore, #tpu.memory_space<semaphore_mem>>
    %dma_start3A_606 = arith.constant 0 : i32
    %dma_start3A_607 = tpu.memref_slice %arg2[%add3A_597, %dma_start3A_606] : memref<50000x128xf32, #tpu.memory_space<hbm>> -> memref<1000x128xf32, #tpu.memory_space<hbm>>
    tpu.enqueue_dma source(%arg6 : memref<1000x128xf32, #tpu.memory_space<vmem_shared>>) target(%dma_start3A_607 : memref<1000x128xf32, #tpu.memory_space<hbm>>) target_semaphore(%dma_start3A_605 : memref<!tpu.dma_semaphore, #tpu.memory_space<semaphore_mem>>)
    %add3A_608 = arith.constant 24000 : i32
    %add3A_609 = arith.addi %mul3A_0, %add3A_608 : i32
    %dma_wait3A_610 = arith.constant 0 : i32
    %dma_wait3A_611 = tpu.memref_slice %arg7[%dma_wait3A_610] : memref<4x!tpu.dma_semaphore, #tpu.memory_space<semaphore_mem>> -> memref<1x!tpu.dma_semaphore, #tpu.memory_space<semaphore_mem>>
    %dma_wait3A_612 = tpu.memref_squeeze %dma_wait3A_611 : memref<1x!tpu.dma_semaphore, #tpu.memory_space<semaphore_mem>> -> memref<!tpu.dma_semaphore, #tpu.memory_space<semaphore_mem>>
    %dma_wait3A_613 = arith.constant 0 : i32
    %dma_wait3A_614 = tpu.memref_slice %arg1[%add3A_609, %dma_wait3A_613] : memref<50000x128xf32, #tpu.memory_space<hbm>> -> memref<1000x128xf32, #tpu.memory_space<hbm>>
    tpu.wait_dma2 semaphore(%dma_wait3A_612 : memref<!tpu.dma_semaphore, #tpu.memory_space<semaphore_mem>>) src(%dma_wait3A_614 : memref<1000x128xf32, #tpu.memory_space<hbm>>) dst(%arg3 : memref<1000x128xf32, #tpu.memory_space<vmem_shared>>)
    %dma_start3A_615 = arith.constant 0 : i32
    %dma_start3A_616 = tpu.memref_slice %arg8[%dma_start3A_615] : memref<4x!tpu.dma_semaphore, #tpu.memory_space<semaphore_mem>> -> memref<1x!tpu.dma_semaphore, #tpu.memory_space<semaphore_mem>>
    %dma_start3A_617 = tpu.memref_squeeze %dma_start3A_616 : memref<1x!tpu.dma_semaphore, #tpu.memory_space<semaphore_mem>> -> memref<!tpu.dma_semaphore, #tpu.memory_space<semaphore_mem>>
    %dma_start3A_618 = arith.constant 0 : i32
    %dma_start3A_619 = tpu.memref_slice %arg2[%add3A_609, %dma_start3A_618] : memref<50000x128xf32, #tpu.memory_space<hbm>> -> memref<1000x128xf32, #tpu.memory_space<hbm>>
    tpu.enqueue_dma source(%arg3 : memref<1000x128xf32, #tpu.memory_space<vmem_shared>>) target(%dma_start3A_619 : memref<1000x128xf32, #tpu.memory_space<hbm>>) target_semaphore(%dma_start3A_617 : memref<!tpu.dma_semaphore, #tpu.memory_space<semaphore_mem>>)
    %add3A_620 = arith.constant 21000 : i32
    %add3A_621 = arith.addi %mul3A_0, %add3A_620 : i32
    %dma_wait3A_622 = arith.constant 1 : i32
    %dma_wait3A_623 = tpu.memref_slice %arg8[%dma_wait3A_622] : memref<4x!tpu.dma_semaphore, #tpu.memory_space<semaphore_mem>> -> memref<1x!tpu.dma_semaphore, #tpu.memory_space<semaphore_mem>>
    %dma_wait3A_624 = tpu.memref_squeeze %dma_wait3A_623 : memref<1x!tpu.dma_semaphore, #tpu.memory_space<semaphore_mem>> -> memref<!tpu.dma_semaphore, #tpu.memory_space<semaphore_mem>>
    %dma_wait3A_625 = arith.constant 0 : i32
    %dma_wait3A_626 = tpu.memref_slice %arg2[%add3A_621, %dma_wait3A_625] : memref<50000x128xf32, #tpu.memory_space<hbm>> -> memref<1000x128xf32, #tpu.memory_space<hbm>>
    tpu.wait_dma2 semaphore(%dma_wait3A_624 : memref<!tpu.dma_semaphore, #tpu.memory_space<semaphore_mem>>) src(%arg4 : memref<1000x128xf32, #tpu.memory_space<vmem_shared>>) dst(%dma_wait3A_626 : memref<1000x128xf32, #tpu.memory_space<hbm>>)
    %add3A_627 = arith.constant 22000 : i32
    %add3A_628 = arith.addi %mul3A_0, %add3A_627 : i32
    %dma_wait3A_629 = arith.constant 2 : i32
    %dma_wait3A_630 = tpu.memref_slice %arg8[%dma_wait3A_629] : memref<4x!tpu.dma_semaphore, #tpu.memory_space<semaphore_mem>> -> memref<1x!tpu.dma_semaphore, #tpu.memory_space<semaphore_mem>>
    %dma_wait3A_631 = tpu.memref_squeeze %dma_wait3A_630 : memref<1x!tpu.dma_semaphore, #tpu.memory_space<semaphore_mem>> -> memref<!tpu.dma_semaphore, #tpu.memory_space<semaphore_mem>>
    %dma_wait3A_632 = arith.constant 0 : i32
    %dma_wait3A_633 = tpu.memref_slice %arg2[%add3A_628, %dma_wait3A_632] : memref<50000x128xf32, #tpu.memory_space<hbm>> -> memref<1000x128xf32, #tpu.memory_space<hbm>>
    tpu.wait_dma2 semaphore(%dma_wait3A_631 : memref<!tpu.dma_semaphore, #tpu.memory_space<semaphore_mem>>) src(%arg5 : memref<1000x128xf32, #tpu.memory_space<vmem_shared>>) dst(%dma_wait3A_633 : memref<1000x128xf32, #tpu.memory_space<hbm>>)
    %add3A_634 = arith.constant 23000 : i32
    %add3A_635 = arith.addi %mul3A_0, %add3A_634 : i32
    %dma_wait3A_636 = arith.constant 3 : i32
    %dma_wait3A_637 = tpu.memref_slice %arg8[%dma_wait3A_636] : memref<4x!tpu.dma_semaphore, #tpu.memory_space<semaphore_mem>> -> memref<1x!tpu.dma_semaphore, #tpu.memory_space<semaphore_mem>>
    %dma_wait3A_638 = tpu.memref_squeeze %dma_wait3A_637 : memref<1x!tpu.dma_semaphore, #tpu.memory_space<semaphore_mem>> -> memref<!tpu.dma_semaphore, #tpu.memory_space<semaphore_mem>>
    %dma_wait3A_639 = arith.constant 0 : i32
    %dma_wait3A_640 = tpu.memref_slice %arg2[%add3A_635, %dma_wait3A_639] : memref<50000x128xf32, #tpu.memory_space<hbm>> -> memref<1000x128xf32, #tpu.memory_space<hbm>>
    tpu.wait_dma2 semaphore(%dma_wait3A_638 : memref<!tpu.dma_semaphore, #tpu.memory_space<semaphore_mem>>) src(%arg6 : memref<1000x128xf32, #tpu.memory_space<vmem_shared>>) dst(%dma_wait3A_640 : memref<1000x128xf32, #tpu.memory_space<hbm>>)
    %add3A_641 = arith.constant 24000 : i32
    %add3A_642 = arith.addi %mul3A_0, %add3A_641 : i32
    %dma_wait3A_643 = arith.constant 0 : i32
    %dma_wait3A_644 = tpu.memref_slice %arg8[%dma_wait3A_643] : memref<4x!tpu.dma_semaphore, #tpu.memory_space<semaphore_mem>> -> memref<1x!tpu.dma_semaphore, #tpu.memory_space<semaphore_mem>>
    %dma_wait3A_645 = tpu.memref_squeeze %dma_wait3A_644 : memref<1x!tpu.dma_semaphore, #tpu.memory_space<semaphore_mem>> -> memref<!tpu.dma_semaphore, #tpu.memory_space<semaphore_mem>>
    %dma_wait3A_646 = arith.constant 0 : i32
    %dma_wait3A_647 = tpu.memref_slice %arg2[%add3A_642, %dma_wait3A_646] : memref<50000x128xf32, #tpu.memory_space<hbm>> -> memref<1000x128xf32, #tpu.memory_space<hbm>>
    tpu.wait_dma2 semaphore(%dma_wait3A_645 : memref<!tpu.dma_semaphore, #tpu.memory_space<semaphore_mem>>) src(%arg3 : memref<1000x128xf32, #tpu.memory_space<vmem_shared>>) dst(%dma_wait3A_647 : memref<1000x128xf32, #tpu.memory_space<hbm>>)
    return
  }
}

module attributes {stable_mosaic.version = 14 : i64} {
  func.func @_tc_copy_body(%arg0: memref<100000x128xi32, #tpu.memory_space<any>>, %arg1: memref<100000x128xi32, #tpu.memory_space<any>>, %arg2: memref<6x4000x128xi32, #tpu.memory_space<vmem>>, %arg3: memref<6x!tpu.dma_semaphore, #tpu.memory_space<semaphore_mem>>, %arg4: memref<6x!tpu.dma_semaphore, #tpu.memory_space<semaphore_mem>>) attributes {dimension_semantics = [], scalar_prefetch = 0 : i64, scratch_operands = 3 : i64, tpu.core_type = #tpu.core_type<tc>} {
    %dma_start3A = arith.constant 0 : i32
    %dma_start3A_0 = arith.constant 0 : i32
    %dma_start3A_1 = tpu.memref_slice %arg3[%dma_start3A_0] : memref<6x!tpu.dma_semaphore, #tpu.memory_space<semaphore_mem>> -> memref<1x!tpu.dma_semaphore, #tpu.memory_space<semaphore_mem>>
    %dma_start3A_2 = tpu.memref_squeeze %dma_start3A_1 : memref<1x!tpu.dma_semaphore, #tpu.memory_space<semaphore_mem>> -> memref<!tpu.dma_semaphore, #tpu.memory_space<semaphore_mem>>
    %dma_start3A_3 = arith.constant 0 : i32
    %dma_start3A_4 = arith.constant 0 : i32
    %dma_start3A_5 = tpu.memref_slice %arg2[%dma_start3A, %dma_start3A_3, %dma_start3A_4] : memref<6x4000x128xi32, #tpu.memory_space<vmem>> -> memref<1x4000x128xi32, #tpu.memory_space<vmem>>
    %dma_start3A_6 = tpu.memref_squeeze %dma_start3A_5 : memref<1x4000x128xi32, #tpu.memory_space<vmem>> -> memref<4000x128xi32, #tpu.memory_space<vmem>>
    %dma_start3A_7 = arith.constant 0 : i32
    %dma_start3A_8 = arith.constant 0 : i32
    %dma_start3A_9 = tpu.memref_slice %arg0[%dma_start3A_7, %dma_start3A_8] : memref<100000x128xi32, #tpu.memory_space<any>> -> memref<4000x128xi32, #tpu.memory_space<any>>
    tpu.enqueue_dma source(%dma_start3A_9 : memref<4000x128xi32, #tpu.memory_space<any>>) target(%dma_start3A_6 : memref<4000x128xi32, #tpu.memory_space<vmem>>) target_semaphore(%dma_start3A_2 : memref<!tpu.dma_semaphore, #tpu.memory_space<semaphore_mem>>)
    %dma_start3A_10 = arith.constant 1 : i32
    %dma_start3A_11 = arith.constant 1 : i32
    %dma_start3A_12 = tpu.memref_slice %arg3[%dma_start3A_11] : memref<6x!tpu.dma_semaphore, #tpu.memory_space<semaphore_mem>> -> memref<1x!tpu.dma_semaphore, #tpu.memory_space<semaphore_mem>>
    %dma_start3A_13 = tpu.memref_squeeze %dma_start3A_12 : memref<1x!tpu.dma_semaphore, #tpu.memory_space<semaphore_mem>> -> memref<!tpu.dma_semaphore, #tpu.memory_space<semaphore_mem>>
    %dma_start3A_14 = arith.constant 0 : i32
    %dma_start3A_15 = arith.constant 0 : i32
    %dma_start3A_16 = tpu.memref_slice %arg2[%dma_start3A_10, %dma_start3A_14, %dma_start3A_15] : memref<6x4000x128xi32, #tpu.memory_space<vmem>> -> memref<1x4000x128xi32, #tpu.memory_space<vmem>>
    %dma_start3A_17 = tpu.memref_squeeze %dma_start3A_16 : memref<1x4000x128xi32, #tpu.memory_space<vmem>> -> memref<4000x128xi32, #tpu.memory_space<vmem>>
    %dma_start3A_18 = arith.constant 4000 : i32
    %dma_start3A_19 = arith.constant 0 : i32
    %dma_start3A_20 = tpu.memref_slice %arg0[%dma_start3A_18, %dma_start3A_19] : memref<100000x128xi32, #tpu.memory_space<any>> -> memref<4000x128xi32, #tpu.memory_space<any>>
    tpu.enqueue_dma source(%dma_start3A_20 : memref<4000x128xi32, #tpu.memory_space<any>>) target(%dma_start3A_17 : memref<4000x128xi32, #tpu.memory_space<vmem>>) target_semaphore(%dma_start3A_13 : memref<!tpu.dma_semaphore, #tpu.memory_space<semaphore_mem>>)
    %dma_start3A_21 = arith.constant 2 : i32
    %dma_start3A_22 = arith.constant 2 : i32
    %dma_start3A_23 = tpu.memref_slice %arg3[%dma_start3A_22] : memref<6x!tpu.dma_semaphore, #tpu.memory_space<semaphore_mem>> -> memref<1x!tpu.dma_semaphore, #tpu.memory_space<semaphore_mem>>
    %dma_start3A_24 = tpu.memref_squeeze %dma_start3A_23 : memref<1x!tpu.dma_semaphore, #tpu.memory_space<semaphore_mem>> -> memref<!tpu.dma_semaphore, #tpu.memory_space<semaphore_mem>>
    %dma_start3A_25 = arith.constant 0 : i32
    %dma_start3A_26 = arith.constant 0 : i32
    %dma_start3A_27 = tpu.memref_slice %arg2[%dma_start3A_21, %dma_start3A_25, %dma_start3A_26] : memref<6x4000x128xi32, #tpu.memory_space<vmem>> -> memref<1x4000x128xi32, #tpu.memory_space<vmem>>
    %dma_start3A_28 = tpu.memref_squeeze %dma_start3A_27 : memref<1x4000x128xi32, #tpu.memory_space<vmem>> -> memref<4000x128xi32, #tpu.memory_space<vmem>>
    %dma_start3A_29 = arith.constant 8000 : i32
    %dma_start3A_30 = arith.constant 0 : i32
    %dma_start3A_31 = tpu.memref_slice %arg0[%dma_start3A_29, %dma_start3A_30] : memref<100000x128xi32, #tpu.memory_space<any>> -> memref<4000x128xi32, #tpu.memory_space<any>>
    tpu.enqueue_dma source(%dma_start3A_31 : memref<4000x128xi32, #tpu.memory_space<any>>) target(%dma_start3A_28 : memref<4000x128xi32, #tpu.memory_space<vmem>>) target_semaphore(%dma_start3A_24 : memref<!tpu.dma_semaphore, #tpu.memory_space<semaphore_mem>>)
    %dma_start3A_32 = arith.constant 3 : i32
    %dma_start3A_33 = arith.constant 3 : i32
    %dma_start3A_34 = tpu.memref_slice %arg3[%dma_start3A_33] : memref<6x!tpu.dma_semaphore, #tpu.memory_space<semaphore_mem>> -> memref<1x!tpu.dma_semaphore, #tpu.memory_space<semaphore_mem>>
    %dma_start3A_35 = tpu.memref_squeeze %dma_start3A_34 : memref<1x!tpu.dma_semaphore, #tpu.memory_space<semaphore_mem>> -> memref<!tpu.dma_semaphore, #tpu.memory_space<semaphore_mem>>
    %dma_start3A_36 = arith.constant 0 : i32
    %dma_start3A_37 = arith.constant 0 : i32
    %dma_start3A_38 = tpu.memref_slice %arg2[%dma_start3A_32, %dma_start3A_36, %dma_start3A_37] : memref<6x4000x128xi32, #tpu.memory_space<vmem>> -> memref<1x4000x128xi32, #tpu.memory_space<vmem>>
    %dma_start3A_39 = tpu.memref_squeeze %dma_start3A_38 : memref<1x4000x128xi32, #tpu.memory_space<vmem>> -> memref<4000x128xi32, #tpu.memory_space<vmem>>
    %dma_start3A_40 = arith.constant 12000 : i32
    %dma_start3A_41 = arith.constant 0 : i32
    %dma_start3A_42 = tpu.memref_slice %arg0[%dma_start3A_40, %dma_start3A_41] : memref<100000x128xi32, #tpu.memory_space<any>> -> memref<4000x128xi32, #tpu.memory_space<any>>
    tpu.enqueue_dma source(%dma_start3A_42 : memref<4000x128xi32, #tpu.memory_space<any>>) target(%dma_start3A_39 : memref<4000x128xi32, #tpu.memory_space<vmem>>) target_semaphore(%dma_start3A_35 : memref<!tpu.dma_semaphore, #tpu.memory_space<semaphore_mem>>)
    %dma_start3A_43 = arith.constant 4 : i32
    %dma_start3A_44 = arith.constant 4 : i32
    %dma_start3A_45 = tpu.memref_slice %arg3[%dma_start3A_44] : memref<6x!tpu.dma_semaphore, #tpu.memory_space<semaphore_mem>> -> memref<1x!tpu.dma_semaphore, #tpu.memory_space<semaphore_mem>>
    %dma_start3A_46 = tpu.memref_squeeze %dma_start3A_45 : memref<1x!tpu.dma_semaphore, #tpu.memory_space<semaphore_mem>> -> memref<!tpu.dma_semaphore, #tpu.memory_space<semaphore_mem>>
    %dma_start3A_47 = arith.constant 0 : i32
    %dma_start3A_48 = arith.constant 0 : i32
    %dma_start3A_49 = tpu.memref_slice %arg2[%dma_start3A_43, %dma_start3A_47, %dma_start3A_48] : memref<6x4000x128xi32, #tpu.memory_space<vmem>> -> memref<1x4000x128xi32, #tpu.memory_space<vmem>>
    %dma_start3A_50 = tpu.memref_squeeze %dma_start3A_49 : memref<1x4000x128xi32, #tpu.memory_space<vmem>> -> memref<4000x128xi32, #tpu.memory_space<vmem>>
    %dma_start3A_51 = arith.constant 16000 : i32
    %dma_start3A_52 = arith.constant 0 : i32
    %dma_start3A_53 = tpu.memref_slice %arg0[%dma_start3A_51, %dma_start3A_52] : memref<100000x128xi32, #tpu.memory_space<any>> -> memref<4000x128xi32, #tpu.memory_space<any>>
    tpu.enqueue_dma source(%dma_start3A_53 : memref<4000x128xi32, #tpu.memory_space<any>>) target(%dma_start3A_50 : memref<4000x128xi32, #tpu.memory_space<vmem>>) target_semaphore(%dma_start3A_46 : memref<!tpu.dma_semaphore, #tpu.memory_space<semaphore_mem>>)
    %dma_start3A_54 = arith.constant 5 : i32
    %dma_start3A_55 = arith.constant 5 : i32
    %dma_start3A_56 = tpu.memref_slice %arg3[%dma_start3A_55] : memref<6x!tpu.dma_semaphore, #tpu.memory_space<semaphore_mem>> -> memref<1x!tpu.dma_semaphore, #tpu.memory_space<semaphore_mem>>
    %dma_start3A_57 = tpu.memref_squeeze %dma_start3A_56 : memref<1x!tpu.dma_semaphore, #tpu.memory_space<semaphore_mem>> -> memref<!tpu.dma_semaphore, #tpu.memory_space<semaphore_mem>>
    %dma_start3A_58 = arith.constant 0 : i32
    %dma_start3A_59 = arith.constant 0 : i32
    %dma_start3A_60 = tpu.memref_slice %arg2[%dma_start3A_54, %dma_start3A_58, %dma_start3A_59] : memref<6x4000x128xi32, #tpu.memory_space<vmem>> -> memref<1x4000x128xi32, #tpu.memory_space<vmem>>
    %dma_start3A_61 = tpu.memref_squeeze %dma_start3A_60 : memref<1x4000x128xi32, #tpu.memory_space<vmem>> -> memref<4000x128xi32, #tpu.memory_space<vmem>>
    %dma_start3A_62 = arith.constant 20000 : i32
    %dma_start3A_63 = arith.constant 0 : i32
    %dma_start3A_64 = tpu.memref_slice %arg0[%dma_start3A_62, %dma_start3A_63] : memref<100000x128xi32, #tpu.memory_space<any>> -> memref<4000x128xi32, #tpu.memory_space<any>>
    tpu.enqueue_dma source(%dma_start3A_64 : memref<4000x128xi32, #tpu.memory_space<any>>) target(%dma_start3A_61 : memref<4000x128xi32, #tpu.memory_space<vmem>>) target_semaphore(%dma_start3A_57 : memref<!tpu.dma_semaphore, #tpu.memory_space<semaphore_mem>>)
    %dma_wait3A = arith.constant 0 : i32
    %dma_wait3A_65 = arith.constant 0 : i32
    %dma_wait3A_66 = tpu.memref_slice %arg3[%dma_wait3A_65] : memref<6x!tpu.dma_semaphore, #tpu.memory_space<semaphore_mem>> -> memref<1x!tpu.dma_semaphore, #tpu.memory_space<semaphore_mem>>
    %dma_wait3A_67 = tpu.memref_squeeze %dma_wait3A_66 : memref<1x!tpu.dma_semaphore, #tpu.memory_space<semaphore_mem>> -> memref<!tpu.dma_semaphore, #tpu.memory_space<semaphore_mem>>
    %dma_wait3A_68 = arith.constant 0 : i32
    %dma_wait3A_69 = arith.constant 0 : i32
    %dma_wait3A_70 = tpu.memref_slice %arg2[%dma_wait3A, %dma_wait3A_68, %dma_wait3A_69] : memref<6x4000x128xi32, #tpu.memory_space<vmem>> -> memref<1x4000x128xi32, #tpu.memory_space<vmem>>
    %dma_wait3A_71 = tpu.memref_squeeze %dma_wait3A_70 : memref<1x4000x128xi32, #tpu.memory_space<vmem>> -> memref<4000x128xi32, #tpu.memory_space<vmem>>
    %dma_wait3A_72 = arith.constant 0 : i32
    %dma_wait3A_73 = arith.constant 0 : i32
    %dma_wait3A_74 = tpu.memref_slice %arg0[%dma_wait3A_72, %dma_wait3A_73] : memref<100000x128xi32, #tpu.memory_space<any>> -> memref<4000x128xi32, #tpu.memory_space<any>>
    tpu.wait_dma2 semaphore(%dma_wait3A_67 : memref<!tpu.dma_semaphore, #tpu.memory_space<semaphore_mem>>) src(%dma_wait3A_74 : memref<4000x128xi32, #tpu.memory_space<any>>) dst(%dma_wait3A_71 : memref<4000x128xi32, #tpu.memory_space<vmem>>)
    %dma_start3A_75 = arith.constant 0 : i32
    %dma_start3A_76 = arith.constant 0 : i32
    %dma_start3A_77 = tpu.memref_slice %arg4[%dma_start3A_76] : memref<6x!tpu.dma_semaphore, #tpu.memory_space<semaphore_mem>> -> memref<1x!tpu.dma_semaphore, #tpu.memory_space<semaphore_mem>>
    %dma_start3A_78 = tpu.memref_squeeze %dma_start3A_77 : memref<1x!tpu.dma_semaphore, #tpu.memory_space<semaphore_mem>> -> memref<!tpu.dma_semaphore, #tpu.memory_space<semaphore_mem>>
    %dma_start3A_79 = arith.constant 0 : i32
    %dma_start3A_80 = arith.constant 0 : i32
    %dma_start3A_81 = tpu.memref_slice %arg1[%dma_start3A_79, %dma_start3A_80] : memref<100000x128xi32, #tpu.memory_space<any>> -> memref<4000x128xi32, #tpu.memory_space<any>>
    %dma_start3A_82 = arith.constant 0 : i32
    %dma_start3A_83 = arith.constant 0 : i32
    %dma_start3A_84 = tpu.memref_slice %arg2[%dma_start3A_75, %dma_start3A_82, %dma_start3A_83] : memref<6x4000x128xi32, #tpu.memory_space<vmem>> -> memref<1x4000x128xi32, #tpu.memory_space<vmem>>
    %dma_start3A_85 = tpu.memref_squeeze %dma_start3A_84 : memref<1x4000x128xi32, #tpu.memory_space<vmem>> -> memref<4000x128xi32, #tpu.memory_space<vmem>>
    tpu.enqueue_dma source(%dma_start3A_85 : memref<4000x128xi32, #tpu.memory_space<vmem>>) target(%dma_start3A_81 : memref<4000x128xi32, #tpu.memory_space<any>>) target_semaphore(%dma_start3A_78 : memref<!tpu.dma_semaphore, #tpu.memory_space<semaphore_mem>>)
    %dma_wait3A_86 = arith.constant 1 : i32
    %dma_wait3A_87 = arith.constant 1 : i32
    %dma_wait3A_88 = tpu.memref_slice %arg3[%dma_wait3A_87] : memref<6x!tpu.dma_semaphore, #tpu.memory_space<semaphore_mem>> -> memref<1x!tpu.dma_semaphore, #tpu.memory_space<semaphore_mem>>
    %dma_wait3A_89 = tpu.memref_squeeze %dma_wait3A_88 : memref<1x!tpu.dma_semaphore, #tpu.memory_space<semaphore_mem>> -> memref<!tpu.dma_semaphore, #tpu.memory_space<semaphore_mem>>
    %dma_wait3A_90 = arith.constant 0 : i32
    %dma_wait3A_91 = arith.constant 0 : i32
    %dma_wait3A_92 = tpu.memref_slice %arg2[%dma_wait3A_86, %dma_wait3A_90, %dma_wait3A_91] : memref<6x4000x128xi32, #tpu.memory_space<vmem>> -> memref<1x4000x128xi32, #tpu.memory_space<vmem>>
    %dma_wait3A_93 = tpu.memref_squeeze %dma_wait3A_92 : memref<1x4000x128xi32, #tpu.memory_space<vmem>> -> memref<4000x128xi32, #tpu.memory_space<vmem>>
    %dma_wait3A_94 = arith.constant 4000 : i32
    %dma_wait3A_95 = arith.constant 0 : i32
    %dma_wait3A_96 = tpu.memref_slice %arg0[%dma_wait3A_94, %dma_wait3A_95] : memref<100000x128xi32, #tpu.memory_space<any>> -> memref<4000x128xi32, #tpu.memory_space<any>>
    tpu.wait_dma2 semaphore(%dma_wait3A_89 : memref<!tpu.dma_semaphore, #tpu.memory_space<semaphore_mem>>) src(%dma_wait3A_96 : memref<4000x128xi32, #tpu.memory_space<any>>) dst(%dma_wait3A_93 : memref<4000x128xi32, #tpu.memory_space<vmem>>)
    %dma_start3A_97 = arith.constant 1 : i32
    %dma_start3A_98 = arith.constant 1 : i32
    %dma_start3A_99 = tpu.memref_slice %arg4[%dma_start3A_98] : memref<6x!tpu.dma_semaphore, #tpu.memory_space<semaphore_mem>> -> memref<1x!tpu.dma_semaphore, #tpu.memory_space<semaphore_mem>>
    %dma_start3A_100 = tpu.memref_squeeze %dma_start3A_99 : memref<1x!tpu.dma_semaphore, #tpu.memory_space<semaphore_mem>> -> memref<!tpu.dma_semaphore, #tpu.memory_space<semaphore_mem>>
    %dma_start3A_101 = arith.constant 4000 : i32
    %dma_start3A_102 = arith.constant 0 : i32
    %dma_start3A_103 = tpu.memref_slice %arg1[%dma_start3A_101, %dma_start3A_102] : memref<100000x128xi32, #tpu.memory_space<any>> -> memref<4000x128xi32, #tpu.memory_space<any>>
    %dma_start3A_104 = arith.constant 0 : i32
    %dma_start3A_105 = arith.constant 0 : i32
    %dma_start3A_106 = tpu.memref_slice %arg2[%dma_start3A_97, %dma_start3A_104, %dma_start3A_105] : memref<6x4000x128xi32, #tpu.memory_space<vmem>> -> memref<1x4000x128xi32, #tpu.memory_space<vmem>>
    %dma_start3A_107 = tpu.memref_squeeze %dma_start3A_106 : memref<1x4000x128xi32, #tpu.memory_space<vmem>> -> memref<4000x128xi32, #tpu.memory_space<vmem>>
    tpu.enqueue_dma source(%dma_start3A_107 : memref<4000x128xi32, #tpu.memory_space<vmem>>) target(%dma_start3A_103 : memref<4000x128xi32, #tpu.memory_space<any>>) target_semaphore(%dma_start3A_100 : memref<!tpu.dma_semaphore, #tpu.memory_space<semaphore_mem>>)
    %dma_wait3A_108 = arith.constant 2 : i32
    %dma_wait3A_109 = arith.constant 2 : i32
    %dma_wait3A_110 = tpu.memref_slice %arg3[%dma_wait3A_109] : memref<6x!tpu.dma_semaphore, #tpu.memory_space<semaphore_mem>> -> memref<1x!tpu.dma_semaphore, #tpu.memory_space<semaphore_mem>>
    %dma_wait3A_111 = tpu.memref_squeeze %dma_wait3A_110 : memref<1x!tpu.dma_semaphore, #tpu.memory_space<semaphore_mem>> -> memref<!tpu.dma_semaphore, #tpu.memory_space<semaphore_mem>>
    %dma_wait3A_112 = arith.constant 0 : i32
    %dma_wait3A_113 = arith.constant 0 : i32
    %dma_wait3A_114 = tpu.memref_slice %arg2[%dma_wait3A_108, %dma_wait3A_112, %dma_wait3A_113] : memref<6x4000x128xi32, #tpu.memory_space<vmem>> -> memref<1x4000x128xi32, #tpu.memory_space<vmem>>
    %dma_wait3A_115 = tpu.memref_squeeze %dma_wait3A_114 : memref<1x4000x128xi32, #tpu.memory_space<vmem>> -> memref<4000x128xi32, #tpu.memory_space<vmem>>
    %dma_wait3A_116 = arith.constant 8000 : i32
    %dma_wait3A_117 = arith.constant 0 : i32
    %dma_wait3A_118 = tpu.memref_slice %arg0[%dma_wait3A_116, %dma_wait3A_117] : memref<100000x128xi32, #tpu.memory_space<any>> -> memref<4000x128xi32, #tpu.memory_space<any>>
    tpu.wait_dma2 semaphore(%dma_wait3A_111 : memref<!tpu.dma_semaphore, #tpu.memory_space<semaphore_mem>>) src(%dma_wait3A_118 : memref<4000x128xi32, #tpu.memory_space<any>>) dst(%dma_wait3A_115 : memref<4000x128xi32, #tpu.memory_space<vmem>>)
    %dma_start3A_119 = arith.constant 2 : i32
    %dma_start3A_120 = arith.constant 2 : i32
    %dma_start3A_121 = tpu.memref_slice %arg4[%dma_start3A_120] : memref<6x!tpu.dma_semaphore, #tpu.memory_space<semaphore_mem>> -> memref<1x!tpu.dma_semaphore, #tpu.memory_space<semaphore_mem>>
    %dma_start3A_122 = tpu.memref_squeeze %dma_start3A_121 : memref<1x!tpu.dma_semaphore, #tpu.memory_space<semaphore_mem>> -> memref<!tpu.dma_semaphore, #tpu.memory_space<semaphore_mem>>
    %dma_start3A_123 = arith.constant 8000 : i32
    %dma_start3A_124 = arith.constant 0 : i32
    %dma_start3A_125 = tpu.memref_slice %arg1[%dma_start3A_123, %dma_start3A_124] : memref<100000x128xi32, #tpu.memory_space<any>> -> memref<4000x128xi32, #tpu.memory_space<any>>
    %dma_start3A_126 = arith.constant 0 : i32
    %dma_start3A_127 = arith.constant 0 : i32
    %dma_start3A_128 = tpu.memref_slice %arg2[%dma_start3A_119, %dma_start3A_126, %dma_start3A_127] : memref<6x4000x128xi32, #tpu.memory_space<vmem>> -> memref<1x4000x128xi32, #tpu.memory_space<vmem>>
    %dma_start3A_129 = tpu.memref_squeeze %dma_start3A_128 : memref<1x4000x128xi32, #tpu.memory_space<vmem>> -> memref<4000x128xi32, #tpu.memory_space<vmem>>
    tpu.enqueue_dma source(%dma_start3A_129 : memref<4000x128xi32, #tpu.memory_space<vmem>>) target(%dma_start3A_125 : memref<4000x128xi32, #tpu.memory_space<any>>) target_semaphore(%dma_start3A_122 : memref<!tpu.dma_semaphore, #tpu.memory_space<semaphore_mem>>)
    %dma_wait3A_130 = arith.constant 0 : i32
    %dma_wait3A_131 = arith.constant 0 : i32
    %dma_wait3A_132 = tpu.memref_slice %arg4[%dma_wait3A_131] : memref<6x!tpu.dma_semaphore, #tpu.memory_space<semaphore_mem>> -> memref<1x!tpu.dma_semaphore, #tpu.memory_space<semaphore_mem>>
    %dma_wait3A_133 = tpu.memref_squeeze %dma_wait3A_132 : memref<1x!tpu.dma_semaphore, #tpu.memory_space<semaphore_mem>> -> memref<!tpu.dma_semaphore, #tpu.memory_space<semaphore_mem>>
    %dma_wait3A_134 = arith.constant 0 : i32
    %dma_wait3A_135 = arith.constant 0 : i32
    %dma_wait3A_136 = tpu.memref_slice %arg1[%dma_wait3A_134, %dma_wait3A_135] : memref<100000x128xi32, #tpu.memory_space<any>> -> memref<4000x128xi32, #tpu.memory_space<any>>
    %dma_wait3A_137 = arith.constant 0 : i32
    %dma_wait3A_138 = arith.constant 0 : i32
    %dma_wait3A_139 = tpu.memref_slice %arg2[%dma_wait3A_130, %dma_wait3A_137, %dma_wait3A_138] : memref<6x4000x128xi32, #tpu.memory_space<vmem>> -> memref<1x4000x128xi32, #tpu.memory_space<vmem>>
    %dma_wait3A_140 = tpu.memref_squeeze %dma_wait3A_139 : memref<1x4000x128xi32, #tpu.memory_space<vmem>> -> memref<4000x128xi32, #tpu.memory_space<vmem>>
    tpu.wait_dma2 semaphore(%dma_wait3A_133 : memref<!tpu.dma_semaphore, #tpu.memory_space<semaphore_mem>>) src(%dma_wait3A_140 : memref<4000x128xi32, #tpu.memory_space<vmem>>) dst(%dma_wait3A_136 : memref<4000x128xi32, #tpu.memory_space<any>>)
    %dma_start3A_141 = arith.constant 0 : i32
    %dma_start3A_142 = arith.constant 0 : i32
    %dma_start3A_143 = tpu.memref_slice %arg3[%dma_start3A_142] : memref<6x!tpu.dma_semaphore, #tpu.memory_space<semaphore_mem>> -> memref<1x!tpu.dma_semaphore, #tpu.memory_space<semaphore_mem>>
    %dma_start3A_144 = tpu.memref_squeeze %dma_start3A_143 : memref<1x!tpu.dma_semaphore, #tpu.memory_space<semaphore_mem>> -> memref<!tpu.dma_semaphore, #tpu.memory_space<semaphore_mem>>
    %dma_start3A_145 = arith.constant 0 : i32
    %dma_start3A_146 = arith.constant 0 : i32
    %dma_start3A_147 = tpu.memref_slice %arg2[%dma_start3A_141, %dma_start3A_145, %dma_start3A_146] : memref<6x4000x128xi32, #tpu.memory_space<vmem>> -> memref<1x4000x128xi32, #tpu.memory_space<vmem>>
    %dma_start3A_148 = tpu.memref_squeeze %dma_start3A_147 : memref<1x4000x128xi32, #tpu.memory_space<vmem>> -> memref<4000x128xi32, #tpu.memory_space<vmem>>
    %dma_start3A_149 = arith.constant 24000 : i32
    %dma_start3A_150 = arith.constant 0 : i32
    %dma_start3A_151 = tpu.memref_slice %arg0[%dma_start3A_149, %dma_start3A_150] : memref<100000x128xi32, #tpu.memory_space<any>> -> memref<4000x128xi32, #tpu.memory_space<any>>
    tpu.enqueue_dma source(%dma_start3A_151 : memref<4000x128xi32, #tpu.memory_space<any>>) target(%dma_start3A_148 : memref<4000x128xi32, #tpu.memory_space<vmem>>) target_semaphore(%dma_start3A_144 : memref<!tpu.dma_semaphore, #tpu.memory_space<semaphore_mem>>)
    %dma_wait3A_152 = arith.constant 3 : i32
    %dma_wait3A_153 = arith.constant 3 : i32
    %dma_wait3A_154 = tpu.memref_slice %arg3[%dma_wait3A_153] : memref<6x!tpu.dma_semaphore, #tpu.memory_space<semaphore_mem>> -> memref<1x!tpu.dma_semaphore, #tpu.memory_space<semaphore_mem>>
    %dma_wait3A_155 = tpu.memref_squeeze %dma_wait3A_154 : memref<1x!tpu.dma_semaphore, #tpu.memory_space<semaphore_mem>> -> memref<!tpu.dma_semaphore, #tpu.memory_space<semaphore_mem>>
    %dma_wait3A_156 = arith.constant 0 : i32
    %dma_wait3A_157 = arith.constant 0 : i32
    %dma_wait3A_158 = tpu.memref_slice %arg2[%dma_wait3A_152, %dma_wait3A_156, %dma_wait3A_157] : memref<6x4000x128xi32, #tpu.memory_space<vmem>> -> memref<1x4000x128xi32, #tpu.memory_space<vmem>>
    %dma_wait3A_159 = tpu.memref_squeeze %dma_wait3A_158 : memref<1x4000x128xi32, #tpu.memory_space<vmem>> -> memref<4000x128xi32, #tpu.memory_space<vmem>>
    %dma_wait3A_160 = arith.constant 12000 : i32
    %dma_wait3A_161 = arith.constant 0 : i32
    %dma_wait3A_162 = tpu.memref_slice %arg0[%dma_wait3A_160, %dma_wait3A_161] : memref<100000x128xi32, #tpu.memory_space<any>> -> memref<4000x128xi32, #tpu.memory_space<any>>
    tpu.wait_dma2 semaphore(%dma_wait3A_155 : memref<!tpu.dma_semaphore, #tpu.memory_space<semaphore_mem>>) src(%dma_wait3A_162 : memref<4000x128xi32, #tpu.memory_space<any>>) dst(%dma_wait3A_159 : memref<4000x128xi32, #tpu.memory_space<vmem>>)
    %dma_start3A_163 = arith.constant 3 : i32
    %dma_start3A_164 = arith.constant 3 : i32
    %dma_start3A_165 = tpu.memref_slice %arg4[%dma_start3A_164] : memref<6x!tpu.dma_semaphore, #tpu.memory_space<semaphore_mem>> -> memref<1x!tpu.dma_semaphore, #tpu.memory_space<semaphore_mem>>
    %dma_start3A_166 = tpu.memref_squeeze %dma_start3A_165 : memref<1x!tpu.dma_semaphore, #tpu.memory_space<semaphore_mem>> -> memref<!tpu.dma_semaphore, #tpu.memory_space<semaphore_mem>>
    %dma_start3A_167 = arith.constant 12000 : i32
    %dma_start3A_168 = arith.constant 0 : i32
    %dma_start3A_169 = tpu.memref_slice %arg1[%dma_start3A_167, %dma_start3A_168] : memref<100000x128xi32, #tpu.memory_space<any>> -> memref<4000x128xi32, #tpu.memory_space<any>>
    %dma_start3A_170 = arith.constant 0 : i32
    %dma_start3A_171 = arith.constant 0 : i32
    %dma_start3A_172 = tpu.memref_slice %arg2[%dma_start3A_163, %dma_start3A_170, %dma_start3A_171] : memref<6x4000x128xi32, #tpu.memory_space<vmem>> -> memref<1x4000x128xi32, #tpu.memory_space<vmem>>
    %dma_start3A_173 = tpu.memref_squeeze %dma_start3A_172 : memref<1x4000x128xi32, #tpu.memory_space<vmem>> -> memref<4000x128xi32, #tpu.memory_space<vmem>>
    tpu.enqueue_dma source(%dma_start3A_173 : memref<4000x128xi32, #tpu.memory_space<vmem>>) target(%dma_start3A_169 : memref<4000x128xi32, #tpu.memory_space<any>>) target_semaphore(%dma_start3A_166 : memref<!tpu.dma_semaphore, #tpu.memory_space<semaphore_mem>>)
    %dma_wait3A_174 = arith.constant 1 : i32
    %dma_wait3A_175 = arith.constant 1 : i32
    %dma_wait3A_176 = tpu.memref_slice %arg4[%dma_wait3A_175] : memref<6x!tpu.dma_semaphore, #tpu.memory_space<semaphore_mem>> -> memref<1x!tpu.dma_semaphore, #tpu.memory_space<semaphore_mem>>
    %dma_wait3A_177 = tpu.memref_squeeze %dma_wait3A_176 : memref<1x!tpu.dma_semaphore, #tpu.memory_space<semaphore_mem>> -> memref<!tpu.dma_semaphore, #tpu.memory_space<semaphore_mem>>
    %dma_wait3A_178 = arith.constant 4000 : i32
    %dma_wait3A_179 = arith.constant 0 : i32
    %dma_wait3A_180 = tpu.memref_slice %arg1[%dma_wait3A_178, %dma_wait3A_179] : memref<100000x128xi32, #tpu.memory_space<any>> -> memref<4000x128xi32, #tpu.memory_space<any>>
    %dma_wait3A_181 = arith.constant 0 : i32
    %dma_wait3A_182 = arith.constant 0 : i32
    %dma_wait3A_183 = tpu.memref_slice %arg2[%dma_wait3A_174, %dma_wait3A_181, %dma_wait3A_182] : memref<6x4000x128xi32, #tpu.memory_space<vmem>> -> memref<1x4000x128xi32, #tpu.memory_space<vmem>>
    %dma_wait3A_184 = tpu.memref_squeeze %dma_wait3A_183 : memref<1x4000x128xi32, #tpu.memory_space<vmem>> -> memref<4000x128xi32, #tpu.memory_space<vmem>>
    tpu.wait_dma2 semaphore(%dma_wait3A_177 : memref<!tpu.dma_semaphore, #tpu.memory_space<semaphore_mem>>) src(%dma_wait3A_184 : memref<4000x128xi32, #tpu.memory_space<vmem>>) dst(%dma_wait3A_180 : memref<4000x128xi32, #tpu.memory_space<any>>)
    %dma_start3A_185 = arith.constant 1 : i32
    %dma_start3A_186 = arith.constant 1 : i32
    %dma_start3A_187 = tpu.memref_slice %arg3[%dma_start3A_186] : memref<6x!tpu.dma_semaphore, #tpu.memory_space<semaphore_mem>> -> memref<1x!tpu.dma_semaphore, #tpu.memory_space<semaphore_mem>>
    %dma_start3A_188 = tpu.memref_squeeze %dma_start3A_187 : memref<1x!tpu.dma_semaphore, #tpu.memory_space<semaphore_mem>> -> memref<!tpu.dma_semaphore, #tpu.memory_space<semaphore_mem>>
    %dma_start3A_189 = arith.constant 0 : i32
    %dma_start3A_190 = arith.constant 0 : i32
    %dma_start3A_191 = tpu.memref_slice %arg2[%dma_start3A_185, %dma_start3A_189, %dma_start3A_190] : memref<6x4000x128xi32, #tpu.memory_space<vmem>> -> memref<1x4000x128xi32, #tpu.memory_space<vmem>>
    %dma_start3A_192 = tpu.memref_squeeze %dma_start3A_191 : memref<1x4000x128xi32, #tpu.memory_space<vmem>> -> memref<4000x128xi32, #tpu.memory_space<vmem>>
    %dma_start3A_193 = arith.constant 28000 : i32
    %dma_start3A_194 = arith.constant 0 : i32
    %dma_start3A_195 = tpu.memref_slice %arg0[%dma_start3A_193, %dma_start3A_194] : memref<100000x128xi32, #tpu.memory_space<any>> -> memref<4000x128xi32, #tpu.memory_space<any>>
    tpu.enqueue_dma source(%dma_start3A_195 : memref<4000x128xi32, #tpu.memory_space<any>>) target(%dma_start3A_192 : memref<4000x128xi32, #tpu.memory_space<vmem>>) target_semaphore(%dma_start3A_188 : memref<!tpu.dma_semaphore, #tpu.memory_space<semaphore_mem>>)
    %dma_wait3A_196 = arith.constant 4 : i32
    %dma_wait3A_197 = arith.constant 4 : i32
    %dma_wait3A_198 = tpu.memref_slice %arg3[%dma_wait3A_197] : memref<6x!tpu.dma_semaphore, #tpu.memory_space<semaphore_mem>> -> memref<1x!tpu.dma_semaphore, #tpu.memory_space<semaphore_mem>>
    %dma_wait3A_199 = tpu.memref_squeeze %dma_wait3A_198 : memref<1x!tpu.dma_semaphore, #tpu.memory_space<semaphore_mem>> -> memref<!tpu.dma_semaphore, #tpu.memory_space<semaphore_mem>>
    %dma_wait3A_200 = arith.constant 0 : i32
    %dma_wait3A_201 = arith.constant 0 : i32
    %dma_wait3A_202 = tpu.memref_slice %arg2[%dma_wait3A_196, %dma_wait3A_200, %dma_wait3A_201] : memref<6x4000x128xi32, #tpu.memory_space<vmem>> -> memref<1x4000x128xi32, #tpu.memory_space<vmem>>
    %dma_wait3A_203 = tpu.memref_squeeze %dma_wait3A_202 : memref<1x4000x128xi32, #tpu.memory_space<vmem>> -> memref<4000x128xi32, #tpu.memory_space<vmem>>
    %dma_wait3A_204 = arith.constant 16000 : i32
    %dma_wait3A_205 = arith.constant 0 : i32
    %dma_wait3A_206 = tpu.memref_slice %arg0[%dma_wait3A_204, %dma_wait3A_205] : memref<100000x128xi32, #tpu.memory_space<any>> -> memref<4000x128xi32, #tpu.memory_space<any>>
    tpu.wait_dma2 semaphore(%dma_wait3A_199 : memref<!tpu.dma_semaphore, #tpu.memory_space<semaphore_mem>>) src(%dma_wait3A_206 : memref<4000x128xi32, #tpu.memory_space<any>>) dst(%dma_wait3A_203 : memref<4000x128xi32, #tpu.memory_space<vmem>>)
    %dma_start3A_207 = arith.constant 4 : i32
    %dma_start3A_208 = arith.constant 4 : i32
    %dma_start3A_209 = tpu.memref_slice %arg4[%dma_start3A_208] : memref<6x!tpu.dma_semaphore, #tpu.memory_space<semaphore_mem>> -> memref<1x!tpu.dma_semaphore, #tpu.memory_space<semaphore_mem>>
    %dma_start3A_210 = tpu.memref_squeeze %dma_start3A_209 : memref<1x!tpu.dma_semaphore, #tpu.memory_space<semaphore_mem>> -> memref<!tpu.dma_semaphore, #tpu.memory_space<semaphore_mem>>
    %dma_start3A_211 = arith.constant 16000 : i32
    %dma_start3A_212 = arith.constant 0 : i32
    %dma_start3A_213 = tpu.memref_slice %arg1[%dma_start3A_211, %dma_start3A_212] : memref<100000x128xi32, #tpu.memory_space<any>> -> memref<4000x128xi32, #tpu.memory_space<any>>
    %dma_start3A_214 = arith.constant 0 : i32
    %dma_start3A_215 = arith.constant 0 : i32
    %dma_start3A_216 = tpu.memref_slice %arg2[%dma_start3A_207, %dma_start3A_214, %dma_start3A_215] : memref<6x4000x128xi32, #tpu.memory_space<vmem>> -> memref<1x4000x128xi32, #tpu.memory_space<vmem>>
    %dma_start3A_217 = tpu.memref_squeeze %dma_start3A_216 : memref<1x4000x128xi32, #tpu.memory_space<vmem>> -> memref<4000x128xi32, #tpu.memory_space<vmem>>
    tpu.enqueue_dma source(%dma_start3A_217 : memref<4000x128xi32, #tpu.memory_space<vmem>>) target(%dma_start3A_213 : memref<4000x128xi32, #tpu.memory_space<any>>) target_semaphore(%dma_start3A_210 : memref<!tpu.dma_semaphore, #tpu.memory_space<semaphore_mem>>)
    %dma_wait3A_218 = arith.constant 2 : i32
    %dma_wait3A_219 = arith.constant 2 : i32
    %dma_wait3A_220 = tpu.memref_slice %arg4[%dma_wait3A_219] : memref<6x!tpu.dma_semaphore, #tpu.memory_space<semaphore_mem>> -> memref<1x!tpu.dma_semaphore, #tpu.memory_space<semaphore_mem>>
    %dma_wait3A_221 = tpu.memref_squeeze %dma_wait3A_220 : memref<1x!tpu.dma_semaphore, #tpu.memory_space<semaphore_mem>> -> memref<!tpu.dma_semaphore, #tpu.memory_space<semaphore_mem>>
    %dma_wait3A_222 = arith.constant 8000 : i32
    %dma_wait3A_223 = arith.constant 0 : i32
    %dma_wait3A_224 = tpu.memref_slice %arg1[%dma_wait3A_222, %dma_wait3A_223] : memref<100000x128xi32, #tpu.memory_space<any>> -> memref<4000x128xi32, #tpu.memory_space<any>>
    %dma_wait3A_225 = arith.constant 0 : i32
    %dma_wait3A_226 = arith.constant 0 : i32
    %dma_wait3A_227 = tpu.memref_slice %arg2[%dma_wait3A_218, %dma_wait3A_225, %dma_wait3A_226] : memref<6x4000x128xi32, #tpu.memory_space<vmem>> -> memref<1x4000x128xi32, #tpu.memory_space<vmem>>
    %dma_wait3A_228 = tpu.memref_squeeze %dma_wait3A_227 : memref<1x4000x128xi32, #tpu.memory_space<vmem>> -> memref<4000x128xi32, #tpu.memory_space<vmem>>
    tpu.wait_dma2 semaphore(%dma_wait3A_221 : memref<!tpu.dma_semaphore, #tpu.memory_space<semaphore_mem>>) src(%dma_wait3A_228 : memref<4000x128xi32, #tpu.memory_space<vmem>>) dst(%dma_wait3A_224 : memref<4000x128xi32, #tpu.memory_space<any>>)
    %dma_start3A_229 = arith.constant 2 : i32
    %dma_start3A_230 = arith.constant 2 : i32
    %dma_start3A_231 = tpu.memref_slice %arg3[%dma_start3A_230] : memref<6x!tpu.dma_semaphore, #tpu.memory_space<semaphore_mem>> -> memref<1x!tpu.dma_semaphore, #tpu.memory_space<semaphore_mem>>
    %dma_start3A_232 = tpu.memref_squeeze %dma_start3A_231 : memref<1x!tpu.dma_semaphore, #tpu.memory_space<semaphore_mem>> -> memref<!tpu.dma_semaphore, #tpu.memory_space<semaphore_mem>>
    %dma_start3A_233 = arith.constant 0 : i32
    %dma_start3A_234 = arith.constant 0 : i32
    %dma_start3A_235 = tpu.memref_slice %arg2[%dma_start3A_229, %dma_start3A_233, %dma_start3A_234] : memref<6x4000x128xi32, #tpu.memory_space<vmem>> -> memref<1x4000x128xi32, #tpu.memory_space<vmem>>
    %dma_start3A_236 = tpu.memref_squeeze %dma_start3A_235 : memref<1x4000x128xi32, #tpu.memory_space<vmem>> -> memref<4000x128xi32, #tpu.memory_space<vmem>>
    %dma_start3A_237 = arith.constant 32000 : i32
    %dma_start3A_238 = arith.constant 0 : i32
    %dma_start3A_239 = tpu.memref_slice %arg0[%dma_start3A_237, %dma_start3A_238] : memref<100000x128xi32, #tpu.memory_space<any>> -> memref<4000x128xi32, #tpu.memory_space<any>>
    tpu.enqueue_dma source(%dma_start3A_239 : memref<4000x128xi32, #tpu.memory_space<any>>) target(%dma_start3A_236 : memref<4000x128xi32, #tpu.memory_space<vmem>>) target_semaphore(%dma_start3A_232 : memref<!tpu.dma_semaphore, #tpu.memory_space<semaphore_mem>>)
    %dma_wait3A_240 = arith.constant 5 : i32
    %dma_wait3A_241 = arith.constant 5 : i32
    %dma_wait3A_242 = tpu.memref_slice %arg3[%dma_wait3A_241] : memref<6x!tpu.dma_semaphore, #tpu.memory_space<semaphore_mem>> -> memref<1x!tpu.dma_semaphore, #tpu.memory_space<semaphore_mem>>
    %dma_wait3A_243 = tpu.memref_squeeze %dma_wait3A_242 : memref<1x!tpu.dma_semaphore, #tpu.memory_space<semaphore_mem>> -> memref<!tpu.dma_semaphore, #tpu.memory_space<semaphore_mem>>
    %dma_wait3A_244 = arith.constant 0 : i32
    %dma_wait3A_245 = arith.constant 0 : i32
    %dma_wait3A_246 = tpu.memref_slice %arg2[%dma_wait3A_240, %dma_wait3A_244, %dma_wait3A_245] : memref<6x4000x128xi32, #tpu.memory_space<vmem>> -> memref<1x4000x128xi32, #tpu.memory_space<vmem>>
    %dma_wait3A_247 = tpu.memref_squeeze %dma_wait3A_246 : memref<1x4000x128xi32, #tpu.memory_space<vmem>> -> memref<4000x128xi32, #tpu.memory_space<vmem>>
    %dma_wait3A_248 = arith.constant 20000 : i32
    %dma_wait3A_249 = arith.constant 0 : i32
    %dma_wait3A_250 = tpu.memref_slice %arg0[%dma_wait3A_248, %dma_wait3A_249] : memref<100000x128xi32, #tpu.memory_space<any>> -> memref<4000x128xi32, #tpu.memory_space<any>>
    tpu.wait_dma2 semaphore(%dma_wait3A_243 : memref<!tpu.dma_semaphore, #tpu.memory_space<semaphore_mem>>) src(%dma_wait3A_250 : memref<4000x128xi32, #tpu.memory_space<any>>) dst(%dma_wait3A_247 : memref<4000x128xi32, #tpu.memory_space<vmem>>)
    %dma_start3A_251 = arith.constant 5 : i32
    %dma_start3A_252 = arith.constant 5 : i32
    %dma_start3A_253 = tpu.memref_slice %arg4[%dma_start3A_252] : memref<6x!tpu.dma_semaphore, #tpu.memory_space<semaphore_mem>> -> memref<1x!tpu.dma_semaphore, #tpu.memory_space<semaphore_mem>>
    %dma_start3A_254 = tpu.memref_squeeze %dma_start3A_253 : memref<1x!tpu.dma_semaphore, #tpu.memory_space<semaphore_mem>> -> memref<!tpu.dma_semaphore, #tpu.memory_space<semaphore_mem>>
    %dma_start3A_255 = arith.constant 20000 : i32
    %dma_start3A_256 = arith.constant 0 : i32
    %dma_start3A_257 = tpu.memref_slice %arg1[%dma_start3A_255, %dma_start3A_256] : memref<100000x128xi32, #tpu.memory_space<any>> -> memref<4000x128xi32, #tpu.memory_space<any>>
    %dma_start3A_258 = arith.constant 0 : i32
    %dma_start3A_259 = arith.constant 0 : i32
    %dma_start3A_260 = tpu.memref_slice %arg2[%dma_start3A_251, %dma_start3A_258, %dma_start3A_259] : memref<6x4000x128xi32, #tpu.memory_space<vmem>> -> memref<1x4000x128xi32, #tpu.memory_space<vmem>>
    %dma_start3A_261 = tpu.memref_squeeze %dma_start3A_260 : memref<1x4000x128xi32, #tpu.memory_space<vmem>> -> memref<4000x128xi32, #tpu.memory_space<vmem>>
    tpu.enqueue_dma source(%dma_start3A_261 : memref<4000x128xi32, #tpu.memory_space<vmem>>) target(%dma_start3A_257 : memref<4000x128xi32, #tpu.memory_space<any>>) target_semaphore(%dma_start3A_254 : memref<!tpu.dma_semaphore, #tpu.memory_space<semaphore_mem>>)
    %dma_wait3A_262 = arith.constant 3 : i32
    %dma_wait3A_263 = arith.constant 3 : i32
    %dma_wait3A_264 = tpu.memref_slice %arg4[%dma_wait3A_263] : memref<6x!tpu.dma_semaphore, #tpu.memory_space<semaphore_mem>> -> memref<1x!tpu.dma_semaphore, #tpu.memory_space<semaphore_mem>>
    %dma_wait3A_265 = tpu.memref_squeeze %dma_wait3A_264 : memref<1x!tpu.dma_semaphore, #tpu.memory_space<semaphore_mem>> -> memref<!tpu.dma_semaphore, #tpu.memory_space<semaphore_mem>>
    %dma_wait3A_266 = arith.constant 12000 : i32
    %dma_wait3A_267 = arith.constant 0 : i32
    %dma_wait3A_268 = tpu.memref_slice %arg1[%dma_wait3A_266, %dma_wait3A_267] : memref<100000x128xi32, #tpu.memory_space<any>> -> memref<4000x128xi32, #tpu.memory_space<any>>
    %dma_wait3A_269 = arith.constant 0 : i32
    %dma_wait3A_270 = arith.constant 0 : i32
    %dma_wait3A_271 = tpu.memref_slice %arg2[%dma_wait3A_262, %dma_wait3A_269, %dma_wait3A_270] : memref<6x4000x128xi32, #tpu.memory_space<vmem>> -> memref<1x4000x128xi32, #tpu.memory_space<vmem>>
    %dma_wait3A_272 = tpu.memref_squeeze %dma_wait3A_271 : memref<1x4000x128xi32, #tpu.memory_space<vmem>> -> memref<4000x128xi32, #tpu.memory_space<vmem>>
    tpu.wait_dma2 semaphore(%dma_wait3A_265 : memref<!tpu.dma_semaphore, #tpu.memory_space<semaphore_mem>>) src(%dma_wait3A_272 : memref<4000x128xi32, #tpu.memory_space<vmem>>) dst(%dma_wait3A_268 : memref<4000x128xi32, #tpu.memory_space<any>>)
    %dma_start3A_273 = arith.constant 3 : i32
    %dma_start3A_274 = arith.constant 3 : i32
    %dma_start3A_275 = tpu.memref_slice %arg3[%dma_start3A_274] : memref<6x!tpu.dma_semaphore, #tpu.memory_space<semaphore_mem>> -> memref<1x!tpu.dma_semaphore, #tpu.memory_space<semaphore_mem>>
    %dma_start3A_276 = tpu.memref_squeeze %dma_start3A_275 : memref<1x!tpu.dma_semaphore, #tpu.memory_space<semaphore_mem>> -> memref<!tpu.dma_semaphore, #tpu.memory_space<semaphore_mem>>
    %dma_start3A_277 = arith.constant 0 : i32
    %dma_start3A_278 = arith.constant 0 : i32
    %dma_start3A_279 = tpu.memref_slice %arg2[%dma_start3A_273, %dma_start3A_277, %dma_start3A_278] : memref<6x4000x128xi32, #tpu.memory_space<vmem>> -> memref<1x4000x128xi32, #tpu.memory_space<vmem>>
    %dma_start3A_280 = tpu.memref_squeeze %dma_start3A_279 : memref<1x4000x128xi32, #tpu.memory_space<vmem>> -> memref<4000x128xi32, #tpu.memory_space<vmem>>
    %dma_start3A_281 = arith.constant 36000 : i32
    %dma_start3A_282 = arith.constant 0 : i32
    %dma_start3A_283 = tpu.memref_slice %arg0[%dma_start3A_281, %dma_start3A_282] : memref<100000x128xi32, #tpu.memory_space<any>> -> memref<4000x128xi32, #tpu.memory_space<any>>
    tpu.enqueue_dma source(%dma_start3A_283 : memref<4000x128xi32, #tpu.memory_space<any>>) target(%dma_start3A_280 : memref<4000x128xi32, #tpu.memory_space<vmem>>) target_semaphore(%dma_start3A_276 : memref<!tpu.dma_semaphore, #tpu.memory_space<semaphore_mem>>)
    %dma_wait3A_284 = arith.constant 0 : i32
    %dma_wait3A_285 = arith.constant 0 : i32
    %dma_wait3A_286 = tpu.memref_slice %arg3[%dma_wait3A_285] : memref<6x!tpu.dma_semaphore, #tpu.memory_space<semaphore_mem>> -> memref<1x!tpu.dma_semaphore, #tpu.memory_space<semaphore_mem>>
    %dma_wait3A_287 = tpu.memref_squeeze %dma_wait3A_286 : memref<1x!tpu.dma_semaphore, #tpu.memory_space<semaphore_mem>> -> memref<!tpu.dma_semaphore, #tpu.memory_space<semaphore_mem>>
    %dma_wait3A_288 = arith.constant 0 : i32
    %dma_wait3A_289 = arith.constant 0 : i32
    %dma_wait3A_290 = tpu.memref_slice %arg2[%dma_wait3A_284, %dma_wait3A_288, %dma_wait3A_289] : memref<6x4000x128xi32, #tpu.memory_space<vmem>> -> memref<1x4000x128xi32, #tpu.memory_space<vmem>>
    %dma_wait3A_291 = tpu.memref_squeeze %dma_wait3A_290 : memref<1x4000x128xi32, #tpu.memory_space<vmem>> -> memref<4000x128xi32, #tpu.memory_space<vmem>>
    %dma_wait3A_292 = arith.constant 24000 : i32
    %dma_wait3A_293 = arith.constant 0 : i32
    %dma_wait3A_294 = tpu.memref_slice %arg0[%dma_wait3A_292, %dma_wait3A_293] : memref<100000x128xi32, #tpu.memory_space<any>> -> memref<4000x128xi32, #tpu.memory_space<any>>
    tpu.wait_dma2 semaphore(%dma_wait3A_287 : memref<!tpu.dma_semaphore, #tpu.memory_space<semaphore_mem>>) src(%dma_wait3A_294 : memref<4000x128xi32, #tpu.memory_space<any>>) dst(%dma_wait3A_291 : memref<4000x128xi32, #tpu.memory_space<vmem>>)
    %dma_start3A_295 = arith.constant 0 : i32
    %dma_start3A_296 = arith.constant 0 : i32
    %dma_start3A_297 = tpu.memref_slice %arg4[%dma_start3A_296] : memref<6x!tpu.dma_semaphore, #tpu.memory_space<semaphore_mem>> -> memref<1x!tpu.dma_semaphore, #tpu.memory_space<semaphore_mem>>
    %dma_start3A_298 = tpu.memref_squeeze %dma_start3A_297 : memref<1x!tpu.dma_semaphore, #tpu.memory_space<semaphore_mem>> -> memref<!tpu.dma_semaphore, #tpu.memory_space<semaphore_mem>>
    %dma_start3A_299 = arith.constant 24000 : i32
    %dma_start3A_300 = arith.constant 0 : i32
    %dma_start3A_301 = tpu.memref_slice %arg1[%dma_start3A_299, %dma_start3A_300] : memref<100000x128xi32, #tpu.memory_space<any>> -> memref<4000x128xi32, #tpu.memory_space<any>>
    %dma_start3A_302 = arith.constant 0 : i32
    %dma_start3A_303 = arith.constant 0 : i32
    %dma_start3A_304 = tpu.memref_slice %arg2[%dma_start3A_295, %dma_start3A_302, %dma_start3A_303] : memref<6x4000x128xi32, #tpu.memory_space<vmem>> -> memref<1x4000x128xi32, #tpu.memory_space<vmem>>
    %dma_start3A_305 = tpu.memref_squeeze %dma_start3A_304 : memref<1x4000x128xi32, #tpu.memory_space<vmem>> -> memref<4000x128xi32, #tpu.memory_space<vmem>>
    tpu.enqueue_dma source(%dma_start3A_305 : memref<4000x128xi32, #tpu.memory_space<vmem>>) target(%dma_start3A_301 : memref<4000x128xi32, #tpu.memory_space<any>>) target_semaphore(%dma_start3A_298 : memref<!tpu.dma_semaphore, #tpu.memory_space<semaphore_mem>>)
    %dma_wait3A_306 = arith.constant 4 : i32
    %dma_wait3A_307 = arith.constant 4 : i32
    %dma_wait3A_308 = tpu.memref_slice %arg4[%dma_wait3A_307] : memref<6x!tpu.dma_semaphore, #tpu.memory_space<semaphore_mem>> -> memref<1x!tpu.dma_semaphore, #tpu.memory_space<semaphore_mem>>
    %dma_wait3A_309 = tpu.memref_squeeze %dma_wait3A_308 : memref<1x!tpu.dma_semaphore, #tpu.memory_space<semaphore_mem>> -> memref<!tpu.dma_semaphore, #tpu.memory_space<semaphore_mem>>
    %dma_wait3A_310 = arith.constant 16000 : i32
    %dma_wait3A_311 = arith.constant 0 : i32
    %dma_wait3A_312 = tpu.memref_slice %arg1[%dma_wait3A_310, %dma_wait3A_311] : memref<100000x128xi32, #tpu.memory_space<any>> -> memref<4000x128xi32, #tpu.memory_space<any>>
    %dma_wait3A_313 = arith.constant 0 : i32
    %dma_wait3A_314 = arith.constant 0 : i32
    %dma_wait3A_315 = tpu.memref_slice %arg2[%dma_wait3A_306, %dma_wait3A_313, %dma_wait3A_314] : memref<6x4000x128xi32, #tpu.memory_space<vmem>> -> memref<1x4000x128xi32, #tpu.memory_space<vmem>>
    %dma_wait3A_316 = tpu.memref_squeeze %dma_wait3A_315 : memref<1x4000x128xi32, #tpu.memory_space<vmem>> -> memref<4000x128xi32, #tpu.memory_space<vmem>>
    tpu.wait_dma2 semaphore(%dma_wait3A_309 : memref<!tpu.dma_semaphore, #tpu.memory_space<semaphore_mem>>) src(%dma_wait3A_316 : memref<4000x128xi32, #tpu.memory_space<vmem>>) dst(%dma_wait3A_312 : memref<4000x128xi32, #tpu.memory_space<any>>)
    %dma_start3A_317 = arith.constant 4 : i32
    %dma_start3A_318 = arith.constant 4 : i32
    %dma_start3A_319 = tpu.memref_slice %arg3[%dma_start3A_318] : memref<6x!tpu.dma_semaphore, #tpu.memory_space<semaphore_mem>> -> memref<1x!tpu.dma_semaphore, #tpu.memory_space<semaphore_mem>>
    %dma_start3A_320 = tpu.memref_squeeze %dma_start3A_319 : memref<1x!tpu.dma_semaphore, #tpu.memory_space<semaphore_mem>> -> memref<!tpu.dma_semaphore, #tpu.memory_space<semaphore_mem>>
    %dma_start3A_321 = arith.constant 0 : i32
    %dma_start3A_322 = arith.constant 0 : i32
    %dma_start3A_323 = tpu.memref_slice %arg2[%dma_start3A_317, %dma_start3A_321, %dma_start3A_322] : memref<6x4000x128xi32, #tpu.memory_space<vmem>> -> memref<1x4000x128xi32, #tpu.memory_space<vmem>>
    %dma_start3A_324 = tpu.memref_squeeze %dma_start3A_323 : memref<1x4000x128xi32, #tpu.memory_space<vmem>> -> memref<4000x128xi32, #tpu.memory_space<vmem>>
    %dma_start3A_325 = arith.constant 40000 : i32
    %dma_start3A_326 = arith.constant 0 : i32
    %dma_start3A_327 = tpu.memref_slice %arg0[%dma_start3A_325, %dma_start3A_326] : memref<100000x128xi32, #tpu.memory_space<any>> -> memref<4000x128xi32, #tpu.memory_space<any>>
    tpu.enqueue_dma source(%dma_start3A_327 : memref<4000x128xi32, #tpu.memory_space<any>>) target(%dma_start3A_324 : memref<4000x128xi32, #tpu.memory_space<vmem>>) target_semaphore(%dma_start3A_320 : memref<!tpu.dma_semaphore, #tpu.memory_space<semaphore_mem>>)
    %dma_wait3A_328 = arith.constant 1 : i32
    %dma_wait3A_329 = arith.constant 1 : i32
    %dma_wait3A_330 = tpu.memref_slice %arg3[%dma_wait3A_329] : memref<6x!tpu.dma_semaphore, #tpu.memory_space<semaphore_mem>> -> memref<1x!tpu.dma_semaphore, #tpu.memory_space<semaphore_mem>>
    %dma_wait3A_331 = tpu.memref_squeeze %dma_wait3A_330 : memref<1x!tpu.dma_semaphore, #tpu.memory_space<semaphore_mem>> -> memref<!tpu.dma_semaphore, #tpu.memory_space<semaphore_mem>>
    %dma_wait3A_332 = arith.constant 0 : i32
    %dma_wait3A_333 = arith.constant 0 : i32
    %dma_wait3A_334 = tpu.memref_slice %arg2[%dma_wait3A_328, %dma_wait3A_332, %dma_wait3A_333] : memref<6x4000x128xi32, #tpu.memory_space<vmem>> -> memref<1x4000x128xi32, #tpu.memory_space<vmem>>
    %dma_wait3A_335 = tpu.memref_squeeze %dma_wait3A_334 : memref<1x4000x128xi32, #tpu.memory_space<vmem>> -> memref<4000x128xi32, #tpu.memory_space<vmem>>
    %dma_wait3A_336 = arith.constant 28000 : i32
    %dma_wait3A_337 = arith.constant 0 : i32
    %dma_wait3A_338 = tpu.memref_slice %arg0[%dma_wait3A_336, %dma_wait3A_337] : memref<100000x128xi32, #tpu.memory_space<any>> -> memref<4000x128xi32, #tpu.memory_space<any>>
    tpu.wait_dma2 semaphore(%dma_wait3A_331 : memref<!tpu.dma_semaphore, #tpu.memory_space<semaphore_mem>>) src(%dma_wait3A_338 : memref<4000x128xi32, #tpu.memory_space<any>>) dst(%dma_wait3A_335 : memref<4000x128xi32, #tpu.memory_space<vmem>>)
    %dma_start3A_339 = arith.constant 1 : i32
    %dma_start3A_340 = arith.constant 1 : i32
    %dma_start3A_341 = tpu.memref_slice %arg4[%dma_start3A_340] : memref<6x!tpu.dma_semaphore, #tpu.memory_space<semaphore_mem>> -> memref<1x!tpu.dma_semaphore, #tpu.memory_space<semaphore_mem>>
    %dma_start3A_342 = tpu.memref_squeeze %dma_start3A_341 : memref<1x!tpu.dma_semaphore, #tpu.memory_space<semaphore_mem>> -> memref<!tpu.dma_semaphore, #tpu.memory_space<semaphore_mem>>
    %dma_start3A_343 = arith.constant 28000 : i32
    %dma_start3A_344 = arith.constant 0 : i32
    %dma_start3A_345 = tpu.memref_slice %arg1[%dma_start3A_343, %dma_start3A_344] : memref<100000x128xi32, #tpu.memory_space<any>> -> memref<4000x128xi32, #tpu.memory_space<any>>
    %dma_start3A_346 = arith.constant 0 : i32
    %dma_start3A_347 = arith.constant 0 : i32
    %dma_start3A_348 = tpu.memref_slice %arg2[%dma_start3A_339, %dma_start3A_346, %dma_start3A_347] : memref<6x4000x128xi32, #tpu.memory_space<vmem>> -> memref<1x4000x128xi32, #tpu.memory_space<vmem>>
    %dma_start3A_349 = tpu.memref_squeeze %dma_start3A_348 : memref<1x4000x128xi32, #tpu.memory_space<vmem>> -> memref<4000x128xi32, #tpu.memory_space<vmem>>
    tpu.enqueue_dma source(%dma_start3A_349 : memref<4000x128xi32, #tpu.memory_space<vmem>>) target(%dma_start3A_345 : memref<4000x128xi32, #tpu.memory_space<any>>) target_semaphore(%dma_start3A_342 : memref<!tpu.dma_semaphore, #tpu.memory_space<semaphore_mem>>)
    %dma_wait3A_350 = arith.constant 5 : i32
    %dma_wait3A_351 = arith.constant 5 : i32
    %dma_wait3A_352 = tpu.memref_slice %arg4[%dma_wait3A_351] : memref<6x!tpu.dma_semaphore, #tpu.memory_space<semaphore_mem>> -> memref<1x!tpu.dma_semaphore, #tpu.memory_space<semaphore_mem>>
    %dma_wait3A_353 = tpu.memref_squeeze %dma_wait3A_352 : memref<1x!tpu.dma_semaphore, #tpu.memory_space<semaphore_mem>> -> memref<!tpu.dma_semaphore, #tpu.memory_space<semaphore_mem>>
    %dma_wait3A_354 = arith.constant 20000 : i32
    %dma_wait3A_355 = arith.constant 0 : i32
    %dma_wait3A_356 = tpu.memref_slice %arg1[%dma_wait3A_354, %dma_wait3A_355] : memref<100000x128xi32, #tpu.memory_space<any>> -> memref<4000x128xi32, #tpu.memory_space<any>>
    %dma_wait3A_357 = arith.constant 0 : i32
    %dma_wait3A_358 = arith.constant 0 : i32
    %dma_wait3A_359 = tpu.memref_slice %arg2[%dma_wait3A_350, %dma_wait3A_357, %dma_wait3A_358] : memref<6x4000x128xi32, #tpu.memory_space<vmem>> -> memref<1x4000x128xi32, #tpu.memory_space<vmem>>
    %dma_wait3A_360 = tpu.memref_squeeze %dma_wait3A_359 : memref<1x4000x128xi32, #tpu.memory_space<vmem>> -> memref<4000x128xi32, #tpu.memory_space<vmem>>
    tpu.wait_dma2 semaphore(%dma_wait3A_353 : memref<!tpu.dma_semaphore, #tpu.memory_space<semaphore_mem>>) src(%dma_wait3A_360 : memref<4000x128xi32, #tpu.memory_space<vmem>>) dst(%dma_wait3A_356 : memref<4000x128xi32, #tpu.memory_space<any>>)
    %dma_start3A_361 = arith.constant 5 : i32
    %dma_start3A_362 = arith.constant 5 : i32
    %dma_start3A_363 = tpu.memref_slice %arg3[%dma_start3A_362] : memref<6x!tpu.dma_semaphore, #tpu.memory_space<semaphore_mem>> -> memref<1x!tpu.dma_semaphore, #tpu.memory_space<semaphore_mem>>
    %dma_start3A_364 = tpu.memref_squeeze %dma_start3A_363 : memref<1x!tpu.dma_semaphore, #tpu.memory_space<semaphore_mem>> -> memref<!tpu.dma_semaphore, #tpu.memory_space<semaphore_mem>>
    %dma_start3A_365 = arith.constant 0 : i32
    %dma_start3A_366 = arith.constant 0 : i32
    %dma_start3A_367 = tpu.memref_slice %arg2[%dma_start3A_361, %dma_start3A_365, %dma_start3A_366] : memref<6x4000x128xi32, #tpu.memory_space<vmem>> -> memref<1x4000x128xi32, #tpu.memory_space<vmem>>
    %dma_start3A_368 = tpu.memref_squeeze %dma_start3A_367 : memref<1x4000x128xi32, #tpu.memory_space<vmem>> -> memref<4000x128xi32, #tpu.memory_space<vmem>>
    %dma_start3A_369 = arith.constant 44000 : i32
    %dma_start3A_370 = arith.constant 0 : i32
    %dma_start3A_371 = tpu.memref_slice %arg0[%dma_start3A_369, %dma_start3A_370] : memref<100000x128xi32, #tpu.memory_space<any>> -> memref<4000x128xi32, #tpu.memory_space<any>>
    tpu.enqueue_dma source(%dma_start3A_371 : memref<4000x128xi32, #tpu.memory_space<any>>) target(%dma_start3A_368 : memref<4000x128xi32, #tpu.memory_space<vmem>>) target_semaphore(%dma_start3A_364 : memref<!tpu.dma_semaphore, #tpu.memory_space<semaphore_mem>>)
    %dma_wait3A_372 = arith.constant 2 : i32
    %dma_wait3A_373 = arith.constant 2 : i32
    %dma_wait3A_374 = tpu.memref_slice %arg3[%dma_wait3A_373] : memref<6x!tpu.dma_semaphore, #tpu.memory_space<semaphore_mem>> -> memref<1x!tpu.dma_semaphore, #tpu.memory_space<semaphore_mem>>
    %dma_wait3A_375 = tpu.memref_squeeze %dma_wait3A_374 : memref<1x!tpu.dma_semaphore, #tpu.memory_space<semaphore_mem>> -> memref<!tpu.dma_semaphore, #tpu.memory_space<semaphore_mem>>
    %dma_wait3A_376 = arith.constant 0 : i32
    %dma_wait3A_377 = arith.constant 0 : i32
    %dma_wait3A_378 = tpu.memref_slice %arg2[%dma_wait3A_372, %dma_wait3A_376, %dma_wait3A_377] : memref<6x4000x128xi32, #tpu.memory_space<vmem>> -> memref<1x4000x128xi32, #tpu.memory_space<vmem>>
    %dma_wait3A_379 = tpu.memref_squeeze %dma_wait3A_378 : memref<1x4000x128xi32, #tpu.memory_space<vmem>> -> memref<4000x128xi32, #tpu.memory_space<vmem>>
    %dma_wait3A_380 = arith.constant 32000 : i32
    %dma_wait3A_381 = arith.constant 0 : i32
    %dma_wait3A_382 = tpu.memref_slice %arg0[%dma_wait3A_380, %dma_wait3A_381] : memref<100000x128xi32, #tpu.memory_space<any>> -> memref<4000x128xi32, #tpu.memory_space<any>>
    tpu.wait_dma2 semaphore(%dma_wait3A_375 : memref<!tpu.dma_semaphore, #tpu.memory_space<semaphore_mem>>) src(%dma_wait3A_382 : memref<4000x128xi32, #tpu.memory_space<any>>) dst(%dma_wait3A_379 : memref<4000x128xi32, #tpu.memory_space<vmem>>)
    %dma_start3A_383 = arith.constant 2 : i32
    %dma_start3A_384 = arith.constant 2 : i32
    %dma_start3A_385 = tpu.memref_slice %arg4[%dma_start3A_384] : memref<6x!tpu.dma_semaphore, #tpu.memory_space<semaphore_mem>> -> memref<1x!tpu.dma_semaphore, #tpu.memory_space<semaphore_mem>>
    %dma_start3A_386 = tpu.memref_squeeze %dma_start3A_385 : memref<1x!tpu.dma_semaphore, #tpu.memory_space<semaphore_mem>> -> memref<!tpu.dma_semaphore, #tpu.memory_space<semaphore_mem>>
    %dma_start3A_387 = arith.constant 32000 : i32
    %dma_start3A_388 = arith.constant 0 : i32
    %dma_start3A_389 = tpu.memref_slice %arg1[%dma_start3A_387, %dma_start3A_388] : memref<100000x128xi32, #tpu.memory_space<any>> -> memref<4000x128xi32, #tpu.memory_space<any>>
    %dma_start3A_390 = arith.constant 0 : i32
    %dma_start3A_391 = arith.constant 0 : i32
    %dma_start3A_392 = tpu.memref_slice %arg2[%dma_start3A_383, %dma_start3A_390, %dma_start3A_391] : memref<6x4000x128xi32, #tpu.memory_space<vmem>> -> memref<1x4000x128xi32, #tpu.memory_space<vmem>>
    %dma_start3A_393 = tpu.memref_squeeze %dma_start3A_392 : memref<1x4000x128xi32, #tpu.memory_space<vmem>> -> memref<4000x128xi32, #tpu.memory_space<vmem>>
    tpu.enqueue_dma source(%dma_start3A_393 : memref<4000x128xi32, #tpu.memory_space<vmem>>) target(%dma_start3A_389 : memref<4000x128xi32, #tpu.memory_space<any>>) target_semaphore(%dma_start3A_386 : memref<!tpu.dma_semaphore, #tpu.memory_space<semaphore_mem>>)
    %dma_wait3A_394 = arith.constant 0 : i32
    %dma_wait3A_395 = arith.constant 0 : i32
    %dma_wait3A_396 = tpu.memref_slice %arg4[%dma_wait3A_395] : memref<6x!tpu.dma_semaphore, #tpu.memory_space<semaphore_mem>> -> memref<1x!tpu.dma_semaphore, #tpu.memory_space<semaphore_mem>>
    %dma_wait3A_397 = tpu.memref_squeeze %dma_wait3A_396 : memref<1x!tpu.dma_semaphore, #tpu.memory_space<semaphore_mem>> -> memref<!tpu.dma_semaphore, #tpu.memory_space<semaphore_mem>>
    %dma_wait3A_398 = arith.constant 24000 : i32
    %dma_wait3A_399 = arith.constant 0 : i32
    %dma_wait3A_400 = tpu.memref_slice %arg1[%dma_wait3A_398, %dma_wait3A_399] : memref<100000x128xi32, #tpu.memory_space<any>> -> memref<4000x128xi32, #tpu.memory_space<any>>
    %dma_wait3A_401 = arith.constant 0 : i32
    %dma_wait3A_402 = arith.constant 0 : i32
    %dma_wait3A_403 = tpu.memref_slice %arg2[%dma_wait3A_394, %dma_wait3A_401, %dma_wait3A_402] : memref<6x4000x128xi32, #tpu.memory_space<vmem>> -> memref<1x4000x128xi32, #tpu.memory_space<vmem>>
    %dma_wait3A_404 = tpu.memref_squeeze %dma_wait3A_403 : memref<1x4000x128xi32, #tpu.memory_space<vmem>> -> memref<4000x128xi32, #tpu.memory_space<vmem>>
    tpu.wait_dma2 semaphore(%dma_wait3A_397 : memref<!tpu.dma_semaphore, #tpu.memory_space<semaphore_mem>>) src(%dma_wait3A_404 : memref<4000x128xi32, #tpu.memory_space<vmem>>) dst(%dma_wait3A_400 : memref<4000x128xi32, #tpu.memory_space<any>>)
    %dma_start3A_405 = arith.constant 0 : i32
    %dma_start3A_406 = arith.constant 0 : i32
    %dma_start3A_407 = tpu.memref_slice %arg3[%dma_start3A_406] : memref<6x!tpu.dma_semaphore, #tpu.memory_space<semaphore_mem>> -> memref<1x!tpu.dma_semaphore, #tpu.memory_space<semaphore_mem>>
    %dma_start3A_408 = tpu.memref_squeeze %dma_start3A_407 : memref<1x!tpu.dma_semaphore, #tpu.memory_space<semaphore_mem>> -> memref<!tpu.dma_semaphore, #tpu.memory_space<semaphore_mem>>
    %dma_start3A_409 = arith.constant 0 : i32
    %dma_start3A_410 = arith.constant 0 : i32
    %dma_start3A_411 = tpu.memref_slice %arg2[%dma_start3A_405, %dma_start3A_409, %dma_start3A_410] : memref<6x4000x128xi32, #tpu.memory_space<vmem>> -> memref<1x4000x128xi32, #tpu.memory_space<vmem>>
    %dma_start3A_412 = tpu.memref_squeeze %dma_start3A_411 : memref<1x4000x128xi32, #tpu.memory_space<vmem>> -> memref<4000x128xi32, #tpu.memory_space<vmem>>
    %dma_start3A_413 = arith.constant 48000 : i32
    %dma_start3A_414 = arith.constant 0 : i32
    %dma_start3A_415 = tpu.memref_slice %arg0[%dma_start3A_413, %dma_start3A_414] : memref<100000x128xi32, #tpu.memory_space<any>> -> memref<4000x128xi32, #tpu.memory_space<any>>
    tpu.enqueue_dma source(%dma_start3A_415 : memref<4000x128xi32, #tpu.memory_space<any>>) target(%dma_start3A_412 : memref<4000x128xi32, #tpu.memory_space<vmem>>) target_semaphore(%dma_start3A_408 : memref<!tpu.dma_semaphore, #tpu.memory_space<semaphore_mem>>)
    %dma_wait3A_416 = arith.constant 3 : i32
    %dma_wait3A_417 = arith.constant 3 : i32
    %dma_wait3A_418 = tpu.memref_slice %arg3[%dma_wait3A_417] : memref<6x!tpu.dma_semaphore, #tpu.memory_space<semaphore_mem>> -> memref<1x!tpu.dma_semaphore, #tpu.memory_space<semaphore_mem>>
    %dma_wait3A_419 = tpu.memref_squeeze %dma_wait3A_418 : memref<1x!tpu.dma_semaphore, #tpu.memory_space<semaphore_mem>> -> memref<!tpu.dma_semaphore, #tpu.memory_space<semaphore_mem>>
    %dma_wait3A_420 = arith.constant 0 : i32
    %dma_wait3A_421 = arith.constant 0 : i32
    %dma_wait3A_422 = tpu.memref_slice %arg2[%dma_wait3A_416, %dma_wait3A_420, %dma_wait3A_421] : memref<6x4000x128xi32, #tpu.memory_space<vmem>> -> memref<1x4000x128xi32, #tpu.memory_space<vmem>>
    %dma_wait3A_423 = tpu.memref_squeeze %dma_wait3A_422 : memref<1x4000x128xi32, #tpu.memory_space<vmem>> -> memref<4000x128xi32, #tpu.memory_space<vmem>>
    %dma_wait3A_424 = arith.constant 36000 : i32
    %dma_wait3A_425 = arith.constant 0 : i32
    %dma_wait3A_426 = tpu.memref_slice %arg0[%dma_wait3A_424, %dma_wait3A_425] : memref<100000x128xi32, #tpu.memory_space<any>> -> memref<4000x128xi32, #tpu.memory_space<any>>
    tpu.wait_dma2 semaphore(%dma_wait3A_419 : memref<!tpu.dma_semaphore, #tpu.memory_space<semaphore_mem>>) src(%dma_wait3A_426 : memref<4000x128xi32, #tpu.memory_space<any>>) dst(%dma_wait3A_423 : memref<4000x128xi32, #tpu.memory_space<vmem>>)
    %dma_start3A_427 = arith.constant 3 : i32
    %dma_start3A_428 = arith.constant 3 : i32
    %dma_start3A_429 = tpu.memref_slice %arg4[%dma_start3A_428] : memref<6x!tpu.dma_semaphore, #tpu.memory_space<semaphore_mem>> -> memref<1x!tpu.dma_semaphore, #tpu.memory_space<semaphore_mem>>
    %dma_start3A_430 = tpu.memref_squeeze %dma_start3A_429 : memref<1x!tpu.dma_semaphore, #tpu.memory_space<semaphore_mem>> -> memref<!tpu.dma_semaphore, #tpu.memory_space<semaphore_mem>>
    %dma_start3A_431 = arith.constant 36000 : i32
    %dma_start3A_432 = arith.constant 0 : i32
    %dma_start3A_433 = tpu.memref_slice %arg1[%dma_start3A_431, %dma_start3A_432] : memref<100000x128xi32, #tpu.memory_space<any>> -> memref<4000x128xi32, #tpu.memory_space<any>>
    %dma_start3A_434 = arith.constant 0 : i32
    %dma_start3A_435 = arith.constant 0 : i32
    %dma_start3A_436 = tpu.memref_slice %arg2[%dma_start3A_427, %dma_start3A_434, %dma_start3A_435] : memref<6x4000x128xi32, #tpu.memory_space<vmem>> -> memref<1x4000x128xi32, #tpu.memory_space<vmem>>
    %dma_start3A_437 = tpu.memref_squeeze %dma_start3A_436 : memref<1x4000x128xi32, #tpu.memory_space<vmem>> -> memref<4000x128xi32, #tpu.memory_space<vmem>>
    tpu.enqueue_dma source(%dma_start3A_437 : memref<4000x128xi32, #tpu.memory_space<vmem>>) target(%dma_start3A_433 : memref<4000x128xi32, #tpu.memory_space<any>>) target_semaphore(%dma_start3A_430 : memref<!tpu.dma_semaphore, #tpu.memory_space<semaphore_mem>>)
    %dma_wait3A_438 = arith.constant 1 : i32
    %dma_wait3A_439 = arith.constant 1 : i32
    %dma_wait3A_440 = tpu.memref_slice %arg4[%dma_wait3A_439] : memref<6x!tpu.dma_semaphore, #tpu.memory_space<semaphore_mem>> -> memref<1x!tpu.dma_semaphore, #tpu.memory_space<semaphore_mem>>
    %dma_wait3A_441 = tpu.memref_squeeze %dma_wait3A_440 : memref<1x!tpu.dma_semaphore, #tpu.memory_space<semaphore_mem>> -> memref<!tpu.dma_semaphore, #tpu.memory_space<semaphore_mem>>
    %dma_wait3A_442 = arith.constant 28000 : i32
    %dma_wait3A_443 = arith.constant 0 : i32
    %dma_wait3A_444 = tpu.memref_slice %arg1[%dma_wait3A_442, %dma_wait3A_443] : memref<100000x128xi32, #tpu.memory_space<any>> -> memref<4000x128xi32, #tpu.memory_space<any>>
    %dma_wait3A_445 = arith.constant 0 : i32
    %dma_wait3A_446 = arith.constant 0 : i32
    %dma_wait3A_447 = tpu.memref_slice %arg2[%dma_wait3A_438, %dma_wait3A_445, %dma_wait3A_446] : memref<6x4000x128xi32, #tpu.memory_space<vmem>> -> memref<1x4000x128xi32, #tpu.memory_space<vmem>>
    %dma_wait3A_448 = tpu.memref_squeeze %dma_wait3A_447 : memref<1x4000x128xi32, #tpu.memory_space<vmem>> -> memref<4000x128xi32, #tpu.memory_space<vmem>>
    tpu.wait_dma2 semaphore(%dma_wait3A_441 : memref<!tpu.dma_semaphore, #tpu.memory_space<semaphore_mem>>) src(%dma_wait3A_448 : memref<4000x128xi32, #tpu.memory_space<vmem>>) dst(%dma_wait3A_444 : memref<4000x128xi32, #tpu.memory_space<any>>)
    %dma_start3A_449 = arith.constant 1 : i32
    %dma_start3A_450 = arith.constant 1 : i32
    %dma_start3A_451 = tpu.memref_slice %arg3[%dma_start3A_450] : memref<6x!tpu.dma_semaphore, #tpu.memory_space<semaphore_mem>> -> memref<1x!tpu.dma_semaphore, #tpu.memory_space<semaphore_mem>>
    %dma_start3A_452 = tpu.memref_squeeze %dma_start3A_451 : memref<1x!tpu.dma_semaphore, #tpu.memory_space<semaphore_mem>> -> memref<!tpu.dma_semaphore, #tpu.memory_space<semaphore_mem>>
    %dma_start3A_453 = arith.constant 0 : i32
    %dma_start3A_454 = arith.constant 0 : i32
    %dma_start3A_455 = tpu.memref_slice %arg2[%dma_start3A_449, %dma_start3A_453, %dma_start3A_454] : memref<6x4000x128xi32, #tpu.memory_space<vmem>> -> memref<1x4000x128xi32, #tpu.memory_space<vmem>>
    %dma_start3A_456 = tpu.memref_squeeze %dma_start3A_455 : memref<1x4000x128xi32, #tpu.memory_space<vmem>> -> memref<4000x128xi32, #tpu.memory_space<vmem>>
    %dma_start3A_457 = arith.constant 52000 : i32
    %dma_start3A_458 = arith.constant 0 : i32
    %dma_start3A_459 = tpu.memref_slice %arg0[%dma_start3A_457, %dma_start3A_458] : memref<100000x128xi32, #tpu.memory_space<any>> -> memref<4000x128xi32, #tpu.memory_space<any>>
    tpu.enqueue_dma source(%dma_start3A_459 : memref<4000x128xi32, #tpu.memory_space<any>>) target(%dma_start3A_456 : memref<4000x128xi32, #tpu.memory_space<vmem>>) target_semaphore(%dma_start3A_452 : memref<!tpu.dma_semaphore, #tpu.memory_space<semaphore_mem>>)
    %dma_wait3A_460 = arith.constant 4 : i32
    %dma_wait3A_461 = arith.constant 4 : i32
    %dma_wait3A_462 = tpu.memref_slice %arg3[%dma_wait3A_461] : memref<6x!tpu.dma_semaphore, #tpu.memory_space<semaphore_mem>> -> memref<1x!tpu.dma_semaphore, #tpu.memory_space<semaphore_mem>>
    %dma_wait3A_463 = tpu.memref_squeeze %dma_wait3A_462 : memref<1x!tpu.dma_semaphore, #tpu.memory_space<semaphore_mem>> -> memref<!tpu.dma_semaphore, #tpu.memory_space<semaphore_mem>>
    %dma_wait3A_464 = arith.constant 0 : i32
    %dma_wait3A_465 = arith.constant 0 : i32
    %dma_wait3A_466 = tpu.memref_slice %arg2[%dma_wait3A_460, %dma_wait3A_464, %dma_wait3A_465] : memref<6x4000x128xi32, #tpu.memory_space<vmem>> -> memref<1x4000x128xi32, #tpu.memory_space<vmem>>
    %dma_wait3A_467 = tpu.memref_squeeze %dma_wait3A_466 : memref<1x4000x128xi32, #tpu.memory_space<vmem>> -> memref<4000x128xi32, #tpu.memory_space<vmem>>
    %dma_wait3A_468 = arith.constant 40000 : i32
    %dma_wait3A_469 = arith.constant 0 : i32
    %dma_wait3A_470 = tpu.memref_slice %arg0[%dma_wait3A_468, %dma_wait3A_469] : memref<100000x128xi32, #tpu.memory_space<any>> -> memref<4000x128xi32, #tpu.memory_space<any>>
    tpu.wait_dma2 semaphore(%dma_wait3A_463 : memref<!tpu.dma_semaphore, #tpu.memory_space<semaphore_mem>>) src(%dma_wait3A_470 : memref<4000x128xi32, #tpu.memory_space<any>>) dst(%dma_wait3A_467 : memref<4000x128xi32, #tpu.memory_space<vmem>>)
    %dma_start3A_471 = arith.constant 4 : i32
    %dma_start3A_472 = arith.constant 4 : i32
    %dma_start3A_473 = tpu.memref_slice %arg4[%dma_start3A_472] : memref<6x!tpu.dma_semaphore, #tpu.memory_space<semaphore_mem>> -> memref<1x!tpu.dma_semaphore, #tpu.memory_space<semaphore_mem>>
    %dma_start3A_474 = tpu.memref_squeeze %dma_start3A_473 : memref<1x!tpu.dma_semaphore, #tpu.memory_space<semaphore_mem>> -> memref<!tpu.dma_semaphore, #tpu.memory_space<semaphore_mem>>
    %dma_start3A_475 = arith.constant 40000 : i32
    %dma_start3A_476 = arith.constant 0 : i32
    %dma_start3A_477 = tpu.memref_slice %arg1[%dma_start3A_475, %dma_start3A_476] : memref<100000x128xi32, #tpu.memory_space<any>> -> memref<4000x128xi32, #tpu.memory_space<any>>
    %dma_start3A_478 = arith.constant 0 : i32
    %dma_start3A_479 = arith.constant 0 : i32
    %dma_start3A_480 = tpu.memref_slice %arg2[%dma_start3A_471, %dma_start3A_478, %dma_start3A_479] : memref<6x4000x128xi32, #tpu.memory_space<vmem>> -> memref<1x4000x128xi32, #tpu.memory_space<vmem>>
    %dma_start3A_481 = tpu.memref_squeeze %dma_start3A_480 : memref<1x4000x128xi32, #tpu.memory_space<vmem>> -> memref<4000x128xi32, #tpu.memory_space<vmem>>
    tpu.enqueue_dma source(%dma_start3A_481 : memref<4000x128xi32, #tpu.memory_space<vmem>>) target(%dma_start3A_477 : memref<4000x128xi32, #tpu.memory_space<any>>) target_semaphore(%dma_start3A_474 : memref<!tpu.dma_semaphore, #tpu.memory_space<semaphore_mem>>)
    %dma_wait3A_482 = arith.constant 2 : i32
    %dma_wait3A_483 = arith.constant 2 : i32
    %dma_wait3A_484 = tpu.memref_slice %arg4[%dma_wait3A_483] : memref<6x!tpu.dma_semaphore, #tpu.memory_space<semaphore_mem>> -> memref<1x!tpu.dma_semaphore, #tpu.memory_space<semaphore_mem>>
    %dma_wait3A_485 = tpu.memref_squeeze %dma_wait3A_484 : memref<1x!tpu.dma_semaphore, #tpu.memory_space<semaphore_mem>> -> memref<!tpu.dma_semaphore, #tpu.memory_space<semaphore_mem>>
    %dma_wait3A_486 = arith.constant 32000 : i32
    %dma_wait3A_487 = arith.constant 0 : i32
    %dma_wait3A_488 = tpu.memref_slice %arg1[%dma_wait3A_486, %dma_wait3A_487] : memref<100000x128xi32, #tpu.memory_space<any>> -> memref<4000x128xi32, #tpu.memory_space<any>>
    %dma_wait3A_489 = arith.constant 0 : i32
    %dma_wait3A_490 = arith.constant 0 : i32
    %dma_wait3A_491 = tpu.memref_slice %arg2[%dma_wait3A_482, %dma_wait3A_489, %dma_wait3A_490] : memref<6x4000x128xi32, #tpu.memory_space<vmem>> -> memref<1x4000x128xi32, #tpu.memory_space<vmem>>
    %dma_wait3A_492 = tpu.memref_squeeze %dma_wait3A_491 : memref<1x4000x128xi32, #tpu.memory_space<vmem>> -> memref<4000x128xi32, #tpu.memory_space<vmem>>
    tpu.wait_dma2 semaphore(%dma_wait3A_485 : memref<!tpu.dma_semaphore, #tpu.memory_space<semaphore_mem>>) src(%dma_wait3A_492 : memref<4000x128xi32, #tpu.memory_space<vmem>>) dst(%dma_wait3A_488 : memref<4000x128xi32, #tpu.memory_space<any>>)
    %dma_start3A_493 = arith.constant 2 : i32
    %dma_start3A_494 = arith.constant 2 : i32
    %dma_start3A_495 = tpu.memref_slice %arg3[%dma_start3A_494] : memref<6x!tpu.dma_semaphore, #tpu.memory_space<semaphore_mem>> -> memref<1x!tpu.dma_semaphore, #tpu.memory_space<semaphore_mem>>
    %dma_start3A_496 = tpu.memref_squeeze %dma_start3A_495 : memref<1x!tpu.dma_semaphore, #tpu.memory_space<semaphore_mem>> -> memref<!tpu.dma_semaphore, #tpu.memory_space<semaphore_mem>>
    %dma_start3A_497 = arith.constant 0 : i32
    %dma_start3A_498 = arith.constant 0 : i32
    %dma_start3A_499 = tpu.memref_slice %arg2[%dma_start3A_493, %dma_start3A_497, %dma_start3A_498] : memref<6x4000x128xi32, #tpu.memory_space<vmem>> -> memref<1x4000x128xi32, #tpu.memory_space<vmem>>
    %dma_start3A_500 = tpu.memref_squeeze %dma_start3A_499 : memref<1x4000x128xi32, #tpu.memory_space<vmem>> -> memref<4000x128xi32, #tpu.memory_space<vmem>>
    %dma_start3A_501 = arith.constant 56000 : i32
    %dma_start3A_502 = arith.constant 0 : i32
    %dma_start3A_503 = tpu.memref_slice %arg0[%dma_start3A_501, %dma_start3A_502] : memref<100000x128xi32, #tpu.memory_space<any>> -> memref<4000x128xi32, #tpu.memory_space<any>>
    tpu.enqueue_dma source(%dma_start3A_503 : memref<4000x128xi32, #tpu.memory_space<any>>) target(%dma_start3A_500 : memref<4000x128xi32, #tpu.memory_space<vmem>>) target_semaphore(%dma_start3A_496 : memref<!tpu.dma_semaphore, #tpu.memory_space<semaphore_mem>>)
    %dma_wait3A_504 = arith.constant 5 : i32
    %dma_wait3A_505 = arith.constant 5 : i32
    %dma_wait3A_506 = tpu.memref_slice %arg3[%dma_wait3A_505] : memref<6x!tpu.dma_semaphore, #tpu.memory_space<semaphore_mem>> -> memref<1x!tpu.dma_semaphore, #tpu.memory_space<semaphore_mem>>
    %dma_wait3A_507 = tpu.memref_squeeze %dma_wait3A_506 : memref<1x!tpu.dma_semaphore, #tpu.memory_space<semaphore_mem>> -> memref<!tpu.dma_semaphore, #tpu.memory_space<semaphore_mem>>
    %dma_wait3A_508 = arith.constant 0 : i32
    %dma_wait3A_509 = arith.constant 0 : i32
    %dma_wait3A_510 = tpu.memref_slice %arg2[%dma_wait3A_504, %dma_wait3A_508, %dma_wait3A_509] : memref<6x4000x128xi32, #tpu.memory_space<vmem>> -> memref<1x4000x128xi32, #tpu.memory_space<vmem>>
    %dma_wait3A_511 = tpu.memref_squeeze %dma_wait3A_510 : memref<1x4000x128xi32, #tpu.memory_space<vmem>> -> memref<4000x128xi32, #tpu.memory_space<vmem>>
    %dma_wait3A_512 = arith.constant 44000 : i32
    %dma_wait3A_513 = arith.constant 0 : i32
    %dma_wait3A_514 = tpu.memref_slice %arg0[%dma_wait3A_512, %dma_wait3A_513] : memref<100000x128xi32, #tpu.memory_space<any>> -> memref<4000x128xi32, #tpu.memory_space<any>>
    tpu.wait_dma2 semaphore(%dma_wait3A_507 : memref<!tpu.dma_semaphore, #tpu.memory_space<semaphore_mem>>) src(%dma_wait3A_514 : memref<4000x128xi32, #tpu.memory_space<any>>) dst(%dma_wait3A_511 : memref<4000x128xi32, #tpu.memory_space<vmem>>)
    %dma_start3A_515 = arith.constant 5 : i32
    %dma_start3A_516 = arith.constant 5 : i32
    %dma_start3A_517 = tpu.memref_slice %arg4[%dma_start3A_516] : memref<6x!tpu.dma_semaphore, #tpu.memory_space<semaphore_mem>> -> memref<1x!tpu.dma_semaphore, #tpu.memory_space<semaphore_mem>>
    %dma_start3A_518 = tpu.memref_squeeze %dma_start3A_517 : memref<1x!tpu.dma_semaphore, #tpu.memory_space<semaphore_mem>> -> memref<!tpu.dma_semaphore, #tpu.memory_space<semaphore_mem>>
    %dma_start3A_519 = arith.constant 44000 : i32
    %dma_start3A_520 = arith.constant 0 : i32
    %dma_start3A_521 = tpu.memref_slice %arg1[%dma_start3A_519, %dma_start3A_520] : memref<100000x128xi32, #tpu.memory_space<any>> -> memref<4000x128xi32, #tpu.memory_space<any>>
    %dma_start3A_522 = arith.constant 0 : i32
    %dma_start3A_523 = arith.constant 0 : i32
    %dma_start3A_524 = tpu.memref_slice %arg2[%dma_start3A_515, %dma_start3A_522, %dma_start3A_523] : memref<6x4000x128xi32, #tpu.memory_space<vmem>> -> memref<1x4000x128xi32, #tpu.memory_space<vmem>>
    %dma_start3A_525 = tpu.memref_squeeze %dma_start3A_524 : memref<1x4000x128xi32, #tpu.memory_space<vmem>> -> memref<4000x128xi32, #tpu.memory_space<vmem>>
    tpu.enqueue_dma source(%dma_start3A_525 : memref<4000x128xi32, #tpu.memory_space<vmem>>) target(%dma_start3A_521 : memref<4000x128xi32, #tpu.memory_space<any>>) target_semaphore(%dma_start3A_518 : memref<!tpu.dma_semaphore, #tpu.memory_space<semaphore_mem>>)
    %dma_wait3A_526 = arith.constant 3 : i32
    %dma_wait3A_527 = arith.constant 3 : i32
    %dma_wait3A_528 = tpu.memref_slice %arg4[%dma_wait3A_527] : memref<6x!tpu.dma_semaphore, #tpu.memory_space<semaphore_mem>> -> memref<1x!tpu.dma_semaphore, #tpu.memory_space<semaphore_mem>>
    %dma_wait3A_529 = tpu.memref_squeeze %dma_wait3A_528 : memref<1x!tpu.dma_semaphore, #tpu.memory_space<semaphore_mem>> -> memref<!tpu.dma_semaphore, #tpu.memory_space<semaphore_mem>>
    %dma_wait3A_530 = arith.constant 36000 : i32
    %dma_wait3A_531 = arith.constant 0 : i32
    %dma_wait3A_532 = tpu.memref_slice %arg1[%dma_wait3A_530, %dma_wait3A_531] : memref<100000x128xi32, #tpu.memory_space<any>> -> memref<4000x128xi32, #tpu.memory_space<any>>
    %dma_wait3A_533 = arith.constant 0 : i32
    %dma_wait3A_534 = arith.constant 0 : i32
    %dma_wait3A_535 = tpu.memref_slice %arg2[%dma_wait3A_526, %dma_wait3A_533, %dma_wait3A_534] : memref<6x4000x128xi32, #tpu.memory_space<vmem>> -> memref<1x4000x128xi32, #tpu.memory_space<vmem>>
    %dma_wait3A_536 = tpu.memref_squeeze %dma_wait3A_535 : memref<1x4000x128xi32, #tpu.memory_space<vmem>> -> memref<4000x128xi32, #tpu.memory_space<vmem>>
    tpu.wait_dma2 semaphore(%dma_wait3A_529 : memref<!tpu.dma_semaphore, #tpu.memory_space<semaphore_mem>>) src(%dma_wait3A_536 : memref<4000x128xi32, #tpu.memory_space<vmem>>) dst(%dma_wait3A_532 : memref<4000x128xi32, #tpu.memory_space<any>>)
    %dma_start3A_537 = arith.constant 3 : i32
    %dma_start3A_538 = arith.constant 3 : i32
    %dma_start3A_539 = tpu.memref_slice %arg3[%dma_start3A_538] : memref<6x!tpu.dma_semaphore, #tpu.memory_space<semaphore_mem>> -> memref<1x!tpu.dma_semaphore, #tpu.memory_space<semaphore_mem>>
    %dma_start3A_540 = tpu.memref_squeeze %dma_start3A_539 : memref<1x!tpu.dma_semaphore, #tpu.memory_space<semaphore_mem>> -> memref<!tpu.dma_semaphore, #tpu.memory_space<semaphore_mem>>
    %dma_start3A_541 = arith.constant 0 : i32
    %dma_start3A_542 = arith.constant 0 : i32
    %dma_start3A_543 = tpu.memref_slice %arg2[%dma_start3A_537, %dma_start3A_541, %dma_start3A_542] : memref<6x4000x128xi32, #tpu.memory_space<vmem>> -> memref<1x4000x128xi32, #tpu.memory_space<vmem>>
    %dma_start3A_544 = tpu.memref_squeeze %dma_start3A_543 : memref<1x4000x128xi32, #tpu.memory_space<vmem>> -> memref<4000x128xi32, #tpu.memory_space<vmem>>
    %dma_start3A_545 = arith.constant 60000 : i32
    %dma_start3A_546 = arith.constant 0 : i32
    %dma_start3A_547 = tpu.memref_slice %arg0[%dma_start3A_545, %dma_start3A_546] : memref<100000x128xi32, #tpu.memory_space<any>> -> memref<4000x128xi32, #tpu.memory_space<any>>
    tpu.enqueue_dma source(%dma_start3A_547 : memref<4000x128xi32, #tpu.memory_space<any>>) target(%dma_start3A_544 : memref<4000x128xi32, #tpu.memory_space<vmem>>) target_semaphore(%dma_start3A_540 : memref<!tpu.dma_semaphore, #tpu.memory_space<semaphore_mem>>)
    %dma_wait3A_548 = arith.constant 0 : i32
    %dma_wait3A_549 = arith.constant 0 : i32
    %dma_wait3A_550 = tpu.memref_slice %arg3[%dma_wait3A_549] : memref<6x!tpu.dma_semaphore, #tpu.memory_space<semaphore_mem>> -> memref<1x!tpu.dma_semaphore, #tpu.memory_space<semaphore_mem>>
    %dma_wait3A_551 = tpu.memref_squeeze %dma_wait3A_550 : memref<1x!tpu.dma_semaphore, #tpu.memory_space<semaphore_mem>> -> memref<!tpu.dma_semaphore, #tpu.memory_space<semaphore_mem>>
    %dma_wait3A_552 = arith.constant 0 : i32
    %dma_wait3A_553 = arith.constant 0 : i32
    %dma_wait3A_554 = tpu.memref_slice %arg2[%dma_wait3A_548, %dma_wait3A_552, %dma_wait3A_553] : memref<6x4000x128xi32, #tpu.memory_space<vmem>> -> memref<1x4000x128xi32, #tpu.memory_space<vmem>>
    %dma_wait3A_555 = tpu.memref_squeeze %dma_wait3A_554 : memref<1x4000x128xi32, #tpu.memory_space<vmem>> -> memref<4000x128xi32, #tpu.memory_space<vmem>>
    %dma_wait3A_556 = arith.constant 48000 : i32
    %dma_wait3A_557 = arith.constant 0 : i32
    %dma_wait3A_558 = tpu.memref_slice %arg0[%dma_wait3A_556, %dma_wait3A_557] : memref<100000x128xi32, #tpu.memory_space<any>> -> memref<4000x128xi32, #tpu.memory_space<any>>
    tpu.wait_dma2 semaphore(%dma_wait3A_551 : memref<!tpu.dma_semaphore, #tpu.memory_space<semaphore_mem>>) src(%dma_wait3A_558 : memref<4000x128xi32, #tpu.memory_space<any>>) dst(%dma_wait3A_555 : memref<4000x128xi32, #tpu.memory_space<vmem>>)
    %dma_start3A_559 = arith.constant 0 : i32
    %dma_start3A_560 = arith.constant 0 : i32
    %dma_start3A_561 = tpu.memref_slice %arg4[%dma_start3A_560] : memref<6x!tpu.dma_semaphore, #tpu.memory_space<semaphore_mem>> -> memref<1x!tpu.dma_semaphore, #tpu.memory_space<semaphore_mem>>
    %dma_start3A_562 = tpu.memref_squeeze %dma_start3A_561 : memref<1x!tpu.dma_semaphore, #tpu.memory_space<semaphore_mem>> -> memref<!tpu.dma_semaphore, #tpu.memory_space<semaphore_mem>>
    %dma_start3A_563 = arith.constant 48000 : i32
    %dma_start3A_564 = arith.constant 0 : i32
    %dma_start3A_565 = tpu.memref_slice %arg1[%dma_start3A_563, %dma_start3A_564] : memref<100000x128xi32, #tpu.memory_space<any>> -> memref<4000x128xi32, #tpu.memory_space<any>>
    %dma_start3A_566 = arith.constant 0 : i32
    %dma_start3A_567 = arith.constant 0 : i32
    %dma_start3A_568 = tpu.memref_slice %arg2[%dma_start3A_559, %dma_start3A_566, %dma_start3A_567] : memref<6x4000x128xi32, #tpu.memory_space<vmem>> -> memref<1x4000x128xi32, #tpu.memory_space<vmem>>
    %dma_start3A_569 = tpu.memref_squeeze %dma_start3A_568 : memref<1x4000x128xi32, #tpu.memory_space<vmem>> -> memref<4000x128xi32, #tpu.memory_space<vmem>>
    tpu.enqueue_dma source(%dma_start3A_569 : memref<4000x128xi32, #tpu.memory_space<vmem>>) target(%dma_start3A_565 : memref<4000x128xi32, #tpu.memory_space<any>>) target_semaphore(%dma_start3A_562 : memref<!tpu.dma_semaphore, #tpu.memory_space<semaphore_mem>>)
    %dma_wait3A_570 = arith.constant 4 : i32
    %dma_wait3A_571 = arith.constant 4 : i32
    %dma_wait3A_572 = tpu.memref_slice %arg4[%dma_wait3A_571] : memref<6x!tpu.dma_semaphore, #tpu.memory_space<semaphore_mem>> -> memref<1x!tpu.dma_semaphore, #tpu.memory_space<semaphore_mem>>
    %dma_wait3A_573 = tpu.memref_squeeze %dma_wait3A_572 : memref<1x!tpu.dma_semaphore, #tpu.memory_space<semaphore_mem>> -> memref<!tpu.dma_semaphore, #tpu.memory_space<semaphore_mem>>
    %dma_wait3A_574 = arith.constant 40000 : i32
    %dma_wait3A_575 = arith.constant 0 : i32
    %dma_wait3A_576 = tpu.memref_slice %arg1[%dma_wait3A_574, %dma_wait3A_575] : memref<100000x128xi32, #tpu.memory_space<any>> -> memref<4000x128xi32, #tpu.memory_space<any>>
    %dma_wait3A_577 = arith.constant 0 : i32
    %dma_wait3A_578 = arith.constant 0 : i32
    %dma_wait3A_579 = tpu.memref_slice %arg2[%dma_wait3A_570, %dma_wait3A_577, %dma_wait3A_578] : memref<6x4000x128xi32, #tpu.memory_space<vmem>> -> memref<1x4000x128xi32, #tpu.memory_space<vmem>>
    %dma_wait3A_580 = tpu.memref_squeeze %dma_wait3A_579 : memref<1x4000x128xi32, #tpu.memory_space<vmem>> -> memref<4000x128xi32, #tpu.memory_space<vmem>>
    tpu.wait_dma2 semaphore(%dma_wait3A_573 : memref<!tpu.dma_semaphore, #tpu.memory_space<semaphore_mem>>) src(%dma_wait3A_580 : memref<4000x128xi32, #tpu.memory_space<vmem>>) dst(%dma_wait3A_576 : memref<4000x128xi32, #tpu.memory_space<any>>)
    %dma_start3A_581 = arith.constant 4 : i32
    %dma_start3A_582 = arith.constant 4 : i32
    %dma_start3A_583 = tpu.memref_slice %arg3[%dma_start3A_582] : memref<6x!tpu.dma_semaphore, #tpu.memory_space<semaphore_mem>> -> memref<1x!tpu.dma_semaphore, #tpu.memory_space<semaphore_mem>>
    %dma_start3A_584 = tpu.memref_squeeze %dma_start3A_583 : memref<1x!tpu.dma_semaphore, #tpu.memory_space<semaphore_mem>> -> memref<!tpu.dma_semaphore, #tpu.memory_space<semaphore_mem>>
    %dma_start3A_585 = arith.constant 0 : i32
    %dma_start3A_586 = arith.constant 0 : i32
    %dma_start3A_587 = tpu.memref_slice %arg2[%dma_start3A_581, %dma_start3A_585, %dma_start3A_586] : memref<6x4000x128xi32, #tpu.memory_space<vmem>> -> memref<1x4000x128xi32, #tpu.memory_space<vmem>>
    %dma_start3A_588 = tpu.memref_squeeze %dma_start3A_587 : memref<1x4000x128xi32, #tpu.memory_space<vmem>> -> memref<4000x128xi32, #tpu.memory_space<vmem>>
    %dma_start3A_589 = arith.constant 64000 : i32
    %dma_start3A_590 = arith.constant 0 : i32
    %dma_start3A_591 = tpu.memref_slice %arg0[%dma_start3A_589, %dma_start3A_590] : memref<100000x128xi32, #tpu.memory_space<any>> -> memref<4000x128xi32, #tpu.memory_space<any>>
    tpu.enqueue_dma source(%dma_start3A_591 : memref<4000x128xi32, #tpu.memory_space<any>>) target(%dma_start3A_588 : memref<4000x128xi32, #tpu.memory_space<vmem>>) target_semaphore(%dma_start3A_584 : memref<!tpu.dma_semaphore, #tpu.memory_space<semaphore_mem>>)
    %dma_wait3A_592 = arith.constant 1 : i32
    %dma_wait3A_593 = arith.constant 1 : i32
    %dma_wait3A_594 = tpu.memref_slice %arg3[%dma_wait3A_593] : memref<6x!tpu.dma_semaphore, #tpu.memory_space<semaphore_mem>> -> memref<1x!tpu.dma_semaphore, #tpu.memory_space<semaphore_mem>>
    %dma_wait3A_595 = tpu.memref_squeeze %dma_wait3A_594 : memref<1x!tpu.dma_semaphore, #tpu.memory_space<semaphore_mem>> -> memref<!tpu.dma_semaphore, #tpu.memory_space<semaphore_mem>>
    %dma_wait3A_596 = arith.constant 0 : i32
    %dma_wait3A_597 = arith.constant 0 : i32
    %dma_wait3A_598 = tpu.memref_slice %arg2[%dma_wait3A_592, %dma_wait3A_596, %dma_wait3A_597] : memref<6x4000x128xi32, #tpu.memory_space<vmem>> -> memref<1x4000x128xi32, #tpu.memory_space<vmem>>
    %dma_wait3A_599 = tpu.memref_squeeze %dma_wait3A_598 : memref<1x4000x128xi32, #tpu.memory_space<vmem>> -> memref<4000x128xi32, #tpu.memory_space<vmem>>
    %dma_wait3A_600 = arith.constant 52000 : i32
    %dma_wait3A_601 = arith.constant 0 : i32
    %dma_wait3A_602 = tpu.memref_slice %arg0[%dma_wait3A_600, %dma_wait3A_601] : memref<100000x128xi32, #tpu.memory_space<any>> -> memref<4000x128xi32, #tpu.memory_space<any>>
    tpu.wait_dma2 semaphore(%dma_wait3A_595 : memref<!tpu.dma_semaphore, #tpu.memory_space<semaphore_mem>>) src(%dma_wait3A_602 : memref<4000x128xi32, #tpu.memory_space<any>>) dst(%dma_wait3A_599 : memref<4000x128xi32, #tpu.memory_space<vmem>>)
    %dma_start3A_603 = arith.constant 1 : i32
    %dma_start3A_604 = arith.constant 1 : i32
    %dma_start3A_605 = tpu.memref_slice %arg4[%dma_start3A_604] : memref<6x!tpu.dma_semaphore, #tpu.memory_space<semaphore_mem>> -> memref<1x!tpu.dma_semaphore, #tpu.memory_space<semaphore_mem>>
    %dma_start3A_606 = tpu.memref_squeeze %dma_start3A_605 : memref<1x!tpu.dma_semaphore, #tpu.memory_space<semaphore_mem>> -> memref<!tpu.dma_semaphore, #tpu.memory_space<semaphore_mem>>
    %dma_start3A_607 = arith.constant 52000 : i32
    %dma_start3A_608 = arith.constant 0 : i32
    %dma_start3A_609 = tpu.memref_slice %arg1[%dma_start3A_607, %dma_start3A_608] : memref<100000x128xi32, #tpu.memory_space<any>> -> memref<4000x128xi32, #tpu.memory_space<any>>
    %dma_start3A_610 = arith.constant 0 : i32
    %dma_start3A_611 = arith.constant 0 : i32
    %dma_start3A_612 = tpu.memref_slice %arg2[%dma_start3A_603, %dma_start3A_610, %dma_start3A_611] : memref<6x4000x128xi32, #tpu.memory_space<vmem>> -> memref<1x4000x128xi32, #tpu.memory_space<vmem>>
    %dma_start3A_613 = tpu.memref_squeeze %dma_start3A_612 : memref<1x4000x128xi32, #tpu.memory_space<vmem>> -> memref<4000x128xi32, #tpu.memory_space<vmem>>
    tpu.enqueue_dma source(%dma_start3A_613 : memref<4000x128xi32, #tpu.memory_space<vmem>>) target(%dma_start3A_609 : memref<4000x128xi32, #tpu.memory_space<any>>) target_semaphore(%dma_start3A_606 : memref<!tpu.dma_semaphore, #tpu.memory_space<semaphore_mem>>)
    %dma_wait3A_614 = arith.constant 5 : i32
    %dma_wait3A_615 = arith.constant 5 : i32
    %dma_wait3A_616 = tpu.memref_slice %arg4[%dma_wait3A_615] : memref<6x!tpu.dma_semaphore, #tpu.memory_space<semaphore_mem>> -> memref<1x!tpu.dma_semaphore, #tpu.memory_space<semaphore_mem>>
    %dma_wait3A_617 = tpu.memref_squeeze %dma_wait3A_616 : memref<1x!tpu.dma_semaphore, #tpu.memory_space<semaphore_mem>> -> memref<!tpu.dma_semaphore, #tpu.memory_space<semaphore_mem>>
    %dma_wait3A_618 = arith.constant 44000 : i32
    %dma_wait3A_619 = arith.constant 0 : i32
    %dma_wait3A_620 = tpu.memref_slice %arg1[%dma_wait3A_618, %dma_wait3A_619] : memref<100000x128xi32, #tpu.memory_space<any>> -> memref<4000x128xi32, #tpu.memory_space<any>>
    %dma_wait3A_621 = arith.constant 0 : i32
    %dma_wait3A_622 = arith.constant 0 : i32
    %dma_wait3A_623 = tpu.memref_slice %arg2[%dma_wait3A_614, %dma_wait3A_621, %dma_wait3A_622] : memref<6x4000x128xi32, #tpu.memory_space<vmem>> -> memref<1x4000x128xi32, #tpu.memory_space<vmem>>
    %dma_wait3A_624 = tpu.memref_squeeze %dma_wait3A_623 : memref<1x4000x128xi32, #tpu.memory_space<vmem>> -> memref<4000x128xi32, #tpu.memory_space<vmem>>
    tpu.wait_dma2 semaphore(%dma_wait3A_617 : memref<!tpu.dma_semaphore, #tpu.memory_space<semaphore_mem>>) src(%dma_wait3A_624 : memref<4000x128xi32, #tpu.memory_space<vmem>>) dst(%dma_wait3A_620 : memref<4000x128xi32, #tpu.memory_space<any>>)
    %dma_start3A_625 = arith.constant 5 : i32
    %dma_start3A_626 = arith.constant 5 : i32
    %dma_start3A_627 = tpu.memref_slice %arg3[%dma_start3A_626] : memref<6x!tpu.dma_semaphore, #tpu.memory_space<semaphore_mem>> -> memref<1x!tpu.dma_semaphore, #tpu.memory_space<semaphore_mem>>
    %dma_start3A_628 = tpu.memref_squeeze %dma_start3A_627 : memref<1x!tpu.dma_semaphore, #tpu.memory_space<semaphore_mem>> -> memref<!tpu.dma_semaphore, #tpu.memory_space<semaphore_mem>>
    %dma_start3A_629 = arith.constant 0 : i32
    %dma_start3A_630 = arith.constant 0 : i32
    %dma_start3A_631 = tpu.memref_slice %arg2[%dma_start3A_625, %dma_start3A_629, %dma_start3A_630] : memref<6x4000x128xi32, #tpu.memory_space<vmem>> -> memref<1x4000x128xi32, #tpu.memory_space<vmem>>
    %dma_start3A_632 = tpu.memref_squeeze %dma_start3A_631 : memref<1x4000x128xi32, #tpu.memory_space<vmem>> -> memref<4000x128xi32, #tpu.memory_space<vmem>>
    %dma_start3A_633 = arith.constant 68000 : i32
    %dma_start3A_634 = arith.constant 0 : i32
    %dma_start3A_635 = tpu.memref_slice %arg0[%dma_start3A_633, %dma_start3A_634] : memref<100000x128xi32, #tpu.memory_space<any>> -> memref<4000x128xi32, #tpu.memory_space<any>>
    tpu.enqueue_dma source(%dma_start3A_635 : memref<4000x128xi32, #tpu.memory_space<any>>) target(%dma_start3A_632 : memref<4000x128xi32, #tpu.memory_space<vmem>>) target_semaphore(%dma_start3A_628 : memref<!tpu.dma_semaphore, #tpu.memory_space<semaphore_mem>>)
    %dma_wait3A_636 = arith.constant 2 : i32
    %dma_wait3A_637 = arith.constant 2 : i32
    %dma_wait3A_638 = tpu.memref_slice %arg3[%dma_wait3A_637] : memref<6x!tpu.dma_semaphore, #tpu.memory_space<semaphore_mem>> -> memref<1x!tpu.dma_semaphore, #tpu.memory_space<semaphore_mem>>
    %dma_wait3A_639 = tpu.memref_squeeze %dma_wait3A_638 : memref<1x!tpu.dma_semaphore, #tpu.memory_space<semaphore_mem>> -> memref<!tpu.dma_semaphore, #tpu.memory_space<semaphore_mem>>
    %dma_wait3A_640 = arith.constant 0 : i32
    %dma_wait3A_641 = arith.constant 0 : i32
    %dma_wait3A_642 = tpu.memref_slice %arg2[%dma_wait3A_636, %dma_wait3A_640, %dma_wait3A_641] : memref<6x4000x128xi32, #tpu.memory_space<vmem>> -> memref<1x4000x128xi32, #tpu.memory_space<vmem>>
    %dma_wait3A_643 = tpu.memref_squeeze %dma_wait3A_642 : memref<1x4000x128xi32, #tpu.memory_space<vmem>> -> memref<4000x128xi32, #tpu.memory_space<vmem>>
    %dma_wait3A_644 = arith.constant 56000 : i32
    %dma_wait3A_645 = arith.constant 0 : i32
    %dma_wait3A_646 = tpu.memref_slice %arg0[%dma_wait3A_644, %dma_wait3A_645] : memref<100000x128xi32, #tpu.memory_space<any>> -> memref<4000x128xi32, #tpu.memory_space<any>>
    tpu.wait_dma2 semaphore(%dma_wait3A_639 : memref<!tpu.dma_semaphore, #tpu.memory_space<semaphore_mem>>) src(%dma_wait3A_646 : memref<4000x128xi32, #tpu.memory_space<any>>) dst(%dma_wait3A_643 : memref<4000x128xi32, #tpu.memory_space<vmem>>)
    %dma_start3A_647 = arith.constant 2 : i32
    %dma_start3A_648 = arith.constant 2 : i32
    %dma_start3A_649 = tpu.memref_slice %arg4[%dma_start3A_648] : memref<6x!tpu.dma_semaphore, #tpu.memory_space<semaphore_mem>> -> memref<1x!tpu.dma_semaphore, #tpu.memory_space<semaphore_mem>>
    %dma_start3A_650 = tpu.memref_squeeze %dma_start3A_649 : memref<1x!tpu.dma_semaphore, #tpu.memory_space<semaphore_mem>> -> memref<!tpu.dma_semaphore, #tpu.memory_space<semaphore_mem>>
    %dma_start3A_651 = arith.constant 56000 : i32
    %dma_start3A_652 = arith.constant 0 : i32
    %dma_start3A_653 = tpu.memref_slice %arg1[%dma_start3A_651, %dma_start3A_652] : memref<100000x128xi32, #tpu.memory_space<any>> -> memref<4000x128xi32, #tpu.memory_space<any>>
    %dma_start3A_654 = arith.constant 0 : i32
    %dma_start3A_655 = arith.constant 0 : i32
    %dma_start3A_656 = tpu.memref_slice %arg2[%dma_start3A_647, %dma_start3A_654, %dma_start3A_655] : memref<6x4000x128xi32, #tpu.memory_space<vmem>> -> memref<1x4000x128xi32, #tpu.memory_space<vmem>>
    %dma_start3A_657 = tpu.memref_squeeze %dma_start3A_656 : memref<1x4000x128xi32, #tpu.memory_space<vmem>> -> memref<4000x128xi32, #tpu.memory_space<vmem>>
    tpu.enqueue_dma source(%dma_start3A_657 : memref<4000x128xi32, #tpu.memory_space<vmem>>) target(%dma_start3A_653 : memref<4000x128xi32, #tpu.memory_space<any>>) target_semaphore(%dma_start3A_650 : memref<!tpu.dma_semaphore, #tpu.memory_space<semaphore_mem>>)
    %dma_wait3A_658 = arith.constant 0 : i32
    %dma_wait3A_659 = arith.constant 0 : i32
    %dma_wait3A_660 = tpu.memref_slice %arg4[%dma_wait3A_659] : memref<6x!tpu.dma_semaphore, #tpu.memory_space<semaphore_mem>> -> memref<1x!tpu.dma_semaphore, #tpu.memory_space<semaphore_mem>>
    %dma_wait3A_661 = tpu.memref_squeeze %dma_wait3A_660 : memref<1x!tpu.dma_semaphore, #tpu.memory_space<semaphore_mem>> -> memref<!tpu.dma_semaphore, #tpu.memory_space<semaphore_mem>>
    %dma_wait3A_662 = arith.constant 48000 : i32
    %dma_wait3A_663 = arith.constant 0 : i32
    %dma_wait3A_664 = tpu.memref_slice %arg1[%dma_wait3A_662, %dma_wait3A_663] : memref<100000x128xi32, #tpu.memory_space<any>> -> memref<4000x128xi32, #tpu.memory_space<any>>
    %dma_wait3A_665 = arith.constant 0 : i32
    %dma_wait3A_666 = arith.constant 0 : i32
    %dma_wait3A_667 = tpu.memref_slice %arg2[%dma_wait3A_658, %dma_wait3A_665, %dma_wait3A_666] : memref<6x4000x128xi32, #tpu.memory_space<vmem>> -> memref<1x4000x128xi32, #tpu.memory_space<vmem>>
    %dma_wait3A_668 = tpu.memref_squeeze %dma_wait3A_667 : memref<1x4000x128xi32, #tpu.memory_space<vmem>> -> memref<4000x128xi32, #tpu.memory_space<vmem>>
    tpu.wait_dma2 semaphore(%dma_wait3A_661 : memref<!tpu.dma_semaphore, #tpu.memory_space<semaphore_mem>>) src(%dma_wait3A_668 : memref<4000x128xi32, #tpu.memory_space<vmem>>) dst(%dma_wait3A_664 : memref<4000x128xi32, #tpu.memory_space<any>>)
    %dma_start3A_669 = arith.constant 0 : i32
    %dma_start3A_670 = arith.constant 0 : i32
    %dma_start3A_671 = tpu.memref_slice %arg3[%dma_start3A_670] : memref<6x!tpu.dma_semaphore, #tpu.memory_space<semaphore_mem>> -> memref<1x!tpu.dma_semaphore, #tpu.memory_space<semaphore_mem>>
    %dma_start3A_672 = tpu.memref_squeeze %dma_start3A_671 : memref<1x!tpu.dma_semaphore, #tpu.memory_space<semaphore_mem>> -> memref<!tpu.dma_semaphore, #tpu.memory_space<semaphore_mem>>
    %dma_start3A_673 = arith.constant 0 : i32
    %dma_start3A_674 = arith.constant 0 : i32
    %dma_start3A_675 = tpu.memref_slice %arg2[%dma_start3A_669, %dma_start3A_673, %dma_start3A_674] : memref<6x4000x128xi32, #tpu.memory_space<vmem>> -> memref<1x4000x128xi32, #tpu.memory_space<vmem>>
    %dma_start3A_676 = tpu.memref_squeeze %dma_start3A_675 : memref<1x4000x128xi32, #tpu.memory_space<vmem>> -> memref<4000x128xi32, #tpu.memory_space<vmem>>
    %dma_start3A_677 = arith.constant 72000 : i32
    %dma_start3A_678 = arith.constant 0 : i32
    %dma_start3A_679 = tpu.memref_slice %arg0[%dma_start3A_677, %dma_start3A_678] : memref<100000x128xi32, #tpu.memory_space<any>> -> memref<4000x128xi32, #tpu.memory_space<any>>
    tpu.enqueue_dma source(%dma_start3A_679 : memref<4000x128xi32, #tpu.memory_space<any>>) target(%dma_start3A_676 : memref<4000x128xi32, #tpu.memory_space<vmem>>) target_semaphore(%dma_start3A_672 : memref<!tpu.dma_semaphore, #tpu.memory_space<semaphore_mem>>)
    %dma_wait3A_680 = arith.constant 3 : i32
    %dma_wait3A_681 = arith.constant 3 : i32
    %dma_wait3A_682 = tpu.memref_slice %arg3[%dma_wait3A_681] : memref<6x!tpu.dma_semaphore, #tpu.memory_space<semaphore_mem>> -> memref<1x!tpu.dma_semaphore, #tpu.memory_space<semaphore_mem>>
    %dma_wait3A_683 = tpu.memref_squeeze %dma_wait3A_682 : memref<1x!tpu.dma_semaphore, #tpu.memory_space<semaphore_mem>> -> memref<!tpu.dma_semaphore, #tpu.memory_space<semaphore_mem>>
    %dma_wait3A_684 = arith.constant 0 : i32
    %dma_wait3A_685 = arith.constant 0 : i32
    %dma_wait3A_686 = tpu.memref_slice %arg2[%dma_wait3A_680, %dma_wait3A_684, %dma_wait3A_685] : memref<6x4000x128xi32, #tpu.memory_space<vmem>> -> memref<1x4000x128xi32, #tpu.memory_space<vmem>>
    %dma_wait3A_687 = tpu.memref_squeeze %dma_wait3A_686 : memref<1x4000x128xi32, #tpu.memory_space<vmem>> -> memref<4000x128xi32, #tpu.memory_space<vmem>>
    %dma_wait3A_688 = arith.constant 60000 : i32
    %dma_wait3A_689 = arith.constant 0 : i32
    %dma_wait3A_690 = tpu.memref_slice %arg0[%dma_wait3A_688, %dma_wait3A_689] : memref<100000x128xi32, #tpu.memory_space<any>> -> memref<4000x128xi32, #tpu.memory_space<any>>
    tpu.wait_dma2 semaphore(%dma_wait3A_683 : memref<!tpu.dma_semaphore, #tpu.memory_space<semaphore_mem>>) src(%dma_wait3A_690 : memref<4000x128xi32, #tpu.memory_space<any>>) dst(%dma_wait3A_687 : memref<4000x128xi32, #tpu.memory_space<vmem>>)
    %dma_start3A_691 = arith.constant 3 : i32
    %dma_start3A_692 = arith.constant 3 : i32
    %dma_start3A_693 = tpu.memref_slice %arg4[%dma_start3A_692] : memref<6x!tpu.dma_semaphore, #tpu.memory_space<semaphore_mem>> -> memref<1x!tpu.dma_semaphore, #tpu.memory_space<semaphore_mem>>
    %dma_start3A_694 = tpu.memref_squeeze %dma_start3A_693 : memref<1x!tpu.dma_semaphore, #tpu.memory_space<semaphore_mem>> -> memref<!tpu.dma_semaphore, #tpu.memory_space<semaphore_mem>>
    %dma_start3A_695 = arith.constant 60000 : i32
    %dma_start3A_696 = arith.constant 0 : i32
    %dma_start3A_697 = tpu.memref_slice %arg1[%dma_start3A_695, %dma_start3A_696] : memref<100000x128xi32, #tpu.memory_space<any>> -> memref<4000x128xi32, #tpu.memory_space<any>>
    %dma_start3A_698 = arith.constant 0 : i32
    %dma_start3A_699 = arith.constant 0 : i32
    %dma_start3A_700 = tpu.memref_slice %arg2[%dma_start3A_691, %dma_start3A_698, %dma_start3A_699] : memref<6x4000x128xi32, #tpu.memory_space<vmem>> -> memref<1x4000x128xi32, #tpu.memory_space<vmem>>
    %dma_start3A_701 = tpu.memref_squeeze %dma_start3A_700 : memref<1x4000x128xi32, #tpu.memory_space<vmem>> -> memref<4000x128xi32, #tpu.memory_space<vmem>>
    tpu.enqueue_dma source(%dma_start3A_701 : memref<4000x128xi32, #tpu.memory_space<vmem>>) target(%dma_start3A_697 : memref<4000x128xi32, #tpu.memory_space<any>>) target_semaphore(%dma_start3A_694 : memref<!tpu.dma_semaphore, #tpu.memory_space<semaphore_mem>>)
    %dma_wait3A_702 = arith.constant 1 : i32
    %dma_wait3A_703 = arith.constant 1 : i32
    %dma_wait3A_704 = tpu.memref_slice %arg4[%dma_wait3A_703] : memref<6x!tpu.dma_semaphore, #tpu.memory_space<semaphore_mem>> -> memref<1x!tpu.dma_semaphore, #tpu.memory_space<semaphore_mem>>
    %dma_wait3A_705 = tpu.memref_squeeze %dma_wait3A_704 : memref<1x!tpu.dma_semaphore, #tpu.memory_space<semaphore_mem>> -> memref<!tpu.dma_semaphore, #tpu.memory_space<semaphore_mem>>
    %dma_wait3A_706 = arith.constant 52000 : i32
    %dma_wait3A_707 = arith.constant 0 : i32
    %dma_wait3A_708 = tpu.memref_slice %arg1[%dma_wait3A_706, %dma_wait3A_707] : memref<100000x128xi32, #tpu.memory_space<any>> -> memref<4000x128xi32, #tpu.memory_space<any>>
    %dma_wait3A_709 = arith.constant 0 : i32
    %dma_wait3A_710 = arith.constant 0 : i32
    %dma_wait3A_711 = tpu.memref_slice %arg2[%dma_wait3A_702, %dma_wait3A_709, %dma_wait3A_710] : memref<6x4000x128xi32, #tpu.memory_space<vmem>> -> memref<1x4000x128xi32, #tpu.memory_space<vmem>>
    %dma_wait3A_712 = tpu.memref_squeeze %dma_wait3A_711 : memref<1x4000x128xi32, #tpu.memory_space<vmem>> -> memref<4000x128xi32, #tpu.memory_space<vmem>>
    tpu.wait_dma2 semaphore(%dma_wait3A_705 : memref<!tpu.dma_semaphore, #tpu.memory_space<semaphore_mem>>) src(%dma_wait3A_712 : memref<4000x128xi32, #tpu.memory_space<vmem>>) dst(%dma_wait3A_708 : memref<4000x128xi32, #tpu.memory_space<any>>)
    %dma_start3A_713 = arith.constant 1 : i32
    %dma_start3A_714 = arith.constant 1 : i32
    %dma_start3A_715 = tpu.memref_slice %arg3[%dma_start3A_714] : memref<6x!tpu.dma_semaphore, #tpu.memory_space<semaphore_mem>> -> memref<1x!tpu.dma_semaphore, #tpu.memory_space<semaphore_mem>>
    %dma_start3A_716 = tpu.memref_squeeze %dma_start3A_715 : memref<1x!tpu.dma_semaphore, #tpu.memory_space<semaphore_mem>> -> memref<!tpu.dma_semaphore, #tpu.memory_space<semaphore_mem>>
    %dma_start3A_717 = arith.constant 0 : i32
    %dma_start3A_718 = arith.constant 0 : i32
    %dma_start3A_719 = tpu.memref_slice %arg2[%dma_start3A_713, %dma_start3A_717, %dma_start3A_718] : memref<6x4000x128xi32, #tpu.memory_space<vmem>> -> memref<1x4000x128xi32, #tpu.memory_space<vmem>>
    %dma_start3A_720 = tpu.memref_squeeze %dma_start3A_719 : memref<1x4000x128xi32, #tpu.memory_space<vmem>> -> memref<4000x128xi32, #tpu.memory_space<vmem>>
    %dma_start3A_721 = arith.constant 76000 : i32
    %dma_start3A_722 = arith.constant 0 : i32
    %dma_start3A_723 = tpu.memref_slice %arg0[%dma_start3A_721, %dma_start3A_722] : memref<100000x128xi32, #tpu.memory_space<any>> -> memref<4000x128xi32, #tpu.memory_space<any>>
    tpu.enqueue_dma source(%dma_start3A_723 : memref<4000x128xi32, #tpu.memory_space<any>>) target(%dma_start3A_720 : memref<4000x128xi32, #tpu.memory_space<vmem>>) target_semaphore(%dma_start3A_716 : memref<!tpu.dma_semaphore, #tpu.memory_space<semaphore_mem>>)
    %dma_wait3A_724 = arith.constant 4 : i32
    %dma_wait3A_725 = arith.constant 4 : i32
    %dma_wait3A_726 = tpu.memref_slice %arg3[%dma_wait3A_725] : memref<6x!tpu.dma_semaphore, #tpu.memory_space<semaphore_mem>> -> memref<1x!tpu.dma_semaphore, #tpu.memory_space<semaphore_mem>>
    %dma_wait3A_727 = tpu.memref_squeeze %dma_wait3A_726 : memref<1x!tpu.dma_semaphore, #tpu.memory_space<semaphore_mem>> -> memref<!tpu.dma_semaphore, #tpu.memory_space<semaphore_mem>>
    %dma_wait3A_728 = arith.constant 0 : i32
    %dma_wait3A_729 = arith.constant 0 : i32
    %dma_wait3A_730 = tpu.memref_slice %arg2[%dma_wait3A_724, %dma_wait3A_728, %dma_wait3A_729] : memref<6x4000x128xi32, #tpu.memory_space<vmem>> -> memref<1x4000x128xi32, #tpu.memory_space<vmem>>
    %dma_wait3A_731 = tpu.memref_squeeze %dma_wait3A_730 : memref<1x4000x128xi32, #tpu.memory_space<vmem>> -> memref<4000x128xi32, #tpu.memory_space<vmem>>
    %dma_wait3A_732 = arith.constant 64000 : i32
    %dma_wait3A_733 = arith.constant 0 : i32
    %dma_wait3A_734 = tpu.memref_slice %arg0[%dma_wait3A_732, %dma_wait3A_733] : memref<100000x128xi32, #tpu.memory_space<any>> -> memref<4000x128xi32, #tpu.memory_space<any>>
    tpu.wait_dma2 semaphore(%dma_wait3A_727 : memref<!tpu.dma_semaphore, #tpu.memory_space<semaphore_mem>>) src(%dma_wait3A_734 : memref<4000x128xi32, #tpu.memory_space<any>>) dst(%dma_wait3A_731 : memref<4000x128xi32, #tpu.memory_space<vmem>>)
    %dma_start3A_735 = arith.constant 4 : i32
    %dma_start3A_736 = arith.constant 4 : i32
    %dma_start3A_737 = tpu.memref_slice %arg4[%dma_start3A_736] : memref<6x!tpu.dma_semaphore, #tpu.memory_space<semaphore_mem>> -> memref<1x!tpu.dma_semaphore, #tpu.memory_space<semaphore_mem>>
    %dma_start3A_738 = tpu.memref_squeeze %dma_start3A_737 : memref<1x!tpu.dma_semaphore, #tpu.memory_space<semaphore_mem>> -> memref<!tpu.dma_semaphore, #tpu.memory_space<semaphore_mem>>
    %dma_start3A_739 = arith.constant 64000 : i32
    %dma_start3A_740 = arith.constant 0 : i32
    %dma_start3A_741 = tpu.memref_slice %arg1[%dma_start3A_739, %dma_start3A_740] : memref<100000x128xi32, #tpu.memory_space<any>> -> memref<4000x128xi32, #tpu.memory_space<any>>
    %dma_start3A_742 = arith.constant 0 : i32
    %dma_start3A_743 = arith.constant 0 : i32
    %dma_start3A_744 = tpu.memref_slice %arg2[%dma_start3A_735, %dma_start3A_742, %dma_start3A_743] : memref<6x4000x128xi32, #tpu.memory_space<vmem>> -> memref<1x4000x128xi32, #tpu.memory_space<vmem>>
    %dma_start3A_745 = tpu.memref_squeeze %dma_start3A_744 : memref<1x4000x128xi32, #tpu.memory_space<vmem>> -> memref<4000x128xi32, #tpu.memory_space<vmem>>
    tpu.enqueue_dma source(%dma_start3A_745 : memref<4000x128xi32, #tpu.memory_space<vmem>>) target(%dma_start3A_741 : memref<4000x128xi32, #tpu.memory_space<any>>) target_semaphore(%dma_start3A_738 : memref<!tpu.dma_semaphore, #tpu.memory_space<semaphore_mem>>)
    %dma_wait3A_746 = arith.constant 2 : i32
    %dma_wait3A_747 = arith.constant 2 : i32
    %dma_wait3A_748 = tpu.memref_slice %arg4[%dma_wait3A_747] : memref<6x!tpu.dma_semaphore, #tpu.memory_space<semaphore_mem>> -> memref<1x!tpu.dma_semaphore, #tpu.memory_space<semaphore_mem>>
    %dma_wait3A_749 = tpu.memref_squeeze %dma_wait3A_748 : memref<1x!tpu.dma_semaphore, #tpu.memory_space<semaphore_mem>> -> memref<!tpu.dma_semaphore, #tpu.memory_space<semaphore_mem>>
    %dma_wait3A_750 = arith.constant 56000 : i32
    %dma_wait3A_751 = arith.constant 0 : i32
    %dma_wait3A_752 = tpu.memref_slice %arg1[%dma_wait3A_750, %dma_wait3A_751] : memref<100000x128xi32, #tpu.memory_space<any>> -> memref<4000x128xi32, #tpu.memory_space<any>>
    %dma_wait3A_753 = arith.constant 0 : i32
    %dma_wait3A_754 = arith.constant 0 : i32
    %dma_wait3A_755 = tpu.memref_slice %arg2[%dma_wait3A_746, %dma_wait3A_753, %dma_wait3A_754] : memref<6x4000x128xi32, #tpu.memory_space<vmem>> -> memref<1x4000x128xi32, #tpu.memory_space<vmem>>
    %dma_wait3A_756 = tpu.memref_squeeze %dma_wait3A_755 : memref<1x4000x128xi32, #tpu.memory_space<vmem>> -> memref<4000x128xi32, #tpu.memory_space<vmem>>
    tpu.wait_dma2 semaphore(%dma_wait3A_749 : memref<!tpu.dma_semaphore, #tpu.memory_space<semaphore_mem>>) src(%dma_wait3A_756 : memref<4000x128xi32, #tpu.memory_space<vmem>>) dst(%dma_wait3A_752 : memref<4000x128xi32, #tpu.memory_space<any>>)
    %dma_start3A_757 = arith.constant 2 : i32
    %dma_start3A_758 = arith.constant 2 : i32
    %dma_start3A_759 = tpu.memref_slice %arg3[%dma_start3A_758] : memref<6x!tpu.dma_semaphore, #tpu.memory_space<semaphore_mem>> -> memref<1x!tpu.dma_semaphore, #tpu.memory_space<semaphore_mem>>
    %dma_start3A_760 = tpu.memref_squeeze %dma_start3A_759 : memref<1x!tpu.dma_semaphore, #tpu.memory_space<semaphore_mem>> -> memref<!tpu.dma_semaphore, #tpu.memory_space<semaphore_mem>>
    %dma_start3A_761 = arith.constant 0 : i32
    %dma_start3A_762 = arith.constant 0 : i32
    %dma_start3A_763 = tpu.memref_slice %arg2[%dma_start3A_757, %dma_start3A_761, %dma_start3A_762] : memref<6x4000x128xi32, #tpu.memory_space<vmem>> -> memref<1x4000x128xi32, #tpu.memory_space<vmem>>
    %dma_start3A_764 = tpu.memref_squeeze %dma_start3A_763 : memref<1x4000x128xi32, #tpu.memory_space<vmem>> -> memref<4000x128xi32, #tpu.memory_space<vmem>>
    %dma_start3A_765 = arith.constant 80000 : i32
    %dma_start3A_766 = arith.constant 0 : i32
    %dma_start3A_767 = tpu.memref_slice %arg0[%dma_start3A_765, %dma_start3A_766] : memref<100000x128xi32, #tpu.memory_space<any>> -> memref<4000x128xi32, #tpu.memory_space<any>>
    tpu.enqueue_dma source(%dma_start3A_767 : memref<4000x128xi32, #tpu.memory_space<any>>) target(%dma_start3A_764 : memref<4000x128xi32, #tpu.memory_space<vmem>>) target_semaphore(%dma_start3A_760 : memref<!tpu.dma_semaphore, #tpu.memory_space<semaphore_mem>>)
    %dma_wait3A_768 = arith.constant 5 : i32
    %dma_wait3A_769 = arith.constant 5 : i32
    %dma_wait3A_770 = tpu.memref_slice %arg3[%dma_wait3A_769] : memref<6x!tpu.dma_semaphore, #tpu.memory_space<semaphore_mem>> -> memref<1x!tpu.dma_semaphore, #tpu.memory_space<semaphore_mem>>
    %dma_wait3A_771 = tpu.memref_squeeze %dma_wait3A_770 : memref<1x!tpu.dma_semaphore, #tpu.memory_space<semaphore_mem>> -> memref<!tpu.dma_semaphore, #tpu.memory_space<semaphore_mem>>
    %dma_wait3A_772 = arith.constant 0 : i32
    %dma_wait3A_773 = arith.constant 0 : i32
    %dma_wait3A_774 = tpu.memref_slice %arg2[%dma_wait3A_768, %dma_wait3A_772, %dma_wait3A_773] : memref<6x4000x128xi32, #tpu.memory_space<vmem>> -> memref<1x4000x128xi32, #tpu.memory_space<vmem>>
    %dma_wait3A_775 = tpu.memref_squeeze %dma_wait3A_774 : memref<1x4000x128xi32, #tpu.memory_space<vmem>> -> memref<4000x128xi32, #tpu.memory_space<vmem>>
    %dma_wait3A_776 = arith.constant 68000 : i32
    %dma_wait3A_777 = arith.constant 0 : i32
    %dma_wait3A_778 = tpu.memref_slice %arg0[%dma_wait3A_776, %dma_wait3A_777] : memref<100000x128xi32, #tpu.memory_space<any>> -> memref<4000x128xi32, #tpu.memory_space<any>>
    tpu.wait_dma2 semaphore(%dma_wait3A_771 : memref<!tpu.dma_semaphore, #tpu.memory_space<semaphore_mem>>) src(%dma_wait3A_778 : memref<4000x128xi32, #tpu.memory_space<any>>) dst(%dma_wait3A_775 : memref<4000x128xi32, #tpu.memory_space<vmem>>)
    %dma_start3A_779 = arith.constant 5 : i32
    %dma_start3A_780 = arith.constant 5 : i32
    %dma_start3A_781 = tpu.memref_slice %arg4[%dma_start3A_780] : memref<6x!tpu.dma_semaphore, #tpu.memory_space<semaphore_mem>> -> memref<1x!tpu.dma_semaphore, #tpu.memory_space<semaphore_mem>>
    %dma_start3A_782 = tpu.memref_squeeze %dma_start3A_781 : memref<1x!tpu.dma_semaphore, #tpu.memory_space<semaphore_mem>> -> memref<!tpu.dma_semaphore, #tpu.memory_space<semaphore_mem>>
    %dma_start3A_783 = arith.constant 68000 : i32
    %dma_start3A_784 = arith.constant 0 : i32
    %dma_start3A_785 = tpu.memref_slice %arg1[%dma_start3A_783, %dma_start3A_784] : memref<100000x128xi32, #tpu.memory_space<any>> -> memref<4000x128xi32, #tpu.memory_space<any>>
    %dma_start3A_786 = arith.constant 0 : i32
    %dma_start3A_787 = arith.constant 0 : i32
    %dma_start3A_788 = tpu.memref_slice %arg2[%dma_start3A_779, %dma_start3A_786, %dma_start3A_787] : memref<6x4000x128xi32, #tpu.memory_space<vmem>> -> memref<1x4000x128xi32, #tpu.memory_space<vmem>>
    %dma_start3A_789 = tpu.memref_squeeze %dma_start3A_788 : memref<1x4000x128xi32, #tpu.memory_space<vmem>> -> memref<4000x128xi32, #tpu.memory_space<vmem>>
    tpu.enqueue_dma source(%dma_start3A_789 : memref<4000x128xi32, #tpu.memory_space<vmem>>) target(%dma_start3A_785 : memref<4000x128xi32, #tpu.memory_space<any>>) target_semaphore(%dma_start3A_782 : memref<!tpu.dma_semaphore, #tpu.memory_space<semaphore_mem>>)
    %dma_wait3A_790 = arith.constant 3 : i32
    %dma_wait3A_791 = arith.constant 3 : i32
    %dma_wait3A_792 = tpu.memref_slice %arg4[%dma_wait3A_791] : memref<6x!tpu.dma_semaphore, #tpu.memory_space<semaphore_mem>> -> memref<1x!tpu.dma_semaphore, #tpu.memory_space<semaphore_mem>>
    %dma_wait3A_793 = tpu.memref_squeeze %dma_wait3A_792 : memref<1x!tpu.dma_semaphore, #tpu.memory_space<semaphore_mem>> -> memref<!tpu.dma_semaphore, #tpu.memory_space<semaphore_mem>>
    %dma_wait3A_794 = arith.constant 60000 : i32
    %dma_wait3A_795 = arith.constant 0 : i32
    %dma_wait3A_796 = tpu.memref_slice %arg1[%dma_wait3A_794, %dma_wait3A_795] : memref<100000x128xi32, #tpu.memory_space<any>> -> memref<4000x128xi32, #tpu.memory_space<any>>
    %dma_wait3A_797 = arith.constant 0 : i32
    %dma_wait3A_798 = arith.constant 0 : i32
    %dma_wait3A_799 = tpu.memref_slice %arg2[%dma_wait3A_790, %dma_wait3A_797, %dma_wait3A_798] : memref<6x4000x128xi32, #tpu.memory_space<vmem>> -> memref<1x4000x128xi32, #tpu.memory_space<vmem>>
    %dma_wait3A_800 = tpu.memref_squeeze %dma_wait3A_799 : memref<1x4000x128xi32, #tpu.memory_space<vmem>> -> memref<4000x128xi32, #tpu.memory_space<vmem>>
    tpu.wait_dma2 semaphore(%dma_wait3A_793 : memref<!tpu.dma_semaphore, #tpu.memory_space<semaphore_mem>>) src(%dma_wait3A_800 : memref<4000x128xi32, #tpu.memory_space<vmem>>) dst(%dma_wait3A_796 : memref<4000x128xi32, #tpu.memory_space<any>>)
    %dma_start3A_801 = arith.constant 3 : i32
    %dma_start3A_802 = arith.constant 3 : i32
    %dma_start3A_803 = tpu.memref_slice %arg3[%dma_start3A_802] : memref<6x!tpu.dma_semaphore, #tpu.memory_space<semaphore_mem>> -> memref<1x!tpu.dma_semaphore, #tpu.memory_space<semaphore_mem>>
    %dma_start3A_804 = tpu.memref_squeeze %dma_start3A_803 : memref<1x!tpu.dma_semaphore, #tpu.memory_space<semaphore_mem>> -> memref<!tpu.dma_semaphore, #tpu.memory_space<semaphore_mem>>
    %dma_start3A_805 = arith.constant 0 : i32
    %dma_start3A_806 = arith.constant 0 : i32
    %dma_start3A_807 = tpu.memref_slice %arg2[%dma_start3A_801, %dma_start3A_805, %dma_start3A_806] : memref<6x4000x128xi32, #tpu.memory_space<vmem>> -> memref<1x4000x128xi32, #tpu.memory_space<vmem>>
    %dma_start3A_808 = tpu.memref_squeeze %dma_start3A_807 : memref<1x4000x128xi32, #tpu.memory_space<vmem>> -> memref<4000x128xi32, #tpu.memory_space<vmem>>
    %dma_start3A_809 = arith.constant 84000 : i32
    %dma_start3A_810 = arith.constant 0 : i32
    %dma_start3A_811 = tpu.memref_slice %arg0[%dma_start3A_809, %dma_start3A_810] : memref<100000x128xi32, #tpu.memory_space<any>> -> memref<4000x128xi32, #tpu.memory_space<any>>
    tpu.enqueue_dma source(%dma_start3A_811 : memref<4000x128xi32, #tpu.memory_space<any>>) target(%dma_start3A_808 : memref<4000x128xi32, #tpu.memory_space<vmem>>) target_semaphore(%dma_start3A_804 : memref<!tpu.dma_semaphore, #tpu.memory_space<semaphore_mem>>)
    %dma_wait3A_812 = arith.constant 0 : i32
    %dma_wait3A_813 = arith.constant 0 : i32
    %dma_wait3A_814 = tpu.memref_slice %arg3[%dma_wait3A_813] : memref<6x!tpu.dma_semaphore, #tpu.memory_space<semaphore_mem>> -> memref<1x!tpu.dma_semaphore, #tpu.memory_space<semaphore_mem>>
    %dma_wait3A_815 = tpu.memref_squeeze %dma_wait3A_814 : memref<1x!tpu.dma_semaphore, #tpu.memory_space<semaphore_mem>> -> memref<!tpu.dma_semaphore, #tpu.memory_space<semaphore_mem>>
    %dma_wait3A_816 = arith.constant 0 : i32
    %dma_wait3A_817 = arith.constant 0 : i32
    %dma_wait3A_818 = tpu.memref_slice %arg2[%dma_wait3A_812, %dma_wait3A_816, %dma_wait3A_817] : memref<6x4000x128xi32, #tpu.memory_space<vmem>> -> memref<1x4000x128xi32, #tpu.memory_space<vmem>>
    %dma_wait3A_819 = tpu.memref_squeeze %dma_wait3A_818 : memref<1x4000x128xi32, #tpu.memory_space<vmem>> -> memref<4000x128xi32, #tpu.memory_space<vmem>>
    %dma_wait3A_820 = arith.constant 72000 : i32
    %dma_wait3A_821 = arith.constant 0 : i32
    %dma_wait3A_822 = tpu.memref_slice %arg0[%dma_wait3A_820, %dma_wait3A_821] : memref<100000x128xi32, #tpu.memory_space<any>> -> memref<4000x128xi32, #tpu.memory_space<any>>
    tpu.wait_dma2 semaphore(%dma_wait3A_815 : memref<!tpu.dma_semaphore, #tpu.memory_space<semaphore_mem>>) src(%dma_wait3A_822 : memref<4000x128xi32, #tpu.memory_space<any>>) dst(%dma_wait3A_819 : memref<4000x128xi32, #tpu.memory_space<vmem>>)
    %dma_start3A_823 = arith.constant 0 : i32
    %dma_start3A_824 = arith.constant 0 : i32
    %dma_start3A_825 = tpu.memref_slice %arg4[%dma_start3A_824] : memref<6x!tpu.dma_semaphore, #tpu.memory_space<semaphore_mem>> -> memref<1x!tpu.dma_semaphore, #tpu.memory_space<semaphore_mem>>
    %dma_start3A_826 = tpu.memref_squeeze %dma_start3A_825 : memref<1x!tpu.dma_semaphore, #tpu.memory_space<semaphore_mem>> -> memref<!tpu.dma_semaphore, #tpu.memory_space<semaphore_mem>>
    %dma_start3A_827 = arith.constant 72000 : i32
    %dma_start3A_828 = arith.constant 0 : i32
    %dma_start3A_829 = tpu.memref_slice %arg1[%dma_start3A_827, %dma_start3A_828] : memref<100000x128xi32, #tpu.memory_space<any>> -> memref<4000x128xi32, #tpu.memory_space<any>>
    %dma_start3A_830 = arith.constant 0 : i32
    %dma_start3A_831 = arith.constant 0 : i32
    %dma_start3A_832 = tpu.memref_slice %arg2[%dma_start3A_823, %dma_start3A_830, %dma_start3A_831] : memref<6x4000x128xi32, #tpu.memory_space<vmem>> -> memref<1x4000x128xi32, #tpu.memory_space<vmem>>
    %dma_start3A_833 = tpu.memref_squeeze %dma_start3A_832 : memref<1x4000x128xi32, #tpu.memory_space<vmem>> -> memref<4000x128xi32, #tpu.memory_space<vmem>>
    tpu.enqueue_dma source(%dma_start3A_833 : memref<4000x128xi32, #tpu.memory_space<vmem>>) target(%dma_start3A_829 : memref<4000x128xi32, #tpu.memory_space<any>>) target_semaphore(%dma_start3A_826 : memref<!tpu.dma_semaphore, #tpu.memory_space<semaphore_mem>>)
    %dma_wait3A_834 = arith.constant 4 : i32
    %dma_wait3A_835 = arith.constant 4 : i32
    %dma_wait3A_836 = tpu.memref_slice %arg4[%dma_wait3A_835] : memref<6x!tpu.dma_semaphore, #tpu.memory_space<semaphore_mem>> -> memref<1x!tpu.dma_semaphore, #tpu.memory_space<semaphore_mem>>
    %dma_wait3A_837 = tpu.memref_squeeze %dma_wait3A_836 : memref<1x!tpu.dma_semaphore, #tpu.memory_space<semaphore_mem>> -> memref<!tpu.dma_semaphore, #tpu.memory_space<semaphore_mem>>
    %dma_wait3A_838 = arith.constant 64000 : i32
    %dma_wait3A_839 = arith.constant 0 : i32
    %dma_wait3A_840 = tpu.memref_slice %arg1[%dma_wait3A_838, %dma_wait3A_839] : memref<100000x128xi32, #tpu.memory_space<any>> -> memref<4000x128xi32, #tpu.memory_space<any>>
    %dma_wait3A_841 = arith.constant 0 : i32
    %dma_wait3A_842 = arith.constant 0 : i32
    %dma_wait3A_843 = tpu.memref_slice %arg2[%dma_wait3A_834, %dma_wait3A_841, %dma_wait3A_842] : memref<6x4000x128xi32, #tpu.memory_space<vmem>> -> memref<1x4000x128xi32, #tpu.memory_space<vmem>>
    %dma_wait3A_844 = tpu.memref_squeeze %dma_wait3A_843 : memref<1x4000x128xi32, #tpu.memory_space<vmem>> -> memref<4000x128xi32, #tpu.memory_space<vmem>>
    tpu.wait_dma2 semaphore(%dma_wait3A_837 : memref<!tpu.dma_semaphore, #tpu.memory_space<semaphore_mem>>) src(%dma_wait3A_844 : memref<4000x128xi32, #tpu.memory_space<vmem>>) dst(%dma_wait3A_840 : memref<4000x128xi32, #tpu.memory_space<any>>)
    %dma_start3A_845 = arith.constant 4 : i32
    %dma_start3A_846 = arith.constant 4 : i32
    %dma_start3A_847 = tpu.memref_slice %arg3[%dma_start3A_846] : memref<6x!tpu.dma_semaphore, #tpu.memory_space<semaphore_mem>> -> memref<1x!tpu.dma_semaphore, #tpu.memory_space<semaphore_mem>>
    %dma_start3A_848 = tpu.memref_squeeze %dma_start3A_847 : memref<1x!tpu.dma_semaphore, #tpu.memory_space<semaphore_mem>> -> memref<!tpu.dma_semaphore, #tpu.memory_space<semaphore_mem>>
    %dma_start3A_849 = arith.constant 0 : i32
    %dma_start3A_850 = arith.constant 0 : i32
    %dma_start3A_851 = tpu.memref_slice %arg2[%dma_start3A_845, %dma_start3A_849, %dma_start3A_850] : memref<6x4000x128xi32, #tpu.memory_space<vmem>> -> memref<1x4000x128xi32, #tpu.memory_space<vmem>>
    %dma_start3A_852 = tpu.memref_squeeze %dma_start3A_851 : memref<1x4000x128xi32, #tpu.memory_space<vmem>> -> memref<4000x128xi32, #tpu.memory_space<vmem>>
    %dma_start3A_853 = arith.constant 88000 : i32
    %dma_start3A_854 = arith.constant 0 : i32
    %dma_start3A_855 = tpu.memref_slice %arg0[%dma_start3A_853, %dma_start3A_854] : memref<100000x128xi32, #tpu.memory_space<any>> -> memref<4000x128xi32, #tpu.memory_space<any>>
    tpu.enqueue_dma source(%dma_start3A_855 : memref<4000x128xi32, #tpu.memory_space<any>>) target(%dma_start3A_852 : memref<4000x128xi32, #tpu.memory_space<vmem>>) target_semaphore(%dma_start3A_848 : memref<!tpu.dma_semaphore, #tpu.memory_space<semaphore_mem>>)
    %dma_wait3A_856 = arith.constant 1 : i32
    %dma_wait3A_857 = arith.constant 1 : i32
    %dma_wait3A_858 = tpu.memref_slice %arg3[%dma_wait3A_857] : memref<6x!tpu.dma_semaphore, #tpu.memory_space<semaphore_mem>> -> memref<1x!tpu.dma_semaphore, #tpu.memory_space<semaphore_mem>>
    %dma_wait3A_859 = tpu.memref_squeeze %dma_wait3A_858 : memref<1x!tpu.dma_semaphore, #tpu.memory_space<semaphore_mem>> -> memref<!tpu.dma_semaphore, #tpu.memory_space<semaphore_mem>>
    %dma_wait3A_860 = arith.constant 0 : i32
    %dma_wait3A_861 = arith.constant 0 : i32
    %dma_wait3A_862 = tpu.memref_slice %arg2[%dma_wait3A_856, %dma_wait3A_860, %dma_wait3A_861] : memref<6x4000x128xi32, #tpu.memory_space<vmem>> -> memref<1x4000x128xi32, #tpu.memory_space<vmem>>
    %dma_wait3A_863 = tpu.memref_squeeze %dma_wait3A_862 : memref<1x4000x128xi32, #tpu.memory_space<vmem>> -> memref<4000x128xi32, #tpu.memory_space<vmem>>
    %dma_wait3A_864 = arith.constant 76000 : i32
    %dma_wait3A_865 = arith.constant 0 : i32
    %dma_wait3A_866 = tpu.memref_slice %arg0[%dma_wait3A_864, %dma_wait3A_865] : memref<100000x128xi32, #tpu.memory_space<any>> -> memref<4000x128xi32, #tpu.memory_space<any>>
    tpu.wait_dma2 semaphore(%dma_wait3A_859 : memref<!tpu.dma_semaphore, #tpu.memory_space<semaphore_mem>>) src(%dma_wait3A_866 : memref<4000x128xi32, #tpu.memory_space<any>>) dst(%dma_wait3A_863 : memref<4000x128xi32, #tpu.memory_space<vmem>>)
    %dma_start3A_867 = arith.constant 1 : i32
    %dma_start3A_868 = arith.constant 1 : i32
    %dma_start3A_869 = tpu.memref_slice %arg4[%dma_start3A_868] : memref<6x!tpu.dma_semaphore, #tpu.memory_space<semaphore_mem>> -> memref<1x!tpu.dma_semaphore, #tpu.memory_space<semaphore_mem>>
    %dma_start3A_870 = tpu.memref_squeeze %dma_start3A_869 : memref<1x!tpu.dma_semaphore, #tpu.memory_space<semaphore_mem>> -> memref<!tpu.dma_semaphore, #tpu.memory_space<semaphore_mem>>
    %dma_start3A_871 = arith.constant 76000 : i32
    %dma_start3A_872 = arith.constant 0 : i32
    %dma_start3A_873 = tpu.memref_slice %arg1[%dma_start3A_871, %dma_start3A_872] : memref<100000x128xi32, #tpu.memory_space<any>> -> memref<4000x128xi32, #tpu.memory_space<any>>
    %dma_start3A_874 = arith.constant 0 : i32
    %dma_start3A_875 = arith.constant 0 : i32
    %dma_start3A_876 = tpu.memref_slice %arg2[%dma_start3A_867, %dma_start3A_874, %dma_start3A_875] : memref<6x4000x128xi32, #tpu.memory_space<vmem>> -> memref<1x4000x128xi32, #tpu.memory_space<vmem>>
    %dma_start3A_877 = tpu.memref_squeeze %dma_start3A_876 : memref<1x4000x128xi32, #tpu.memory_space<vmem>> -> memref<4000x128xi32, #tpu.memory_space<vmem>>
    tpu.enqueue_dma source(%dma_start3A_877 : memref<4000x128xi32, #tpu.memory_space<vmem>>) target(%dma_start3A_873 : memref<4000x128xi32, #tpu.memory_space<any>>) target_semaphore(%dma_start3A_870 : memref<!tpu.dma_semaphore, #tpu.memory_space<semaphore_mem>>)
    %dma_wait3A_878 = arith.constant 5 : i32
    %dma_wait3A_879 = arith.constant 5 : i32
    %dma_wait3A_880 = tpu.memref_slice %arg4[%dma_wait3A_879] : memref<6x!tpu.dma_semaphore, #tpu.memory_space<semaphore_mem>> -> memref<1x!tpu.dma_semaphore, #tpu.memory_space<semaphore_mem>>
    %dma_wait3A_881 = tpu.memref_squeeze %dma_wait3A_880 : memref<1x!tpu.dma_semaphore, #tpu.memory_space<semaphore_mem>> -> memref<!tpu.dma_semaphore, #tpu.memory_space<semaphore_mem>>
    %dma_wait3A_882 = arith.constant 68000 : i32
    %dma_wait3A_883 = arith.constant 0 : i32
    %dma_wait3A_884 = tpu.memref_slice %arg1[%dma_wait3A_882, %dma_wait3A_883] : memref<100000x128xi32, #tpu.memory_space<any>> -> memref<4000x128xi32, #tpu.memory_space<any>>
    %dma_wait3A_885 = arith.constant 0 : i32
    %dma_wait3A_886 = arith.constant 0 : i32
    %dma_wait3A_887 = tpu.memref_slice %arg2[%dma_wait3A_878, %dma_wait3A_885, %dma_wait3A_886] : memref<6x4000x128xi32, #tpu.memory_space<vmem>> -> memref<1x4000x128xi32, #tpu.memory_space<vmem>>
    %dma_wait3A_888 = tpu.memref_squeeze %dma_wait3A_887 : memref<1x4000x128xi32, #tpu.memory_space<vmem>> -> memref<4000x128xi32, #tpu.memory_space<vmem>>
    tpu.wait_dma2 semaphore(%dma_wait3A_881 : memref<!tpu.dma_semaphore, #tpu.memory_space<semaphore_mem>>) src(%dma_wait3A_888 : memref<4000x128xi32, #tpu.memory_space<vmem>>) dst(%dma_wait3A_884 : memref<4000x128xi32, #tpu.memory_space<any>>)
    %dma_start3A_889 = arith.constant 5 : i32
    %dma_start3A_890 = arith.constant 5 : i32
    %dma_start3A_891 = tpu.memref_slice %arg3[%dma_start3A_890] : memref<6x!tpu.dma_semaphore, #tpu.memory_space<semaphore_mem>> -> memref<1x!tpu.dma_semaphore, #tpu.memory_space<semaphore_mem>>
    %dma_start3A_892 = tpu.memref_squeeze %dma_start3A_891 : memref<1x!tpu.dma_semaphore, #tpu.memory_space<semaphore_mem>> -> memref<!tpu.dma_semaphore, #tpu.memory_space<semaphore_mem>>
    %dma_start3A_893 = arith.constant 0 : i32
    %dma_start3A_894 = arith.constant 0 : i32
    %dma_start3A_895 = tpu.memref_slice %arg2[%dma_start3A_889, %dma_start3A_893, %dma_start3A_894] : memref<6x4000x128xi32, #tpu.memory_space<vmem>> -> memref<1x4000x128xi32, #tpu.memory_space<vmem>>
    %dma_start3A_896 = tpu.memref_squeeze %dma_start3A_895 : memref<1x4000x128xi32, #tpu.memory_space<vmem>> -> memref<4000x128xi32, #tpu.memory_space<vmem>>
    %dma_start3A_897 = arith.constant 92000 : i32
    %dma_start3A_898 = arith.constant 0 : i32
    %dma_start3A_899 = tpu.memref_slice %arg0[%dma_start3A_897, %dma_start3A_898] : memref<100000x128xi32, #tpu.memory_space<any>> -> memref<4000x128xi32, #tpu.memory_space<any>>
    tpu.enqueue_dma source(%dma_start3A_899 : memref<4000x128xi32, #tpu.memory_space<any>>) target(%dma_start3A_896 : memref<4000x128xi32, #tpu.memory_space<vmem>>) target_semaphore(%dma_start3A_892 : memref<!tpu.dma_semaphore, #tpu.memory_space<semaphore_mem>>)
    %dma_wait3A_900 = arith.constant 2 : i32
    %dma_wait3A_901 = arith.constant 2 : i32
    %dma_wait3A_902 = tpu.memref_slice %arg3[%dma_wait3A_901] : memref<6x!tpu.dma_semaphore, #tpu.memory_space<semaphore_mem>> -> memref<1x!tpu.dma_semaphore, #tpu.memory_space<semaphore_mem>>
    %dma_wait3A_903 = tpu.memref_squeeze %dma_wait3A_902 : memref<1x!tpu.dma_semaphore, #tpu.memory_space<semaphore_mem>> -> memref<!tpu.dma_semaphore, #tpu.memory_space<semaphore_mem>>
    %dma_wait3A_904 = arith.constant 0 : i32
    %dma_wait3A_905 = arith.constant 0 : i32
    %dma_wait3A_906 = tpu.memref_slice %arg2[%dma_wait3A_900, %dma_wait3A_904, %dma_wait3A_905] : memref<6x4000x128xi32, #tpu.memory_space<vmem>> -> memref<1x4000x128xi32, #tpu.memory_space<vmem>>
    %dma_wait3A_907 = tpu.memref_squeeze %dma_wait3A_906 : memref<1x4000x128xi32, #tpu.memory_space<vmem>> -> memref<4000x128xi32, #tpu.memory_space<vmem>>
    %dma_wait3A_908 = arith.constant 80000 : i32
    %dma_wait3A_909 = arith.constant 0 : i32
    %dma_wait3A_910 = tpu.memref_slice %arg0[%dma_wait3A_908, %dma_wait3A_909] : memref<100000x128xi32, #tpu.memory_space<any>> -> memref<4000x128xi32, #tpu.memory_space<any>>
    tpu.wait_dma2 semaphore(%dma_wait3A_903 : memref<!tpu.dma_semaphore, #tpu.memory_space<semaphore_mem>>) src(%dma_wait3A_910 : memref<4000x128xi32, #tpu.memory_space<any>>) dst(%dma_wait3A_907 : memref<4000x128xi32, #tpu.memory_space<vmem>>)
    %dma_start3A_911 = arith.constant 2 : i32
    %dma_start3A_912 = arith.constant 2 : i32
    %dma_start3A_913 = tpu.memref_slice %arg4[%dma_start3A_912] : memref<6x!tpu.dma_semaphore, #tpu.memory_space<semaphore_mem>> -> memref<1x!tpu.dma_semaphore, #tpu.memory_space<semaphore_mem>>
    %dma_start3A_914 = tpu.memref_squeeze %dma_start3A_913 : memref<1x!tpu.dma_semaphore, #tpu.memory_space<semaphore_mem>> -> memref<!tpu.dma_semaphore, #tpu.memory_space<semaphore_mem>>
    %dma_start3A_915 = arith.constant 80000 : i32
    %dma_start3A_916 = arith.constant 0 : i32
    %dma_start3A_917 = tpu.memref_slice %arg1[%dma_start3A_915, %dma_start3A_916] : memref<100000x128xi32, #tpu.memory_space<any>> -> memref<4000x128xi32, #tpu.memory_space<any>>
    %dma_start3A_918 = arith.constant 0 : i32
    %dma_start3A_919 = arith.constant 0 : i32
    %dma_start3A_920 = tpu.memref_slice %arg2[%dma_start3A_911, %dma_start3A_918, %dma_start3A_919] : memref<6x4000x128xi32, #tpu.memory_space<vmem>> -> memref<1x4000x128xi32, #tpu.memory_space<vmem>>
    %dma_start3A_921 = tpu.memref_squeeze %dma_start3A_920 : memref<1x4000x128xi32, #tpu.memory_space<vmem>> -> memref<4000x128xi32, #tpu.memory_space<vmem>>
    tpu.enqueue_dma source(%dma_start3A_921 : memref<4000x128xi32, #tpu.memory_space<vmem>>) target(%dma_start3A_917 : memref<4000x128xi32, #tpu.memory_space<any>>) target_semaphore(%dma_start3A_914 : memref<!tpu.dma_semaphore, #tpu.memory_space<semaphore_mem>>)
    %dma_wait3A_922 = arith.constant 0 : i32
    %dma_wait3A_923 = arith.constant 0 : i32
    %dma_wait3A_924 = tpu.memref_slice %arg4[%dma_wait3A_923] : memref<6x!tpu.dma_semaphore, #tpu.memory_space<semaphore_mem>> -> memref<1x!tpu.dma_semaphore, #tpu.memory_space<semaphore_mem>>
    %dma_wait3A_925 = tpu.memref_squeeze %dma_wait3A_924 : memref<1x!tpu.dma_semaphore, #tpu.memory_space<semaphore_mem>> -> memref<!tpu.dma_semaphore, #tpu.memory_space<semaphore_mem>>
    %dma_wait3A_926 = arith.constant 72000 : i32
    %dma_wait3A_927 = arith.constant 0 : i32
    %dma_wait3A_928 = tpu.memref_slice %arg1[%dma_wait3A_926, %dma_wait3A_927] : memref<100000x128xi32, #tpu.memory_space<any>> -> memref<4000x128xi32, #tpu.memory_space<any>>
    %dma_wait3A_929 = arith.constant 0 : i32
    %dma_wait3A_930 = arith.constant 0 : i32
    %dma_wait3A_931 = tpu.memref_slice %arg2[%dma_wait3A_922, %dma_wait3A_929, %dma_wait3A_930] : memref<6x4000x128xi32, #tpu.memory_space<vmem>> -> memref<1x4000x128xi32, #tpu.memory_space<vmem>>
    %dma_wait3A_932 = tpu.memref_squeeze %dma_wait3A_931 : memref<1x4000x128xi32, #tpu.memory_space<vmem>> -> memref<4000x128xi32, #tpu.memory_space<vmem>>
    tpu.wait_dma2 semaphore(%dma_wait3A_925 : memref<!tpu.dma_semaphore, #tpu.memory_space<semaphore_mem>>) src(%dma_wait3A_932 : memref<4000x128xi32, #tpu.memory_space<vmem>>) dst(%dma_wait3A_928 : memref<4000x128xi32, #tpu.memory_space<any>>)
    %dma_start3A_933 = arith.constant 0 : i32
    %dma_start3A_934 = arith.constant 0 : i32
    %dma_start3A_935 = tpu.memref_slice %arg3[%dma_start3A_934] : memref<6x!tpu.dma_semaphore, #tpu.memory_space<semaphore_mem>> -> memref<1x!tpu.dma_semaphore, #tpu.memory_space<semaphore_mem>>
    %dma_start3A_936 = tpu.memref_squeeze %dma_start3A_935 : memref<1x!tpu.dma_semaphore, #tpu.memory_space<semaphore_mem>> -> memref<!tpu.dma_semaphore, #tpu.memory_space<semaphore_mem>>
    %dma_start3A_937 = arith.constant 0 : i32
    %dma_start3A_938 = arith.constant 0 : i32
    %dma_start3A_939 = tpu.memref_slice %arg2[%dma_start3A_933, %dma_start3A_937, %dma_start3A_938] : memref<6x4000x128xi32, #tpu.memory_space<vmem>> -> memref<1x4000x128xi32, #tpu.memory_space<vmem>>
    %dma_start3A_940 = tpu.memref_squeeze %dma_start3A_939 : memref<1x4000x128xi32, #tpu.memory_space<vmem>> -> memref<4000x128xi32, #tpu.memory_space<vmem>>
    %dma_start3A_941 = arith.constant 96000 : i32
    %dma_start3A_942 = arith.constant 0 : i32
    %dma_start3A_943 = tpu.memref_slice %arg0[%dma_start3A_941, %dma_start3A_942] : memref<100000x128xi32, #tpu.memory_space<any>> -> memref<4000x128xi32, #tpu.memory_space<any>>
    tpu.enqueue_dma source(%dma_start3A_943 : memref<4000x128xi32, #tpu.memory_space<any>>) target(%dma_start3A_940 : memref<4000x128xi32, #tpu.memory_space<vmem>>) target_semaphore(%dma_start3A_936 : memref<!tpu.dma_semaphore, #tpu.memory_space<semaphore_mem>>)
    %dma_wait3A_944 = arith.constant 3 : i32
    %dma_wait3A_945 = arith.constant 3 : i32
    %dma_wait3A_946 = tpu.memref_slice %arg3[%dma_wait3A_945] : memref<6x!tpu.dma_semaphore, #tpu.memory_space<semaphore_mem>> -> memref<1x!tpu.dma_semaphore, #tpu.memory_space<semaphore_mem>>
    %dma_wait3A_947 = tpu.memref_squeeze %dma_wait3A_946 : memref<1x!tpu.dma_semaphore, #tpu.memory_space<semaphore_mem>> -> memref<!tpu.dma_semaphore, #tpu.memory_space<semaphore_mem>>
    %dma_wait3A_948 = arith.constant 0 : i32
    %dma_wait3A_949 = arith.constant 0 : i32
    %dma_wait3A_950 = tpu.memref_slice %arg2[%dma_wait3A_944, %dma_wait3A_948, %dma_wait3A_949] : memref<6x4000x128xi32, #tpu.memory_space<vmem>> -> memref<1x4000x128xi32, #tpu.memory_space<vmem>>
    %dma_wait3A_951 = tpu.memref_squeeze %dma_wait3A_950 : memref<1x4000x128xi32, #tpu.memory_space<vmem>> -> memref<4000x128xi32, #tpu.memory_space<vmem>>
    %dma_wait3A_952 = arith.constant 84000 : i32
    %dma_wait3A_953 = arith.constant 0 : i32
    %dma_wait3A_954 = tpu.memref_slice %arg0[%dma_wait3A_952, %dma_wait3A_953] : memref<100000x128xi32, #tpu.memory_space<any>> -> memref<4000x128xi32, #tpu.memory_space<any>>
    tpu.wait_dma2 semaphore(%dma_wait3A_947 : memref<!tpu.dma_semaphore, #tpu.memory_space<semaphore_mem>>) src(%dma_wait3A_954 : memref<4000x128xi32, #tpu.memory_space<any>>) dst(%dma_wait3A_951 : memref<4000x128xi32, #tpu.memory_space<vmem>>)
    %dma_start3A_955 = arith.constant 3 : i32
    %dma_start3A_956 = arith.constant 3 : i32
    %dma_start3A_957 = tpu.memref_slice %arg4[%dma_start3A_956] : memref<6x!tpu.dma_semaphore, #tpu.memory_space<semaphore_mem>> -> memref<1x!tpu.dma_semaphore, #tpu.memory_space<semaphore_mem>>
    %dma_start3A_958 = tpu.memref_squeeze %dma_start3A_957 : memref<1x!tpu.dma_semaphore, #tpu.memory_space<semaphore_mem>> -> memref<!tpu.dma_semaphore, #tpu.memory_space<semaphore_mem>>
    %dma_start3A_959 = arith.constant 84000 : i32
    %dma_start3A_960 = arith.constant 0 : i32
    %dma_start3A_961 = tpu.memref_slice %arg1[%dma_start3A_959, %dma_start3A_960] : memref<100000x128xi32, #tpu.memory_space<any>> -> memref<4000x128xi32, #tpu.memory_space<any>>
    %dma_start3A_962 = arith.constant 0 : i32
    %dma_start3A_963 = arith.constant 0 : i32
    %dma_start3A_964 = tpu.memref_slice %arg2[%dma_start3A_955, %dma_start3A_962, %dma_start3A_963] : memref<6x4000x128xi32, #tpu.memory_space<vmem>> -> memref<1x4000x128xi32, #tpu.memory_space<vmem>>
    %dma_start3A_965 = tpu.memref_squeeze %dma_start3A_964 : memref<1x4000x128xi32, #tpu.memory_space<vmem>> -> memref<4000x128xi32, #tpu.memory_space<vmem>>
    tpu.enqueue_dma source(%dma_start3A_965 : memref<4000x128xi32, #tpu.memory_space<vmem>>) target(%dma_start3A_961 : memref<4000x128xi32, #tpu.memory_space<any>>) target_semaphore(%dma_start3A_958 : memref<!tpu.dma_semaphore, #tpu.memory_space<semaphore_mem>>)
    %dma_wait3A_966 = arith.constant 4 : i32
    %dma_wait3A_967 = arith.constant 4 : i32
    %dma_wait3A_968 = tpu.memref_slice %arg3[%dma_wait3A_967] : memref<6x!tpu.dma_semaphore, #tpu.memory_space<semaphore_mem>> -> memref<1x!tpu.dma_semaphore, #tpu.memory_space<semaphore_mem>>
    %dma_wait3A_969 = tpu.memref_squeeze %dma_wait3A_968 : memref<1x!tpu.dma_semaphore, #tpu.memory_space<semaphore_mem>> -> memref<!tpu.dma_semaphore, #tpu.memory_space<semaphore_mem>>
    %dma_wait3A_970 = arith.constant 0 : i32
    %dma_wait3A_971 = arith.constant 0 : i32
    %dma_wait3A_972 = tpu.memref_slice %arg2[%dma_wait3A_966, %dma_wait3A_970, %dma_wait3A_971] : memref<6x4000x128xi32, #tpu.memory_space<vmem>> -> memref<1x4000x128xi32, #tpu.memory_space<vmem>>
    %dma_wait3A_973 = tpu.memref_squeeze %dma_wait3A_972 : memref<1x4000x128xi32, #tpu.memory_space<vmem>> -> memref<4000x128xi32, #tpu.memory_space<vmem>>
    %dma_wait3A_974 = arith.constant 88000 : i32
    %dma_wait3A_975 = arith.constant 0 : i32
    %dma_wait3A_976 = tpu.memref_slice %arg0[%dma_wait3A_974, %dma_wait3A_975] : memref<100000x128xi32, #tpu.memory_space<any>> -> memref<4000x128xi32, #tpu.memory_space<any>>
    tpu.wait_dma2 semaphore(%dma_wait3A_969 : memref<!tpu.dma_semaphore, #tpu.memory_space<semaphore_mem>>) src(%dma_wait3A_976 : memref<4000x128xi32, #tpu.memory_space<any>>) dst(%dma_wait3A_973 : memref<4000x128xi32, #tpu.memory_space<vmem>>)
    %dma_start3A_977 = arith.constant 4 : i32
    %dma_start3A_978 = arith.constant 4 : i32
    %dma_start3A_979 = tpu.memref_slice %arg4[%dma_start3A_978] : memref<6x!tpu.dma_semaphore, #tpu.memory_space<semaphore_mem>> -> memref<1x!tpu.dma_semaphore, #tpu.memory_space<semaphore_mem>>
    %dma_start3A_980 = tpu.memref_squeeze %dma_start3A_979 : memref<1x!tpu.dma_semaphore, #tpu.memory_space<semaphore_mem>> -> memref<!tpu.dma_semaphore, #tpu.memory_space<semaphore_mem>>
    %dma_start3A_981 = arith.constant 88000 : i32
    %dma_start3A_982 = arith.constant 0 : i32
    %dma_start3A_983 = tpu.memref_slice %arg1[%dma_start3A_981, %dma_start3A_982] : memref<100000x128xi32, #tpu.memory_space<any>> -> memref<4000x128xi32, #tpu.memory_space<any>>
    %dma_start3A_984 = arith.constant 0 : i32
    %dma_start3A_985 = arith.constant 0 : i32
    %dma_start3A_986 = tpu.memref_slice %arg2[%dma_start3A_977, %dma_start3A_984, %dma_start3A_985] : memref<6x4000x128xi32, #tpu.memory_space<vmem>> -> memref<1x4000x128xi32, #tpu.memory_space<vmem>>
    %dma_start3A_987 = tpu.memref_squeeze %dma_start3A_986 : memref<1x4000x128xi32, #tpu.memory_space<vmem>> -> memref<4000x128xi32, #tpu.memory_space<vmem>>
    tpu.enqueue_dma source(%dma_start3A_987 : memref<4000x128xi32, #tpu.memory_space<vmem>>) target(%dma_start3A_983 : memref<4000x128xi32, #tpu.memory_space<any>>) target_semaphore(%dma_start3A_980 : memref<!tpu.dma_semaphore, #tpu.memory_space<semaphore_mem>>)
    %dma_wait3A_988 = arith.constant 5 : i32
    %dma_wait3A_989 = arith.constant 5 : i32
    %dma_wait3A_990 = tpu.memref_slice %arg3[%dma_wait3A_989] : memref<6x!tpu.dma_semaphore, #tpu.memory_space<semaphore_mem>> -> memref<1x!tpu.dma_semaphore, #tpu.memory_space<semaphore_mem>>
    %dma_wait3A_991 = tpu.memref_squeeze %dma_wait3A_990 : memref<1x!tpu.dma_semaphore, #tpu.memory_space<semaphore_mem>> -> memref<!tpu.dma_semaphore, #tpu.memory_space<semaphore_mem>>
    %dma_wait3A_992 = arith.constant 0 : i32
    %dma_wait3A_993 = arith.constant 0 : i32
    %dma_wait3A_994 = tpu.memref_slice %arg2[%dma_wait3A_988, %dma_wait3A_992, %dma_wait3A_993] : memref<6x4000x128xi32, #tpu.memory_space<vmem>> -> memref<1x4000x128xi32, #tpu.memory_space<vmem>>
    %dma_wait3A_995 = tpu.memref_squeeze %dma_wait3A_994 : memref<1x4000x128xi32, #tpu.memory_space<vmem>> -> memref<4000x128xi32, #tpu.memory_space<vmem>>
    %dma_wait3A_996 = arith.constant 92000 : i32
    %dma_wait3A_997 = arith.constant 0 : i32
    %dma_wait3A_998 = tpu.memref_slice %arg0[%dma_wait3A_996, %dma_wait3A_997] : memref<100000x128xi32, #tpu.memory_space<any>> -> memref<4000x128xi32, #tpu.memory_space<any>>
    tpu.wait_dma2 semaphore(%dma_wait3A_991 : memref<!tpu.dma_semaphore, #tpu.memory_space<semaphore_mem>>) src(%dma_wait3A_998 : memref<4000x128xi32, #tpu.memory_space<any>>) dst(%dma_wait3A_995 : memref<4000x128xi32, #tpu.memory_space<vmem>>)
    %dma_start3A_999 = arith.constant 5 : i32
    %dma_start3A_1000 = arith.constant 5 : i32
    %dma_start3A_1001 = tpu.memref_slice %arg4[%dma_start3A_1000] : memref<6x!tpu.dma_semaphore, #tpu.memory_space<semaphore_mem>> -> memref<1x!tpu.dma_semaphore, #tpu.memory_space<semaphore_mem>>
    %dma_start3A_1002 = tpu.memref_squeeze %dma_start3A_1001 : memref<1x!tpu.dma_semaphore, #tpu.memory_space<semaphore_mem>> -> memref<!tpu.dma_semaphore, #tpu.memory_space<semaphore_mem>>
    %dma_start3A_1003 = arith.constant 92000 : i32
    %dma_start3A_1004 = arith.constant 0 : i32
    %dma_start3A_1005 = tpu.memref_slice %arg1[%dma_start3A_1003, %dma_start3A_1004] : memref<100000x128xi32, #tpu.memory_space<any>> -> memref<4000x128xi32, #tpu.memory_space<any>>
    %dma_start3A_1006 = arith.constant 0 : i32
    %dma_start3A_1007 = arith.constant 0 : i32
    %dma_start3A_1008 = tpu.memref_slice %arg2[%dma_start3A_999, %dma_start3A_1006, %dma_start3A_1007] : memref<6x4000x128xi32, #tpu.memory_space<vmem>> -> memref<1x4000x128xi32, #tpu.memory_space<vmem>>
    %dma_start3A_1009 = tpu.memref_squeeze %dma_start3A_1008 : memref<1x4000x128xi32, #tpu.memory_space<vmem>> -> memref<4000x128xi32, #tpu.memory_space<vmem>>
    tpu.enqueue_dma source(%dma_start3A_1009 : memref<4000x128xi32, #tpu.memory_space<vmem>>) target(%dma_start3A_1005 : memref<4000x128xi32, #tpu.memory_space<any>>) target_semaphore(%dma_start3A_1002 : memref<!tpu.dma_semaphore, #tpu.memory_space<semaphore_mem>>)
    %dma_wait3A_1010 = arith.constant 0 : i32
    %dma_wait3A_1011 = arith.constant 0 : i32
    %dma_wait3A_1012 = tpu.memref_slice %arg3[%dma_wait3A_1011] : memref<6x!tpu.dma_semaphore, #tpu.memory_space<semaphore_mem>> -> memref<1x!tpu.dma_semaphore, #tpu.memory_space<semaphore_mem>>
    %dma_wait3A_1013 = tpu.memref_squeeze %dma_wait3A_1012 : memref<1x!tpu.dma_semaphore, #tpu.memory_space<semaphore_mem>> -> memref<!tpu.dma_semaphore, #tpu.memory_space<semaphore_mem>>
    %dma_wait3A_1014 = arith.constant 0 : i32
    %dma_wait3A_1015 = arith.constant 0 : i32
    %dma_wait3A_1016 = tpu.memref_slice %arg2[%dma_wait3A_1010, %dma_wait3A_1014, %dma_wait3A_1015] : memref<6x4000x128xi32, #tpu.memory_space<vmem>> -> memref<1x4000x128xi32, #tpu.memory_space<vmem>>
    %dma_wait3A_1017 = tpu.memref_squeeze %dma_wait3A_1016 : memref<1x4000x128xi32, #tpu.memory_space<vmem>> -> memref<4000x128xi32, #tpu.memory_space<vmem>>
    %dma_wait3A_1018 = arith.constant 96000 : i32
    %dma_wait3A_1019 = arith.constant 0 : i32
    %dma_wait3A_1020 = tpu.memref_slice %arg0[%dma_wait3A_1018, %dma_wait3A_1019] : memref<100000x128xi32, #tpu.memory_space<any>> -> memref<4000x128xi32, #tpu.memory_space<any>>
    tpu.wait_dma2 semaphore(%dma_wait3A_1013 : memref<!tpu.dma_semaphore, #tpu.memory_space<semaphore_mem>>) src(%dma_wait3A_1020 : memref<4000x128xi32, #tpu.memory_space<any>>) dst(%dma_wait3A_1017 : memref<4000x128xi32, #tpu.memory_space<vmem>>)
    %dma_start3A_1021 = arith.constant 0 : i32
    %dma_start3A_1022 = arith.constant 0 : i32
    %dma_start3A_1023 = tpu.memref_slice %arg4[%dma_start3A_1022] : memref<6x!tpu.dma_semaphore, #tpu.memory_space<semaphore_mem>> -> memref<1x!tpu.dma_semaphore, #tpu.memory_space<semaphore_mem>>
    %dma_start3A_1024 = tpu.memref_squeeze %dma_start3A_1023 : memref<1x!tpu.dma_semaphore, #tpu.memory_space<semaphore_mem>> -> memref<!tpu.dma_semaphore, #tpu.memory_space<semaphore_mem>>
    %dma_start3A_1025 = arith.constant 96000 : i32
    %dma_start3A_1026 = arith.constant 0 : i32
    %dma_start3A_1027 = tpu.memref_slice %arg1[%dma_start3A_1025, %dma_start3A_1026] : memref<100000x128xi32, #tpu.memory_space<any>> -> memref<4000x128xi32, #tpu.memory_space<any>>
    %dma_start3A_1028 = arith.constant 0 : i32
    %dma_start3A_1029 = arith.constant 0 : i32
    %dma_start3A_1030 = tpu.memref_slice %arg2[%dma_start3A_1021, %dma_start3A_1028, %dma_start3A_1029] : memref<6x4000x128xi32, #tpu.memory_space<vmem>> -> memref<1x4000x128xi32, #tpu.memory_space<vmem>>
    %dma_start3A_1031 = tpu.memref_squeeze %dma_start3A_1030 : memref<1x4000x128xi32, #tpu.memory_space<vmem>> -> memref<4000x128xi32, #tpu.memory_space<vmem>>
    tpu.enqueue_dma source(%dma_start3A_1031 : memref<4000x128xi32, #tpu.memory_space<vmem>>) target(%dma_start3A_1027 : memref<4000x128xi32, #tpu.memory_space<any>>) target_semaphore(%dma_start3A_1024 : memref<!tpu.dma_semaphore, #tpu.memory_space<semaphore_mem>>)
    %dma_wait3A_1032 = arith.constant 1 : i32
    %dma_wait3A_1033 = arith.constant 1 : i32
    %dma_wait3A_1034 = tpu.memref_slice %arg4[%dma_wait3A_1033] : memref<6x!tpu.dma_semaphore, #tpu.memory_space<semaphore_mem>> -> memref<1x!tpu.dma_semaphore, #tpu.memory_space<semaphore_mem>>
    %dma_wait3A_1035 = tpu.memref_squeeze %dma_wait3A_1034 : memref<1x!tpu.dma_semaphore, #tpu.memory_space<semaphore_mem>> -> memref<!tpu.dma_semaphore, #tpu.memory_space<semaphore_mem>>
    %dma_wait3A_1036 = arith.constant 76000 : i32
    %dma_wait3A_1037 = arith.constant 0 : i32
    %dma_wait3A_1038 = tpu.memref_slice %arg1[%dma_wait3A_1036, %dma_wait3A_1037] : memref<100000x128xi32, #tpu.memory_space<any>> -> memref<4000x128xi32, #tpu.memory_space<any>>
    %dma_wait3A_1039 = arith.constant 0 : i32
    %dma_wait3A_1040 = arith.constant 0 : i32
    %dma_wait3A_1041 = tpu.memref_slice %arg2[%dma_wait3A_1032, %dma_wait3A_1039, %dma_wait3A_1040] : memref<6x4000x128xi32, #tpu.memory_space<vmem>> -> memref<1x4000x128xi32, #tpu.memory_space<vmem>>
    %dma_wait3A_1042 = tpu.memref_squeeze %dma_wait3A_1041 : memref<1x4000x128xi32, #tpu.memory_space<vmem>> -> memref<4000x128xi32, #tpu.memory_space<vmem>>
    tpu.wait_dma2 semaphore(%dma_wait3A_1035 : memref<!tpu.dma_semaphore, #tpu.memory_space<semaphore_mem>>) src(%dma_wait3A_1042 : memref<4000x128xi32, #tpu.memory_space<vmem>>) dst(%dma_wait3A_1038 : memref<4000x128xi32, #tpu.memory_space<any>>)
    %dma_wait3A_1043 = arith.constant 2 : i32
    %dma_wait3A_1044 = arith.constant 2 : i32
    %dma_wait3A_1045 = tpu.memref_slice %arg4[%dma_wait3A_1044] : memref<6x!tpu.dma_semaphore, #tpu.memory_space<semaphore_mem>> -> memref<1x!tpu.dma_semaphore, #tpu.memory_space<semaphore_mem>>
    %dma_wait3A_1046 = tpu.memref_squeeze %dma_wait3A_1045 : memref<1x!tpu.dma_semaphore, #tpu.memory_space<semaphore_mem>> -> memref<!tpu.dma_semaphore, #tpu.memory_space<semaphore_mem>>
    %dma_wait3A_1047 = arith.constant 80000 : i32
    %dma_wait3A_1048 = arith.constant 0 : i32
    %dma_wait3A_1049 = tpu.memref_slice %arg1[%dma_wait3A_1047, %dma_wait3A_1048] : memref<100000x128xi32, #tpu.memory_space<any>> -> memref<4000x128xi32, #tpu.memory_space<any>>
    %dma_wait3A_1050 = arith.constant 0 : i32
    %dma_wait3A_1051 = arith.constant 0 : i32
    %dma_wait3A_1052 = tpu.memref_slice %arg2[%dma_wait3A_1043, %dma_wait3A_1050, %dma_wait3A_1051] : memref<6x4000x128xi32, #tpu.memory_space<vmem>> -> memref<1x4000x128xi32, #tpu.memory_space<vmem>>
    %dma_wait3A_1053 = tpu.memref_squeeze %dma_wait3A_1052 : memref<1x4000x128xi32, #tpu.memory_space<vmem>> -> memref<4000x128xi32, #tpu.memory_space<vmem>>
    tpu.wait_dma2 semaphore(%dma_wait3A_1046 : memref<!tpu.dma_semaphore, #tpu.memory_space<semaphore_mem>>) src(%dma_wait3A_1053 : memref<4000x128xi32, #tpu.memory_space<vmem>>) dst(%dma_wait3A_1049 : memref<4000x128xi32, #tpu.memory_space<any>>)
    %dma_wait3A_1054 = arith.constant 3 : i32
    %dma_wait3A_1055 = arith.constant 3 : i32
    %dma_wait3A_1056 = tpu.memref_slice %arg4[%dma_wait3A_1055] : memref<6x!tpu.dma_semaphore, #tpu.memory_space<semaphore_mem>> -> memref<1x!tpu.dma_semaphore, #tpu.memory_space<semaphore_mem>>
    %dma_wait3A_1057 = tpu.memref_squeeze %dma_wait3A_1056 : memref<1x!tpu.dma_semaphore, #tpu.memory_space<semaphore_mem>> -> memref<!tpu.dma_semaphore, #tpu.memory_space<semaphore_mem>>
    %dma_wait3A_1058 = arith.constant 84000 : i32
    %dma_wait3A_1059 = arith.constant 0 : i32
    %dma_wait3A_1060 = tpu.memref_slice %arg1[%dma_wait3A_1058, %dma_wait3A_1059] : memref<100000x128xi32, #tpu.memory_space<any>> -> memref<4000x128xi32, #tpu.memory_space<any>>
    %dma_wait3A_1061 = arith.constant 0 : i32
    %dma_wait3A_1062 = arith.constant 0 : i32
    %dma_wait3A_1063 = tpu.memref_slice %arg2[%dma_wait3A_1054, %dma_wait3A_1061, %dma_wait3A_1062] : memref<6x4000x128xi32, #tpu.memory_space<vmem>> -> memref<1x4000x128xi32, #tpu.memory_space<vmem>>
    %dma_wait3A_1064 = tpu.memref_squeeze %dma_wait3A_1063 : memref<1x4000x128xi32, #tpu.memory_space<vmem>> -> memref<4000x128xi32, #tpu.memory_space<vmem>>
    tpu.wait_dma2 semaphore(%dma_wait3A_1057 : memref<!tpu.dma_semaphore, #tpu.memory_space<semaphore_mem>>) src(%dma_wait3A_1064 : memref<4000x128xi32, #tpu.memory_space<vmem>>) dst(%dma_wait3A_1060 : memref<4000x128xi32, #tpu.memory_space<any>>)
    %dma_wait3A_1065 = arith.constant 4 : i32
    %dma_wait3A_1066 = arith.constant 4 : i32
    %dma_wait3A_1067 = tpu.memref_slice %arg4[%dma_wait3A_1066] : memref<6x!tpu.dma_semaphore, #tpu.memory_space<semaphore_mem>> -> memref<1x!tpu.dma_semaphore, #tpu.memory_space<semaphore_mem>>
    %dma_wait3A_1068 = tpu.memref_squeeze %dma_wait3A_1067 : memref<1x!tpu.dma_semaphore, #tpu.memory_space<semaphore_mem>> -> memref<!tpu.dma_semaphore, #tpu.memory_space<semaphore_mem>>
    %dma_wait3A_1069 = arith.constant 88000 : i32
    %dma_wait3A_1070 = arith.constant 0 : i32
    %dma_wait3A_1071 = tpu.memref_slice %arg1[%dma_wait3A_1069, %dma_wait3A_1070] : memref<100000x128xi32, #tpu.memory_space<any>> -> memref<4000x128xi32, #tpu.memory_space<any>>
    %dma_wait3A_1072 = arith.constant 0 : i32
    %dma_wait3A_1073 = arith.constant 0 : i32
    %dma_wait3A_1074 = tpu.memref_slice %arg2[%dma_wait3A_1065, %dma_wait3A_1072, %dma_wait3A_1073] : memref<6x4000x128xi32, #tpu.memory_space<vmem>> -> memref<1x4000x128xi32, #tpu.memory_space<vmem>>
    %dma_wait3A_1075 = tpu.memref_squeeze %dma_wait3A_1074 : memref<1x4000x128xi32, #tpu.memory_space<vmem>> -> memref<4000x128xi32, #tpu.memory_space<vmem>>
    tpu.wait_dma2 semaphore(%dma_wait3A_1068 : memref<!tpu.dma_semaphore, #tpu.memory_space<semaphore_mem>>) src(%dma_wait3A_1075 : memref<4000x128xi32, #tpu.memory_space<vmem>>) dst(%dma_wait3A_1071 : memref<4000x128xi32, #tpu.memory_space<any>>)
    %dma_wait3A_1076 = arith.constant 5 : i32
    %dma_wait3A_1077 = arith.constant 5 : i32
    %dma_wait3A_1078 = tpu.memref_slice %arg4[%dma_wait3A_1077] : memref<6x!tpu.dma_semaphore, #tpu.memory_space<semaphore_mem>> -> memref<1x!tpu.dma_semaphore, #tpu.memory_space<semaphore_mem>>
    %dma_wait3A_1079 = tpu.memref_squeeze %dma_wait3A_1078 : memref<1x!tpu.dma_semaphore, #tpu.memory_space<semaphore_mem>> -> memref<!tpu.dma_semaphore, #tpu.memory_space<semaphore_mem>>
    %dma_wait3A_1080 = arith.constant 92000 : i32
    %dma_wait3A_1081 = arith.constant 0 : i32
    %dma_wait3A_1082 = tpu.memref_slice %arg1[%dma_wait3A_1080, %dma_wait3A_1081] : memref<100000x128xi32, #tpu.memory_space<any>> -> memref<4000x128xi32, #tpu.memory_space<any>>
    %dma_wait3A_1083 = arith.constant 0 : i32
    %dma_wait3A_1084 = arith.constant 0 : i32
    %dma_wait3A_1085 = tpu.memref_slice %arg2[%dma_wait3A_1076, %dma_wait3A_1083, %dma_wait3A_1084] : memref<6x4000x128xi32, #tpu.memory_space<vmem>> -> memref<1x4000x128xi32, #tpu.memory_space<vmem>>
    %dma_wait3A_1086 = tpu.memref_squeeze %dma_wait3A_1085 : memref<1x4000x128xi32, #tpu.memory_space<vmem>> -> memref<4000x128xi32, #tpu.memory_space<vmem>>
    tpu.wait_dma2 semaphore(%dma_wait3A_1079 : memref<!tpu.dma_semaphore, #tpu.memory_space<semaphore_mem>>) src(%dma_wait3A_1086 : memref<4000x128xi32, #tpu.memory_space<vmem>>) dst(%dma_wait3A_1082 : memref<4000x128xi32, #tpu.memory_space<any>>)
    %dma_wait3A_1087 = arith.constant 0 : i32
    %dma_wait3A_1088 = arith.constant 0 : i32
    %dma_wait3A_1089 = tpu.memref_slice %arg4[%dma_wait3A_1088] : memref<6x!tpu.dma_semaphore, #tpu.memory_space<semaphore_mem>> -> memref<1x!tpu.dma_semaphore, #tpu.memory_space<semaphore_mem>>
    %dma_wait3A_1090 = tpu.memref_squeeze %dma_wait3A_1089 : memref<1x!tpu.dma_semaphore, #tpu.memory_space<semaphore_mem>> -> memref<!tpu.dma_semaphore, #tpu.memory_space<semaphore_mem>>
    %dma_wait3A_1091 = arith.constant 96000 : i32
    %dma_wait3A_1092 = arith.constant 0 : i32
    %dma_wait3A_1093 = tpu.memref_slice %arg1[%dma_wait3A_1091, %dma_wait3A_1092] : memref<100000x128xi32, #tpu.memory_space<any>> -> memref<4000x128xi32, #tpu.memory_space<any>>
    %dma_wait3A_1094 = arith.constant 0 : i32
    %dma_wait3A_1095 = arith.constant 0 : i32
    %dma_wait3A_1096 = tpu.memref_slice %arg2[%dma_wait3A_1087, %dma_wait3A_1094, %dma_wait3A_1095] : memref<6x4000x128xi32, #tpu.memory_space<vmem>> -> memref<1x4000x128xi32, #tpu.memory_space<vmem>>
    %dma_wait3A_1097 = tpu.memref_squeeze %dma_wait3A_1096 : memref<1x4000x128xi32, #tpu.memory_space<vmem>> -> memref<4000x128xi32, #tpu.memory_space<vmem>>
    tpu.wait_dma2 semaphore(%dma_wait3A_1090 : memref<!tpu.dma_semaphore, #tpu.memory_space<semaphore_mem>>) src(%dma_wait3A_1097 : memref<4000x128xi32, #tpu.memory_space<vmem>>) dst(%dma_wait3A_1093 : memref<4000x128xi32, #tpu.memory_space<any>>)
    return
  }
}

</mosaic_0001>

<sc_bundles>
// kernel: kernel.4.cloned.1.call-start
scs
__scs_entry_jumppad:
0x0: {  	(pc) =	sbr.rel $0x88, $3  }
0x1: {  	(tag) =	ssettag $0x0;
	lr =	simm.s32 $0x1  }
0x2: {  	[smem:$0x3F9F] =	sst lr;
	_ =	strace $0xD0000000  }
0x3: {  	_ = 	snop  }
0x4: {  	_ = 	snop  }
0x5: {  	_ = 	snop  }
0x6: {  	_ = 	snop  }
0x7: {  	_ = 	snop  }
__scs_overlays_trampoline_lowered:
0x8: {  	[smem:$0x3FAE] =	sst s0  }
0x9: {  	[smem:$0x3FAF] =	sst s1  }
0xa: {  	[smem:$0x3FB0] =	sst s2  }
0xb: {  	[smem:$0x3FB1] =	sst s3  }
0xc: {  	[smem:$0x3FB2] =	sst s4  }
0xd: {  	[smem:$0x3FB3] =	sst s5  }
0xe: {  	[smem:$0x3FB4] =	sst s6  }
0xf: {  	[smem:$0x3FB5] =	sst s7  }
0x10: {  	[smem:$0x3FB6] =	sst s8  }
0x11: {  	[smem:$0x3FB7] =	sst s9;
	s0 =	simm.s32 @!p0 $0x0  }
0x12: {  	s1 =	sld [smem:$0x3F9D];
	s0 =	simm.s32 @p0 $0x1  }
0x13: {  	[smem:$0x3FB8] =	sst s0;
	s0 =	simm.s32 @!p1 $0x0  }
0x14: {  	s2 =	sld [smem:$0x3F9C];
	s0 =	simm.s32 @p1 $0x1  }
0x15: {  	[smem:$0x3FB9] =	sst s0;
	s0 =	simm.s32 @!p2 $0x0  }
0x16: {  	s3 =	sld [smem:$0x3FDB];
	s0 =	simm.s32 @p2 $0x1  }
0x17: {  	s4 =	simm.s32 $0x1BF5;
	[smem:$0x3FBB] =	sst s0  }
0x18: {  	s0 =	sld [smem:$0x3F9E];
	_ =	swait.ge [sflag:s4], $0x0  }
0x19: {  	s7 =	sld [smem:$0x3F9F]  }
0x1a: {  	s8 =	sadd.s32 $0xFFFFE003, lr  }
0x1b: {  	s9 =	sadd.s32 $0xFFFFFEF7, lr;
	s5 =	simm.s32 $0xFFFFFFFF;
	p2 =	slt.u32 s8, $0xFFFFF086  }
0x1c: {  	p1 =	slt.u32 s9, $0xF7A;
	s5 =	simm.s32 @!p2 $0x0  }
0x1d: {  	s5 =	simm.s32 @p1 $0x1;
	p0 =	seq.s32 s7, s2  }
0x1e: {  	s7 =	smul.u32 @!p0 $0xF7A, s2;
	p2 =	seq.s32 @!p0 s5, $0x0  }
0x1f: {  	s9 =	smul.u32 $0xF7A, s1;
	s8 =	simm.s32 @!p0 $0x1BF5;
	p2 =	por !p2, p0  }
0x20: {  	[sflag:s8] =	ssyncset.s32 @!p0 $0xFFFFF086;
	s6 =	sadd.s32 @!p0 s3, s7;
	s7 =	simm.s32 @!p0 $0x108  }
0x21: {  	s3 =	sadd.s32 s3, s9;
	s6 =	sadd.s32 @!p0 $0x88, s6;
	s7 =	simm.s32 @p2 $0x1082  }
0x22: {  	[simem:s7], [sflag:s8] =	dma.local @!p0 [hbm:s6], $0xF7A  }
0x23: {  	s9 =	sor.u32 $0xD0000000, s2;
	s6 =	simm.s32 $0x108;
	_ =	swait.ge @!p0 [sflag:s8], $0x0  }
0x24: {  	s3 =	sadd.s32 $0x88, s3;
	s6 =	simm.s32 @!p1 $0x1082;
	[sflag:s4] =	ssyncset.s32 $0xFFFFF086  }
0x25: {  	[simem:s6], [sflag:s4] =	dma.local [hbm:s3], $0xF7A  }
0x26: {  	[smem:$0x3F9F] =	sst s1;
	(tag) =	ssettag s2;
	_ =	strace s9  }
0x27: {  	s1 =	sld [smem:$0x3FAF]  }
0x28: {  	s2 =	sld [smem:$0x3FB0]  }
0x29: {  	s4 =	sld [smem:$0x3FB2]  }
0x2a: {  	p0 =	seq.s32 s5, $0x0;
	s5 =	sld [smem:$0x3FB3]  }
0x2b: {  	s6 =	sld [smem:$0x3FB4]  }
0x2c: {  	s7 =	sld [smem:$0x3FB5]  }
0x2d: {  	s3 =	simm.s32 $0x108;
	s8 =	sld [smem:$0x3FB6]  }
0x2e: {  	s3 =	simm.s32 @!p0 $0x1082;
	s9 =	sld [smem:$0x3FB7]  }
0x2f: {  	lr =	sadd.s32 s0, s3;
	s0 =	sld [smem:$0x3FAE]  }
0x30: {  	s3 =	sld [smem:$0x3FB1]  }
0x31: {  	[smem:$0x3FBA] =	sst s10  }
0x32: {  	s10 =	sld [smem:$0x3FB8];
	_ =	sdelay $0x3  }
0x33: {  	p0 =	seq.s32 s10, $0x1;
	s10 =	sld [smem:$0x3FBA];
	_ =	sdelay $0x3  }
0x34: {  	[smem:$0x3FBA] =	sst s10  }
0x35: {  	s10 =	sld [smem:$0x3FB9];
	_ =	sdelay $0x3  }
0x36: {  	p1 =	seq.s32 s10, $0x1;
	s10 =	sld [smem:$0x3FBA];
	_ =	sdelay $0x3  }
0x37: {  	[smem:$0x3FBA] =	sst s10  }
0x38: {  	s10 =	sld [smem:$0x3FBB]  }
0x39: {  	_ = 	snop;
	(pc) =	sbr.ind lr, $3  }
0x3a: {  	_ = 	snop  }
0x3b: {  	_ = 	snop  }
0x3c: {  	p2 =	seq.s32 s10, $0x1;
	s10 =	sld [smem:$0x3FBA]  }
0x3d: {  	_ =	shalt  }
0x3e: {  	_ =	shalt  }
0x3f: {  	_ =	shalt  }
0x40: {  	_ =	shalt  }
0x41: {  	_ =	shalt  }
0x42: {  	_ =	shalt  }
0x43: {  	_ =	shalt  }
0x44: {  	_ =	shalt  }
0x45: {  	_ =	shalt  }
0x46: {  	_ =	shalt  }
0x47: {  	_ =	shalt  }
0x48: {  	_ =	shalt  }
0x49: {  	_ =	shalt  }
0x4a: {  	_ =	shalt  }
0x4b: {  	_ =	shalt  }
0x4c: {  	_ =	shalt  }
0x4d: {  	_ =	shalt  }
0x4e: {  	_ =	shalt  }
0x4f: {  	_ =	shalt  }
0x50: {  	_ =	shalt  }
0x51: {  	_ =	shalt  }
0x52: {  	_ =	shalt  }
0x53: {  	_ =	shalt  }
0x54: {  	_ =	shalt  }
0x55: {  	_ =	shalt  }
0x56: {  	_ =	shalt  }
0x57: {  	_ =	shalt  }
0x58: {  	_ =	shalt  }
0x59: {  	_ =	shalt  }
0x5a: {  	_ =	shalt  }
0x5b: {  	_ =	shalt  }
0x5c: {  	_ =	shalt  }
0x5d: {  	_ =	shalt  }
0x5e: {  	_ =	shalt  }
0x5f: {  	_ =	shalt  }
0x60: {  	_ =	shalt  }
0x61: {  	_ =	shalt  }
0x62: {  	_ =	shalt  }
0x63: {  	_ =	shalt  }
0x64: {  	_ =	shalt  }
0x65: {  	_ =	shalt  }
0x66: {  	_ =	shalt  }
0x67: {  	_ =	shalt  }
0x68: {  	_ =	shalt  }
0x69: {  	_ =	shalt  }
0x6a: {  	_ =	shalt  }
0x6b: {  	_ =	shalt  }
0x6c: {  	_ =	shalt  }
0x6d: {  	_ =	shalt  }
0x6e: {  	_ =	shalt  }
0x6f: {  	_ =	shalt  }
0x70: {  	_ =	shalt  }
0x71: {  	_ =	shalt  }
0x72: {  	_ =	shalt  }
0x73: {  	_ =	shalt  }
0x74: {  	_ =	shalt  }
0x75: {  	_ =	shalt  }
0x76: {  	_ =	shalt  }
0x77: {  	_ =	shalt  }
0x78: {  	_ =	shalt  }
0x79: {  	_ =	shalt  }
0x7a: {  	_ =	shalt  }
0x7b: {  	_ =	shalt  }
0x7c: {  	_ =	shalt  }
0x7d: {  	_ =	shalt  }
0x7e: {  	_ =	shalt  }
0x7f: {  	_ =	shalt  }
0x80: {  	_ =	shalt  }
0x81: {  	_ =	shalt  }
0x82: {  	_ =	shalt  }
0x83: {  	_ =	shalt  }
0x84: {  	_ =	shalt  }
0x85: {  	_ =	shalt  }
0x86: {  	_ =	shalt  }
0x87: {  	_ =	shalt  }
.Lfunc_end0:
.L_simem_size_0:
called_computation_lowered:
.L_overlay_start_0:
0x88: {  	s2 =	sld [smem:$0x3FD9]  }
0x89: {  	s3 =	sld [smem:$0x3FFE];
	_ =	sdelay $0x1  }
0x8a: {  	s1 =	srdreg.scid  }
0x8b: {  	s0 =	sand.u32 $0x1, s1  }
0x8c: {  	s20 =	sshll.u32 s0, $0xA;
	s2 =	sadd.s32 s3, s2  }
0x8d: {  	s2 =	sadd.s32 s2, s20  }
0x8e: {  	[smem:$0x3FC6] =	sst s2  }
0x8f: {  	_ = 	snop  }
0x90: {  	s21 =	sld [smem:$0x3FD0];
	_ =	sdelay $0x2  }
0x91: {  	s4 =	simm.s32 $0x11;
	s2 =	simm.s32 $0x10;
	s5 =	sld [smem:$0x3FC8]  }
0x92: {  	[smem:s2], [sflag:s4] =	dma.local [hbm:s21], $0x1  }
0x93: {  	_ =	swait.eq [sflag:s4], $0x1  }
0x94: {  	[sflag:s4] =	ssyncset.done $0x0  }
0x95: {  	[sflag:s4] =	ssyncadd.s32 $0xFFFFFFFF  }
0x96: {  	s4 =	simm.s32 $0x0;
	s3 =	sld [smem:$0x11]  }
0x97: {  	[smem:$0xF] =	sst s4  }
0x98: {  	(tm) =	ssettm $0x1  }
0x99: {  	s6 =	sld [smem:$0x3FFB];
	_ =	sdelay $0x3  }
0x9a: {  	_ =	strace s6  }
0x9b: {  	s6 =	sld [smem:$0x3FFC];
	_ =	sdelay $0x3  }
0x9c: {  	_ =	strace s6  }
0x9d: {  	s6 =	sld [smem:$0x3FFD];
	_ =	sdelay $0x3  }
0x9e: {  	_ =	strace s6  }
0x9f: {  	s22 =	simm.s32 $0x1B8B;
	_ =	strace $0x8FFFFFFF  }
0xa0: {  	_ =	swait.ge [sflag:s22], $0x1  }
0xa1: {  	[sflag:s22] =	ssyncset.done $0x0  }
0xa2: {  	s23 =	simm.s32 $0x1B8E;
	s7 =	smul.u32 $0x61A80, s0;
	[sflag:s22] =	ssyncadd.s32 $0xFFFFFFFF  }
0xa3: {  	s15 =	simm.s32 $0xA;
	s9 =	smul.u32 $0x30D400, s0;
	[smem:$0x3FD2] =	sst s23  }
0xa4: {  	s8 =	sadd.s32 s7, s5;
	s6 =	simm.s32 $0x9;
	_ =	strace $0x80000046  }
0xa5: {  	[spmem:s4], [sflag:s6] =	dma.local [hbm:s8], $0x3E80  }
0xa6: {  	s14 =	simm.s32 $0x3E80;
	s11 =	simm.s32 $0xB;
	s8 =	sshrl.u32 s9, $0x3  }
0xa7: {  	s9 =	simm.s32 $0x7D00;
	s13 =	sadd.s32 $0x3E80, s8;
	s16 =	sadd.s32 $0x7D00, s8  }
0xa8: {  	s17 =	sadd.s32 $0xBB80, s8;
	s24 =	sadd.s32 s13, s5;
	s10 =	sadd.s32 s16, s5  }
0xa9: {  	[spmem:s14], [sflag:s15] =	dma.local [hbm:s24], $0x3E80  }
0xaa: {  	[spmem:s9], [sflag:s11] =	dma.local [hbm:s10], $0x3E80  }
0xab: {  	s12 =	simm.s32 $0xC;
	s18 =	sadd.s32 s17, s5;
	s10 =	simm.s32 $0xBB80  }
0xac: {  	[spmem:s10], [sflag:s12] =	dma.local [hbm:s18], $0x3E80  }
0xad: {  	_ =	swait.ge [sflag:s6], $0x3E80  }
0xae: {  	[sflag:s6] =	ssyncset.done $0x0  }
0xaf: {  	[sflag:s6] =	ssyncadd.s32 $0xFFFFC180  }
0xb0: {  	s25 =	sadd.s32 s7, s3;
	s7 =	simm.s32 $0xD  }
0xb1: {  	[hbm:s25], [sflag:s7] =	dma.local [spmem:s4], $0x3E80  }
0xb2: {  	_ =	swait.ge [sflag:s15], $0x3E80  }
0xb3: {  	[sflag:s15] =	ssyncset.done $0x0  }
0xb4: {  	[sflag:s15] =	ssyncadd.s32 $0xFFFFC180  }
0xb5: {  	s26 =	sadd.s32 s13, s3;
	s13 =	simm.s32 $0xE  }
0xb6: {  	[hbm:s26], [sflag:s13] =	dma.local [spmem:s14], $0x3E80  }
0xb7: {  	_ =	swait.ge [sflag:s7], $0x3E80  }
0xb8: {  	[sflag:s7] =	ssyncset.done $0x0  }
0xb9: {  	s28 =	sadd.s32 $0xFA00, s8;
	[sflag:s7] =	ssyncadd.s32 $0xFFFFC180  }
0xba: {  	s19 =	sadd.s32 s28, s5  }
0xbb: {  	[spmem:s4], [sflag:s6] =	dma.local [hbm:s19], $0x3E80  }
0xbc: {  	_ =	swait.ge [sflag:s11], $0x3E80  }
0xbd: {  	[sflag:s11] =	ssyncset.done $0x0  }
0xbe: {  	[sflag:s11] =	ssyncadd.s32 $0xFFFFC180  }
0xbf: {  	s29 =	sadd.s32 s16, s3;
	s16 =	simm.s32 $0xF  }
0xc0: {  	[hbm:s29], [sflag:s16] =	dma.local [spmem:s9], $0x3E80  }
0xc1: {  	_ =	swait.ge [sflag:s13], $0x3E80  }
0xc2: {  	[sflag:s13] =	ssyncset.done $0x0  }
0xc3: {  	s30 =	sadd.s32 $0x13880, s8;
	[sflag:s13] =	ssyncadd.s32 $0xFFFFC180  }
0xc4: {  	s20 =	sadd.s32 s30, s5  }
0xc5: {  	[spmem:s14], [sflag:s15] =	dma.local [hbm:s20], $0x3E80  }
0xc6: {  	_ =	swait.ge [sflag:s12], $0x3E80  }
0xc7: {  	[sflag:s12] =	ssyncset.done $0x0  }
0xc8: {  	[sflag:s12] =	ssyncadd.s32 $0xFFFFC180  }
0xc9: {  	s17 =	sadd.s32 s17, s3  }
0xca: {  	[hbm:s17], [sflag:s2] =	dma.local [spmem:s10], $0x3E80  }
0xcb: {  	_ =	swait.ge [sflag:s16], $0x3E80  }
0xcc: {  	[sflag:s16] =	ssyncset.done $0x0  }
0xcd: {  	s31 =	sadd.s32 $0x17700, s8;
	[sflag:s16] =	ssyncadd.s32 $0xFFFFC180  }
0xce: {  	s21 =	sadd.s32 s31, s5  }
0xcf: {  	[spmem:s9], [sflag:s11] =	dma.local [hbm:s21], $0x3E80  }
0xd0: {  	_ =	swait.ge [sflag:s6], $0x3E80  }
0xd1: {  	[sflag:s6] =	ssyncset.done $0x0  }
0xd2: {  	[sflag:s6] =	ssyncadd.s32 $0xFFFFC180  }
0xd3: {  	s18 =	sadd.s32 s28, s3  }
0xd4: {  	[hbm:s18], [sflag:s7] =	dma.local [spmem:s4], $0x3E80  }
0xd5: {  	_ =	swait.ge [sflag:s2], $0x3E80  }
0xd6: {  	[sflag:s2] =	ssyncset.done $0x0  }
0xd7: {  	s22 =	sadd.s32 $0x1B580, s8;
	[sflag:s2] =	ssyncadd.s32 $0xFFFFC180  }
0xd8: {  	s23 =	sadd.s32 s22, s5  }
0xd9: {  	[spmem:s10], [sflag:s12] =	dma.local [hbm:s23], $0x3E80  }
0xda: {  	_ =	swait.ge [sflag:s15], $0x3E80  }
0xdb: {  	[sflag:s15] =	ssyncset.done $0x0  }
0xdc: {  	[sflag:s15] =	ssyncadd.s32 $0xFFFFC180  }
0xdd: {  	s19 =	sadd.s32 s30, s3  }
0xde: {  	[hbm:s19], [sflag:s13] =	dma.local [spmem:s14], $0x3E80  }
0xdf: {  	_ =	swait.ge [sflag:s7], $0x3E80  }
0xe0: {  	[sflag:s7] =	ssyncset.done $0x0  }
0xe1: {  	s24 =	sadd.s32 $0x1F400, s8;
	[sflag:s7] =	ssyncadd.s32 $0xFFFFC180  }
0xe2: {  	s25 =	sadd.s32 s24, s5  }
0xe3: {  	[spmem:s4], [sflag:s6] =	dma.local [hbm:s25], $0x3E80  }
0xe4: {  	_ =	swait.ge [sflag:s11], $0x3E80  }
0xe5: {  	[sflag:s11] =	ssyncset.done $0x0  }
0xe6: {  	[sflag:s11] =	ssyncadd.s32 $0xFFFFC180  }
0xe7: {  	s17 =	sadd.s32 s31, s3  }
0xe8: {  	[hbm:s17], [sflag:s16] =	dma.local [spmem:s9], $0x3E80  }
0xe9: {  	_ =	swait.ge [sflag:s13], $0x3E80  }
0xea: {  	[sflag:s13] =	ssyncset.done $0x0  }
0xeb: {  	s26 =	sadd.s32 $0x23280, s8;
	[sflag:s13] =	ssyncadd.s32 $0xFFFFC180  }
0xec: {  	s28 =	sadd.s32 s26, s5  }
0xed: {  	[spmem:s14], [sflag:s15] =	dma.local [hbm:s28], $0x3E80  }
0xee: {  	_ =	swait.ge [sflag:s12], $0x3E80  }
0xef: {  	[sflag:s12] =	ssyncset.done $0x0  }
0xf0: {  	[sflag:s12] =	ssyncadd.s32 $0xFFFFC180  }
0xf1: {  	s18 =	sadd.s32 s22, s3  }
0xf2: {  	[hbm:s18], [sflag:s2] =	dma.local [spmem:s10], $0x3E80  }
0xf3: {  	_ =	swait.ge [sflag:s16], $0x3E80  }
0xf4: {  	[sflag:s16] =	ssyncset.done $0x0  }
0xf5: {  	s29 =	sadd.s32 $0x27100, s8;
	[sflag:s16] =	ssyncadd.s32 $0xFFFFC180  }
0xf6: {  	s30 =	sadd.s32 s29, s5  }
0xf7: {  	[spmem:s9], [sflag:s11] =	dma.local [hbm:s30], $0x3E80  }
0xf8: {  	_ =	swait.ge [sflag:s6], $0x3E80  }
0xf9: {  	[sflag:s6] =	ssyncset.done $0x0  }
0xfa: {  	[sflag:s6] =	ssyncadd.s32 $0xFFFFC180  }
0xfb: {  	s19 =	sadd.s32 s24, s3  }
0xfc: {  	[hbm:s19], [sflag:s7] =	dma.local [spmem:s4], $0x3E80  }
0xfd: {  	_ =	swait.ge [sflag:s2], $0x3E80  }
0xfe: {  	[sflag:s2] =	ssyncset.done $0x0  }
0xff: {  	s31 =	sadd.s32 $0x2AF80, s8;
	[sflag:s2] =	ssyncadd.s32 $0xFFFFC180  }
0x100: {  	s21 =	sadd.s32 s31, s5  }
0x101: {  	[spmem:s10], [sflag:s12] =	dma.local [hbm:s21], $0x3E80  }
0x102: {  	_ =	swait.ge [sflag:s15], $0x3E80  }
0x103: {  	[sflag:s15] =	ssyncset.done $0x0  }
0x104: {  	[sflag:s15] =	ssyncadd.s32 $0xFFFFC180  }
0x105: {  	s17 =	sadd.s32 s26, s3  }
0x106: {  	[hbm:s17], [sflag:s13] =	dma.local [spmem:s14], $0x3E80  }
0x107: {  	_ =	swait.ge [sflag:s7], $0x3E80  }
0x108: {  	[sflag:s7] =	ssyncset.done $0x0  }
0x109: {  	s22 =	sadd.s32 $0x2EE00, s8;
	[sflag:s7] =	ssyncadd.s32 $0xFFFFC180  }
0x10a: {  	s23 =	sadd.s32 s22, s5  }
0x10b: {  	[spmem:s4], [sflag:s6] =	dma.local [hbm:s23], $0x3E80  }
0x10c: {  	_ =	swait.ge [sflag:s11], $0x3E80  }
0x10d: {  	[sflag:s11] =	ssyncset.done $0x0  }
0x10e: {  	[sflag:s11] =	ssyncadd.s32 $0xFFFFC180  }
0x10f: {  	s18 =	sadd.s32 s29, s3  }
0x110: {  	[hbm:s18], [sflag:s16] =	dma.local [spmem:s9], $0x3E80  }
0x111: {  	_ =	swait.ge [sflag:s13], $0x3E80  }
0x112: {  	[sflag:s13] =	ssyncset.done $0x0  }
0x113: {  	s24 =	sadd.s32 $0x32C80, s8;
	[sflag:s13] =	ssyncadd.s32 $0xFFFFC180  }
0x114: {  	s25 =	sadd.s32 s24, s5  }
0x115: {  	[spmem:s14], [sflag:s15] =	dma.local [hbm:s25], $0x3E80  }
0x116: {  	_ =	swait.ge [sflag:s12], $0x3E80  }
0x117: {  	[sflag:s12] =	ssyncset.done $0x0  }
0x118: {  	[sflag:s12] =	ssyncadd.s32 $0xFFFFC180  }
0x119: {  	s19 =	sadd.s32 s31, s3  }
0x11a: {  	[hbm:s19], [sflag:s2] =	dma.local [spmem:s10], $0x3E80  }
0x11b: {  	_ =	swait.ge [sflag:s16], $0x3E80  }
0x11c: {  	[sflag:s16] =	ssyncset.done $0x0  }
0x11d: {  	s26 =	sadd.s32 $0x36B00, s8;
	[sflag:s16] =	ssyncadd.s32 $0xFFFFC180  }
0x11e: {  	s28 =	sadd.s32 s26, s5  }
0x11f: {  	[spmem:s9], [sflag:s11] =	dma.local [hbm:s28], $0x3E80  }
0x120: {  	_ =	swait.ge [sflag:s6], $0x3E80  }
0x121: {  	[sflag:s6] =	ssyncset.done $0x0  }
0x122: {  	[sflag:s6] =	ssyncadd.s32 $0xFFFFC180  }
0x123: {  	s17 =	sadd.s32 s22, s3  }
0x124: {  	[hbm:s17], [sflag:s7] =	dma.local [spmem:s4], $0x3E80  }
0x125: {  	_ =	swait.ge [sflag:s2], $0x3E80  }
0x126: {  	[sflag:s2] =	ssyncset.done $0x0  }
0x127: {  	s29 =	sadd.s32 $0x3A980, s8;
	[sflag:s2] =	ssyncadd.s32 $0xFFFFC180  }
0x128: {  	s30 =	sadd.s32 s29, s5  }
0x129: {  	[spmem:s10], [sflag:s12] =	dma.local [hbm:s30], $0x3E80  }
0x12a: {  	_ =	swait.ge [sflag:s15], $0x3E80  }
0x12b: {  	[sflag:s15] =	ssyncset.done $0x0  }
0x12c: {  	[sflag:s15] =	ssyncadd.s32 $0xFFFFC180  }
0x12d: {  	s18 =	sadd.s32 s24, s3  }
0x12e: {  	[hbm:s18], [sflag:s13] =	dma.local [spmem:s14], $0x3E80  }
0x12f: {  	_ =	swait.ge [sflag:s7], $0x3E80  }
0x130: {  	[sflag:s7] =	ssyncset.done $0x0  }
0x131: {  	s31 =	sadd.s32 $0x3E800, s8;
	[sflag:s7] =	ssyncadd.s32 $0xFFFFC180  }
0x132: {  	s21 =	sadd.s32 s31, s5  }
0x133: {  	[spmem:s4], [sflag:s6] =	dma.local [hbm:s21], $0x3E80  }
0x134: {  	_ =	swait.ge [sflag:s11], $0x3E80  }
0x135: {  	[sflag:s11] =	ssyncset.done $0x0  }
0x136: {  	[sflag:s11] =	ssyncadd.s32 $0xFFFFC180  }
0x137: {  	s19 =	sadd.s32 s26, s3  }
0x138: {  	[hbm:s19], [sflag:s16] =	dma.local [spmem:s9], $0x3E80  }
0x139: {  	_ =	swait.ge [sflag:s13], $0x3E80  }
0x13a: {  	[sflag:s13] =	ssyncset.done $0x0  }
0x13b: {  	s22 =	sadd.s32 $0x42680, s8;
	[sflag:s13] =	ssyncadd.s32 $0xFFFFC180  }
0x13c: {  	s23 =	sadd.s32 s22, s5  }
0x13d: {  	[spmem:s14], [sflag:s15] =	dma.local [hbm:s23], $0x3E80  }
0x13e: {  	_ =	swait.ge [sflag:s12], $0x3E80  }
0x13f: {  	[sflag:s12] =	ssyncset.done $0x0  }
0x140: {  	[sflag:s12] =	ssyncadd.s32 $0xFFFFC180  }
0x141: {  	s17 =	sadd.s32 s29, s3  }
0x142: {  	[hbm:s17], [sflag:s2] =	dma.local [spmem:s10], $0x3E80  }
0x143: {  	_ =	swait.ge [sflag:s16], $0x3E80  }
0x144: {  	[sflag:s16] =	ssyncset.done $0x0  }
0x145: {  	s24 =	sadd.s32 $0x46500, s8;
	[sflag:s16] =	ssyncadd.s32 $0xFFFFC180  }
0x146: {  	s25 =	sadd.s32 s24, s5  }
0x147: {  	[spmem:s9], [sflag:s11] =	dma.local [hbm:s25], $0x3E80  }
0x148: {  	_ =	swait.ge [sflag:s6], $0x3E80  }
0x149: {  	[sflag:s6] =	ssyncset.done $0x0  }
0x14a: {  	[sflag:s6] =	ssyncadd.s32 $0xFFFFC180  }
0x14b: {  	s18 =	sadd.s32 s31, s3  }
0x14c: {  	[hbm:s18], [sflag:s7] =	dma.local [spmem:s4], $0x3E80  }
0x14d: {  	_ =	swait.ge [sflag:s2], $0x3E80  }
0x14e: {  	[sflag:s2] =	ssyncset.done $0x0  }
0x14f: {  	s26 =	sadd.s32 $0x4A380, s8;
	[sflag:s2] =	ssyncadd.s32 $0xFFFFC180  }
0x150: {  	s28 =	sadd.s32 s26, s5  }
0x151: {  	[spmem:s10], [sflag:s12] =	dma.local [hbm:s28], $0x3E80  }
0x152: {  	_ =	swait.ge [sflag:s15], $0x3E80  }
0x153: {  	[sflag:s15] =	ssyncset.done $0x0  }
0x154: {  	[sflag:s15] =	ssyncadd.s32 $0xFFFFC180  }
0x155: {  	s19 =	sadd.s32 s22, s3  }
0x156: {  	[hbm:s19], [sflag:s13] =	dma.local [spmem:s14], $0x3E80  }
0x157: {  	_ =	swait.ge [sflag:s7], $0x3E80  }
0x158: {  	[sflag:s7] =	ssyncset.done $0x0  }
0x159: {  	s29 =	sadd.s32 $0x4E200, s8;
	[sflag:s7] =	ssyncadd.s32 $0xFFFFC180  }
0x15a: {  	s30 =	sadd.s32 s29, s5  }
0x15b: {  	[spmem:s4], [sflag:s6] =	dma.local [hbm:s30], $0x3E80  }
0x15c: {  	_ =	swait.ge [sflag:s11], $0x3E80  }
0x15d: {  	[sflag:s11] =	ssyncset.done $0x0  }
0x15e: {  	[sflag:s11] =	ssyncadd.s32 $0xFFFFC180  }
0x15f: {  	s17 =	sadd.s32 s24, s3  }
0x160: {  	[hbm:s17], [sflag:s16] =	dma.local [spmem:s9], $0x3E80  }
0x161: {  	_ =	swait.ge [sflag:s13], $0x3E80  }
0x162: {  	[sflag:s13] =	ssyncset.done $0x0  }
0x163: {  	s31 =	sadd.s32 $0x52080, s8;
	[sflag:s13] =	ssyncadd.s32 $0xFFFFC180  }
0x164: {  	s21 =	sadd.s32 s31, s5  }
0x165: {  	[spmem:s14], [sflag:s15] =	dma.local [hbm:s21], $0x3E80  }
0x166: {  	_ =	swait.ge [sflag:s12], $0x3E80  }
0x167: {  	[sflag:s12] =	ssyncset.done $0x0  }
0x168: {  	[sflag:s12] =	ssyncadd.s32 $0xFFFFC180  }
0x169: {  	s18 =	sadd.s32 s26, s3  }
0x16a: {  	[hbm:s18], [sflag:s2] =	dma.local [spmem:s10], $0x3E80  }
0x16b: {  	_ =	swait.ge [sflag:s16], $0x3E80  }
0x16c: {  	[sflag:s16] =	ssyncset.done $0x0  }
0x16d: {  	s22 =	sadd.s32 $0x55F00, s8;
	[sflag:s16] =	ssyncadd.s32 $0xFFFFC180  }
0x16e: {  	s23 =	sadd.s32 s22, s5  }
0x16f: {  	[spmem:s9], [sflag:s11] =	dma.local [hbm:s23], $0x3E80  }
0x170: {  	_ =	swait.ge [sflag:s6], $0x3E80  }
0x171: {  	[sflag:s6] =	ssyncset.done $0x0  }
0x172: {  	[sflag:s6] =	ssyncadd.s32 $0xFFFFC180  }
0x173: {  	s19 =	sadd.s32 s29, s3  }
0x174: {  	[hbm:s19], [sflag:s7] =	dma.local [spmem:s4], $0x3E80  }
0x175: {  	_ =	swait.ge [sflag:s2], $0x3E80  }
0x176: {  	[sflag:s2] =	ssyncset.done $0x0  }
0x177: {  	s24 =	sadd.s32 $0x59D80, s8;
	[sflag:s2] =	ssyncadd.s32 $0xFFFFC180  }
0x178: {  	s25 =	sadd.s32 s24, s5  }
0x179: {  	[spmem:s10], [sflag:s12] =	dma.local [hbm:s25], $0x3E80  }
0x17a: {  	_ =	swait.ge [sflag:s15], $0x3E80  }
0x17b: {  	[sflag:s15] =	ssyncset.done $0x0  }
0x17c: {  	[sflag:s15] =	ssyncadd.s32 $0xFFFFC180  }
0x17d: {  	s26 =	sadd.s32 s31, s3  }
0x17e: {  	[hbm:s26], [sflag:s13] =	dma.local [spmem:s14], $0x3E80  }
0x17f: {  	_ =	swait.ge [sflag:s7], $0x3E80  }
0x180: {  	[sflag:s7] =	ssyncset.done $0x0  }
0x181: {  	s8 =	sadd.s32 $0x5DC00, s8;
	[sflag:s7] =	ssyncadd.s32 $0xFFFFC180  }
0x182: {  	s5 =	sadd.s32 s8, s5  }
0x183: {  	[spmem:s4], [sflag:s6] =	dma.local [hbm:s5], $0x3E80  }
0x184: {  	_ =	swait.ge [sflag:s11], $0x3E80  }
0x185: {  	[sflag:s11] =	ssyncset.done $0x0  }
0x186: {  	[sflag:s11] =	ssyncadd.s32 $0xFFFFC180  }
0x187: {  	s28 =	sadd.s32 s22, s3  }
0x188: {  	[hbm:s28], [sflag:s16] =	dma.local [spmem:s9], $0x3E80  }
0x189: {  	_ =	swait.ge [sflag:s12], $0x3E80  }
0x18a: {  	[sflag:s12] =	ssyncset.done $0x0  }
0x18b: {  	[sflag:s12] =	ssyncadd.s32 $0xFFFFC180  }
0x18c: {  	s29 =	sadd.s32 s24, s3  }
0x18d: {  	[hbm:s29], [sflag:s2] =	dma.local [spmem:s10], $0x3E80  }
0x18e: {  	_ =	swait.ge [sflag:s6], $0x3E80  }
0x18f: {  	[sflag:s6] =	ssyncset.done $0x0  }
0x190: {  	[sflag:s6] =	ssyncadd.s32 $0xFFFFC180  }
0x191: {  	s3 =	sadd.s32 s8, s3  }
0x192: {  	[hbm:s3], [sflag:s7] =	dma.local [spmem:s4], $0x3E80  }
0x193: {  	_ =	swait.ge [sflag:s13], $0x3E80  }
0x194: {  	[sflag:s13] =	ssyncset.done $0x0  }
0x195: {  	[sflag:s13] =	ssyncadd.s32 $0xFFFFC180;
	_ =	sdelay $0x2  }
0x196: {  	_ =	swait.ge [sflag:s16], $0x3E80  }
0x197: {  	[sflag:s16] =	ssyncset.done $0x0  }
0x198: {  	[sflag:s16] =	ssyncadd.s32 $0xFFFFC180;
	_ =	sdelay $0x2  }
0x199: {  	_ =	swait.ge [sflag:s2], $0x3E80  }
0x19a: {  	[sflag:s2] =	ssyncset.done $0x0  }
0x19b: {  	[sflag:s2] =	ssyncadd.s32 $0xFFFFC180;
	_ =	sdelay $0x2  }
0x19c: {  	_ =	swait.ge [sflag:s7], $0x3E80  }
0x19d: {  	[sflag:s7] =	ssyncset.done $0x0  }
0x19e: {  	[sflag:s7] =	ssyncadd.s32 $0xFFFFC180  }
0x19f: {  	_ =	strace $0x90000046  }
0x1a0: {  	_ =	sfence  }
0x1a1: {  	s30 =	sld [smem:$0x0];
	_ =	sdelay $0x2  }
0x1a2: {  	s31 =	sshll.u32 s1, $0xD;
	s1 =	sshrl.u32 s1, $0x2  }
0x1a3: {  	s3 =	sand.u32 $0x4000, s31;
	s1 =	sadd.s32 s1, s30  }
0x1a4: {  	s0 =	sor.u32 s3, s0;
	s1 =	sshll.u32 s1, $0x11  }
0x1a5: {  	s0 =	sor.u32 s1, s0  }
0x1a6: {  	s0 =	sadd.s32 $0x8F2B, s0;
	(pc) =	sbr.abs _section_cstart, $3  }
0x1a7: {  	[sflag:s0] =	ssyncadd.remote.s32 $0x1  }
0x1a8: {  	_ =	strace $0x9FFFFFFF  }
0x1a9: {  	(tm) =	ssettm $0x7FFFFFFF  }

</sc_bundles>
